<compile_context>
chip_gen: v7x
topology: tpu7x:2x2x1
jax: 0.10.2.dev20260603
libtpu: 0.0.44.dev20260713+nightly
codegen_flags: <defaults>
</compile_context>

<pallas_src>
import jax
import jax.numpy as jnp
from jax import lax
from jax.experimental import pallas as pl
from jax.experimental.pallas import tpu as pltpu
from jax.experimental.pallas import tpu_sc as plsc

_NUM_CLASSES = 1000000
_FEAT_DIM = 64
_BATCH = 16384
_LAMBDA_C = 1.0

_NC = 2
_NS = 16
_NW = _NC * _NS
_ROWS_W = _BATCH // _NW
_CHUNK = 128
_NCHUNK = _ROWS_W // _CHUNK
_LANES = 16
_GROUPS = _FEAT_DIM // _LANES


def _cl_body(feat_hbm, lab_hbm, cent_hbm, out_hbm,
             lab_v, feat_a, feat_b, rows_v, acc_v,
             semf, sem0, sem1, sem2, sem3):
    wid = lax.axis_index("s") * _NC + lax.axis_index("c")
    base = wid * _ROWS_W
    row_sems = [sem0, sem1, sem2, sem3]
    fbufs = [feat_a, feat_b]

    pltpu.sync_copy(lab_hbm.at[pl.ds(base, _ROWS_W)], lab_v)

    fcps = [pltpu.async_copy(feat_hbm.at[pl.ds(base, _CHUNK), :],
                             feat_a, semf)]

    for c in range(_NCHUNK):
        def issue(g, carry, c=c):
            vec = lab_v[pl.ds(c * _CHUNK + g * _LANES, _LANES)]
            for l in range(_LANES):
                r = vec[l]
                pltpu.async_copy(
                    cent_hbm.at[pl.ds(r, 1), :],
                    rows_v.at[pl.ds(c * _CHUNK + g * _LANES + l, 1), :],
                    row_sems[c])
            return carry
        lax.fori_loop(0, _CHUNK // _LANES, issue, 0)

    acc = jnp.zeros((_LANES,), jnp.float32)
    for c in range(_NCHUNK):
        if c + 1 < _NCHUNK:
            fcps.append(
                pltpu.async_copy(
                    feat_hbm.at[pl.ds(base + (c + 1) * _CHUNK, _CHUNK), :],
                    fbufs[(c + 1) % 2], semf))
        fcps[c].wait()
        pltpu.make_async_copy(cent_hbm.at[pl.ds(0, _CHUNK), :],
                              rows_v.at[pl.ds(c * _CHUNK, _CHUNK), :],
                              row_sems[c]).wait()

        fbuf = fbufs[c % 2]

        def row_step(i, acc, c=c, fbuf=fbuf):
            for j in range(_GROUPS):
                f = fbuf[i, pl.ds(j * _LANES, _LANES)]
                ce = rows_v[c * _CHUNK + i, pl.ds(j * _LANES, _LANES)]
                d = f - ce
                acc = acc + d * d
            return acc

        acc = lax.fori_loop(0, _CHUNK, row_step, acc)

    acc_v[...] = acc * (_LAMBDA_C / float(_BATCH * _FEAT_DIM))
    pltpu.sync_copy(acc_v, out_hbm.at[wid])


@jax.jit
def kernel(features, labels, centers):
    mesh = plsc.VectorSubcoreMesh(core_axis_name="c", subcore_axis_name="s")
    partials = pl.kernel(
        _cl_body,
        mesh=mesh,
        out_type=jax.ShapeDtypeStruct((_NW, _LANES), jnp.float32),
        scratch_types=[
            pltpu.VMEM((_ROWS_W,), jnp.int32),
            pltpu.VMEM((_CHUNK, _FEAT_DIM), jnp.float32),
            pltpu.VMEM((_CHUNK, _FEAT_DIM), jnp.float32),
            pltpu.VMEM((_ROWS_W, _FEAT_DIM), jnp.float32),
            pltpu.VMEM((_LANES,), jnp.float32),
            pltpu.SemaphoreType.DMA,
            pltpu.SemaphoreType.DMA,
            pltpu.SemaphoreType.DMA,
            pltpu.SemaphoreType.DMA,
            pltpu.SemaphoreType.DMA,
        ],
    )(features, labels.astype(jnp.int32), centers)
    return jnp.sum(partials)

# --- scband reference (transcript-rebuilt; emitter-appended) ---
"""Pipeline reference for scband-center-loss-52527450030753 (READ-ONLY COPY).

The authoritative reference and input builder live on the scoring server;
editing this copy changes nothing except your own understanding.
"""

import jax, jax.numpy as jnp
import numpy as np

NUM_CLASSES = 1000000
FEAT_DIM = 64
BATCH = 16384
LAMBDA_C = 1.0


def setup_inputs(seed: int = 0) -> dict:
    key = jax.random.key(seed)
    k1, k2, k3 = jax.random.split(key, 3)
    features = jax.random.normal(k1, (BATCH, FEAT_DIM), dtype=jnp.float32)
    labels = jax.random.randint(k2, (BATCH,), 0, NUM_CLASSES, dtype=jnp.int64 if jax.config.jax_enable_x64 else jnp.int32).astype(jnp.int32)
    centers = jax.random.normal(k3, (NUM_CLASSES, FEAT_DIM), dtype=jnp.float32)
    return {"features": features, "labels": labels, "centers": centers}


def reference(features, labels, centers):
    # expanded_centers = centers.index_select(0, labels)
    expanded_centers = jnp.take(centers, labels, axis=0)
    # F.mse_loss with default 'mean' reduction
    loss = jnp.mean((features - expanded_centers) ** 2)
    return LAMBDA_C * loss

if __name__ == "__main__":
    import jax
    _d = setup_inputs()
    print(jax.jit(kernel)(*tuple(_d.values())))

</pallas_src>

<mosaic_0001>
#map = affine_map<(d0, d1) -> (0, 0)>
#map1 = affine_map<(d0, d1) -> (0)>
module attributes {stable_mosaic.version = 14 : i64} {
  func.func @_cl_body(%arg0: i32, %arg1: i32, %arg2: memref<16384x64xf32, #tpu.memory_space<hbm>>, %arg3: memref<16384xi32, #tpu.memory_space<hbm>>, %arg4: memref<1000000x64xf32, #tpu.memory_space<hbm>>, %arg5: memref<32x16xf32, #tpu.memory_space<hbm>>, %arg6: memref<512xi32, #tpu.memory_space<vmem>>, %arg7: memref<128x64xf32, #tpu.memory_space<vmem>>, %arg8: memref<128x64xf32, #tpu.memory_space<vmem>>, %arg9: memref<512x64xf32, #tpu.memory_space<vmem>>, %arg10: memref<16xf32, #tpu.memory_space<vmem>>, %arg11: memref<!tpu.dma_semaphore, #tpu.memory_space<semaphore_mem>>, %arg12: memref<!tpu.dma_semaphore, #tpu.memory_space<semaphore_mem>>, %arg13: memref<!tpu.dma_semaphore, #tpu.memory_space<semaphore_mem>>, %arg14: memref<!tpu.dma_semaphore, #tpu.memory_space<semaphore_mem>>, %arg15: memref<!tpu.dma_semaphore, #tpu.memory_space<semaphore_mem>>) attributes {dimension_semantics = [#tpu.dimension_semantics<core_parallel>, #tpu.dimension_semantics<subcore_parallel>], iteration_bounds = array<i64: 2, 16>, scalar_prefetch = 0 : i64, scratch_operands = 10 : i64, tpu.core_type = #tpu.core_type<sc_vector_subcore>, window_params = [{transform_indices = #map}, {transform_indices = #map1}, {transform_indices = #map}, {transform_indices = #map}]} {
    %mul3A = arith.constant 2 : i32
    %mul3A_0 = arith.muli %arg1, %mul3A : i32
    %add3A = arith.addi %mul3A_0, %arg0 : i32
    %mul3A_1 = arith.constant 512 : i32
    %mul3A_2 = arith.muli %add3A, %mul3A_1 : i32
    "tpu.region"() ({
      %run_scoped3A = tpu.sem_alloc : memref<!tpu.dma_semaphore, #tpu.memory_space<semaphore_mem>>
      %dma_start3A_141 = tpu.memref_slice %arg3[%mul3A_2] : memref<16384xi32, #tpu.memory_space<hbm>> -> memref<512xi32, #tpu.memory_space<hbm>>
      %dma_start3A_142 = tpu.memref_slice %arg3[%mul3A_2] : memref<16384xi32, #tpu.memory_space<hbm>> -> memref<512xi32, #tpu.memory_space<hbm>>
      tpu.enqueue_dma source(%dma_start3A_142 : memref<512xi32, #tpu.memory_space<hbm>>) target(%arg6 : memref<512xi32, #tpu.memory_space<vmem>>) target_semaphore(%run_scoped3A : memref<!tpu.dma_semaphore, #tpu.memory_space<semaphore_mem>>)
      %dma_wait3A_143 = tpu.memref_slice %arg3[%mul3A_2] : memref<16384xi32, #tpu.memory_space<hbm>> -> memref<512xi32, #tpu.memory_space<hbm>>
      %dma_wait3A_144 = tpu.memref_slice %arg3[%mul3A_2] : memref<16384xi32, #tpu.memory_space<hbm>> -> memref<512xi32, #tpu.memory_space<hbm>>
      tpu.wait_dma2 semaphore(%run_scoped3A : memref<!tpu.dma_semaphore, #tpu.memory_space<semaphore_mem>>) src(%dma_wait3A_144 : memref<512xi32, #tpu.memory_space<hbm>>) dst(%arg6 : memref<512xi32, #tpu.memory_space<vmem>>)
      tpu.yield
    }) : () -> ()
    %dma_start3A = arith.constant 0 : i32
    %dma_start3A_3 = tpu.memref_slice %arg2[%mul3A_2, %dma_start3A] : memref<16384x64xf32, #tpu.memory_space<hbm>> -> memref<128x64xf32, #tpu.memory_space<hbm>>
    %dma_start3A_4 = arith.constant 0 : i32
    %dma_start3A_5 = tpu.memref_slice %arg2[%mul3A_2, %dma_start3A_4] : memref<16384x64xf32, #tpu.memory_space<hbm>> -> memref<128x64xf32, #tpu.memory_space<hbm>>
    tpu.enqueue_dma source(%dma_start3A_5 : memref<128x64xf32, #tpu.memory_space<hbm>>) target(%arg7 : memref<128x64xf32, #tpu.memory_space<vmem>>) target_semaphore(%arg11 : memref<!tpu.dma_semaphore, #tpu.memory_space<semaphore_mem>>)
    %scan3A = arith.constant 0 : i32
    %scan3A_6 = arith.constant 0 : i32
    %scan3A_7 = arith.constant 8 : i32
    %scan3A_8 = arith.addi %scan3A_6, %scan3A_7 : i32
    %scan3A_9 = arith.constant 1 : i32
    scf.for %scan3A_141 = %scan3A_6 to %scan3A_8 step %scan3A_9  : i32 {
      %mul3A_142 = arith.constant 16 : i32
      %mul3A_143 = arith.muli %scan3A_141, %mul3A_142 : i32
      %add3A_144 = arith.constant 0 : i32
      %add3A_145 = arith.addi %add3A_144, %mul3A_143 : i32
      %get3A = arith.index_cast %add3A_145 : i32 to index
      %get3A_146 = tpu.vector_load %arg6[%get3A] {strides = array<i32>} : memref<512xi32, #tpu.memory_space<vmem>>, vector<16xi32>,
      %get3A_147 = vector.shape_cast %get3A_146 : vector<16xi32> to vector<16xi32>
      %slice3A = vector.extract_strided_slice %get3A_147 {offsets = [0], sizes = [1], strides = [1]} : vector<16xi32> to vector<1xi32>
      %squeeze3A = vector.extract %slice3A[0] : i32 from vector<1xi32>
      %mul3A_148 = arith.constant 16 : i32
      %mul3A_149 = arith.muli %scan3A_141, %mul3A_148 : i32
      %add3A_150 = arith.constant 0 : i32
      %add3A_151 = arith.addi %add3A_150, %mul3A_149 : i32
      %add3A_152 = arith.constant 0 : i32
      %add3A_153 = arith.addi %add3A_151, %add3A_152 : i32
      %dma_start3A_154 = arith.constant 0 : i32
      %dma_start3A_155 = tpu.memref_slice %arg9[%add3A_153, %dma_start3A_154] : memref<512x64xf32, #tpu.memory_space<vmem>> -> memref<1x64xf32, #tpu.memory_space<vmem>>
      %dma_start3A_156 = arith.constant 0 : i32
      %dma_start3A_157 = tpu.memref_slice %arg4[%squeeze3A, %dma_start3A_156] : memref<1000000x64xf32, #tpu.memory_space<hbm>> -> memref<1x64xf32, #tpu.memory_space<hbm>>
      %dma_start3A_158 = arith.constant 0 : i32
      %dma_start3A_159 = tpu.memref_slice %arg9[%add3A_153, %dma_start3A_158] : memref<512x64xf32, #tpu.memory_space<vmem>> -> memref<1x64xf32, #tpu.memory_space<vmem>>
      %dma_start3A_160 = arith.constant 0 : i32
      %dma_start3A_161 = tpu.memref_slice %arg4[%squeeze3A, %dma_start3A_160] : memref<1000000x64xf32, #tpu.memory_space<hbm>> -> memref<1x64xf32, #tpu.memory_space<hbm>>
      tpu.enqueue_dma source(%dma_start3A_161 : memref<1x64xf32, #tpu.memory_space<hbm>>) target(%dma_start3A_159 : memref<1x64xf32, #tpu.memory_space<vmem>>) target_semaphore(%arg12 : memref<!tpu.dma_semaphore, #tpu.memory_space<semaphore_mem>>)
      %slice3A_162 = vector.extract_strided_slice %get3A_147 {offsets = [1], sizes = [1], strides = [1]} : vector<16xi32> to vector<1xi32>
      %squeeze3A_163 = vector.extract %slice3A_162[0] : i32 from vector<1xi32>
      %mul3A_164 = arith.constant 16 : i32
      %mul3A_165 = arith.muli %scan3A_141, %mul3A_164 : i32
      %add3A_166 = arith.constant 0 : i32
      %add3A_167 = arith.addi %add3A_166, %mul3A_165 : i32
      %add3A_168 = arith.constant 1 : i32
      %add3A_169 = arith.addi %add3A_167, %add3A_168 : i32
      %dma_start3A_170 = arith.constant 0 : i32
      %dma_start3A_171 = tpu.memref_slice %arg9[%add3A_169, %dma_start3A_170] : memref<512x64xf32, #tpu.memory_space<vmem>> -> memref<1x64xf32, #tpu.memory_space<vmem>>
      %dma_start3A_172 = arith.constant 0 : i32
      %dma_start3A_173 = tpu.memref_slice %arg4[%squeeze3A_163, %dma_start3A_172] : memref<1000000x64xf32, #tpu.memory_space<hbm>> -> memref<1x64xf32, #tpu.memory_space<hbm>>
      %dma_start3A_174 = arith.constant 0 : i32
      %dma_start3A_175 = tpu.memref_slice %arg9[%add3A_169, %dma_start3A_174] : memref<512x64xf32, #tpu.memory_space<vmem>> -> memref<1x64xf32, #tpu.memory_space<vmem>>
      %dma_start3A_176 = arith.constant 0 : i32
      %dma_start3A_177 = tpu.memref_slice %arg4[%squeeze3A_163, %dma_start3A_176] : memref<1000000x64xf32, #tpu.memory_space<hbm>> -> memref<1x64xf32, #tpu.memory_space<hbm>>
      tpu.enqueue_dma source(%dma_start3A_177 : memref<1x64xf32, #tpu.memory_space<hbm>>) target(%dma_start3A_175 : memref<1x64xf32, #tpu.memory_space<vmem>>) target_semaphore(%arg12 : memref<!tpu.dma_semaphore, #tpu.memory_space<semaphore_mem>>)
      %slice3A_178 = vector.extract_strided_slice %get3A_147 {offsets = [2], sizes = [1], strides = [1]} : vector<16xi32> to vector<1xi32>
      %squeeze3A_179 = vector.extract %slice3A_178[0] : i32 from vector<1xi32>
      %mul3A_180 = arith.constant 16 : i32
      %mul3A_181 = arith.muli %scan3A_141, %mul3A_180 : i32
      %add3A_182 = arith.constant 0 : i32
      %add3A_183 = arith.addi %add3A_182, %mul3A_181 : i32
      %add3A_184 = arith.constant 2 : i32
      %add3A_185 = arith.addi %add3A_183, %add3A_184 : i32
      %dma_start3A_186 = arith.constant 0 : i32
      %dma_start3A_187 = tpu.memref_slice %arg9[%add3A_185, %dma_start3A_186] : memref<512x64xf32, #tpu.memory_space<vmem>> -> memref<1x64xf32, #tpu.memory_space<vmem>>
      %dma_start3A_188 = arith.constant 0 : i32
      %dma_start3A_189 = tpu.memref_slice %arg4[%squeeze3A_179, %dma_start3A_188] : memref<1000000x64xf32, #tpu.memory_space<hbm>> -> memref<1x64xf32, #tpu.memory_space<hbm>>
      %dma_start3A_190 = arith.constant 0 : i32
      %dma_start3A_191 = tpu.memref_slice %arg9[%add3A_185, %dma_start3A_190] : memref<512x64xf32, #tpu.memory_space<vmem>> -> memref<1x64xf32, #tpu.memory_space<vmem>>
      %dma_start3A_192 = arith.constant 0 : i32
      %dma_start3A_193 = tpu.memref_slice %arg4[%squeeze3A_179, %dma_start3A_192] : memref<1000000x64xf32, #tpu.memory_space<hbm>> -> memref<1x64xf32, #tpu.memory_space<hbm>>
      tpu.enqueue_dma source(%dma_start3A_193 : memref<1x64xf32, #tpu.memory_space<hbm>>) target(%dma_start3A_191 : memref<1x64xf32, #tpu.memory_space<vmem>>) target_semaphore(%arg12 : memref<!tpu.dma_semaphore, #tpu.memory_space<semaphore_mem>>)
      %slice3A_194 = vector.extract_strided_slice %get3A_147 {offsets = [3], sizes = [1], strides = [1]} : vector<16xi32> to vector<1xi32>
      %squeeze3A_195 = vector.extract %slice3A_194[0] : i32 from vector<1xi32>
      %mul3A_196 = arith.constant 16 : i32
      %mul3A_197 = arith.muli %scan3A_141, %mul3A_196 : i32
      %add3A_198 = arith.constant 0 : i32
      %add3A_199 = arith.addi %add3A_198, %mul3A_197 : i32
      %add3A_200 = arith.constant 3 : i32
      %add3A_201 = arith.addi %add3A_199, %add3A_200 : i32
      %dma_start3A_202 = arith.constant 0 : i32
      %dma_start3A_203 = tpu.memref_slice %arg9[%add3A_201, %dma_start3A_202] : memref<512x64xf32, #tpu.memory_space<vmem>> -> memref<1x64xf32, #tpu.memory_space<vmem>>
      %dma_start3A_204 = arith.constant 0 : i32
      %dma_start3A_205 = tpu.memref_slice %arg4[%squeeze3A_195, %dma_start3A_204] : memref<1000000x64xf32, #tpu.memory_space<hbm>> -> memref<1x64xf32, #tpu.memory_space<hbm>>
      %dma_start3A_206 = arith.constant 0 : i32
      %dma_start3A_207 = tpu.memref_slice %arg9[%add3A_201, %dma_start3A_206] : memref<512x64xf32, #tpu.memory_space<vmem>> -> memref<1x64xf32, #tpu.memory_space<vmem>>
      %dma_start3A_208 = arith.constant 0 : i32
      %dma_start3A_209 = tpu.memref_slice %arg4[%squeeze3A_195, %dma_start3A_208] : memref<1000000x64xf32, #tpu.memory_space<hbm>> -> memref<1x64xf32, #tpu.memory_space<hbm>>
      tpu.enqueue_dma source(%dma_start3A_209 : memref<1x64xf32, #tpu.memory_space<hbm>>) target(%dma_start3A_207 : memref<1x64xf32, #tpu.memory_space<vmem>>) target_semaphore(%arg12 : memref<!tpu.dma_semaphore, #tpu.memory_space<semaphore_mem>>)
      %slice3A_210 = vector.extract_strided_slice %get3A_147 {offsets = [4], sizes = [1], strides = [1]} : vector<16xi32> to vector<1xi32>
      %squeeze3A_211 = vector.extract %slice3A_210[0] : i32 from vector<1xi32>
      %mul3A_212 = arith.constant 16 : i32
      %mul3A_213 = arith.muli %scan3A_141, %mul3A_212 : i32
      %add3A_214 = arith.constant 0 : i32
      %add3A_215 = arith.addi %add3A_214, %mul3A_213 : i32
      %add3A_216 = arith.constant 4 : i32
      %add3A_217 = arith.addi %add3A_215, %add3A_216 : i32
      %dma_start3A_218 = arith.constant 0 : i32
      %dma_start3A_219 = tpu.memref_slice %arg9[%add3A_217, %dma_start3A_218] : memref<512x64xf32, #tpu.memory_space<vmem>> -> memref<1x64xf32, #tpu.memory_space<vmem>>
      %dma_start3A_220 = arith.constant 0 : i32
      %dma_start3A_221 = tpu.memref_slice %arg4[%squeeze3A_211, %dma_start3A_220] : memref<1000000x64xf32, #tpu.memory_space<hbm>> -> memref<1x64xf32, #tpu.memory_space<hbm>>
      %dma_start3A_222 = arith.constant 0 : i32
      %dma_start3A_223 = tpu.memref_slice %arg9[%add3A_217, %dma_start3A_222] : memref<512x64xf32, #tpu.memory_space<vmem>> -> memref<1x64xf32, #tpu.memory_space<vmem>>
      %dma_start3A_224 = arith.constant 0 : i32
      %dma_start3A_225 = tpu.memref_slice %arg4[%squeeze3A_211, %dma_start3A_224] : memref<1000000x64xf32, #tpu.memory_space<hbm>> -> memref<1x64xf32, #tpu.memory_space<hbm>>
      tpu.enqueue_dma source(%dma_start3A_225 : memref<1x64xf32, #tpu.memory_space<hbm>>) target(%dma_start3A_223 : memref<1x64xf32, #tpu.memory_space<vmem>>) target_semaphore(%arg12 : memref<!tpu.dma_semaphore, #tpu.memory_space<semaphore_mem>>)
      %slice3A_226 = vector.extract_strided_slice %get3A_147 {offsets = [5], sizes = [1], strides = [1]} : vector<16xi32> to vector<1xi32>
      %squeeze3A_227 = vector.extract %slice3A_226[0] : i32 from vector<1xi32>
      %mul3A_228 = arith.constant 16 : i32
      %mul3A_229 = arith.muli %scan3A_141, %mul3A_228 : i32
      %add3A_230 = arith.constant 0 : i32
      %add3A_231 = arith.addi %add3A_230, %mul3A_229 : i32
      %add3A_232 = arith.constant 5 : i32
      %add3A_233 = arith.addi %add3A_231, %add3A_232 : i32
      %dma_start3A_234 = arith.constant 0 : i32
      %dma_start3A_235 = tpu.memref_slice %arg9[%add3A_233, %dma_start3A_234] : memref<512x64xf32, #tpu.memory_space<vmem>> -> memref<1x64xf32, #tpu.memory_space<vmem>>
      %dma_start3A_236 = arith.constant 0 : i32
      %dma_start3A_237 = tpu.memref_slice %arg4[%squeeze3A_227, %dma_start3A_236] : memref<1000000x64xf32, #tpu.memory_space<hbm>> -> memref<1x64xf32, #tpu.memory_space<hbm>>
      %dma_start3A_238 = arith.constant 0 : i32
      %dma_start3A_239 = tpu.memref_slice %arg9[%add3A_233, %dma_start3A_238] : memref<512x64xf32, #tpu.memory_space<vmem>> -> memref<1x64xf32, #tpu.memory_space<vmem>>
      %dma_start3A_240 = arith.constant 0 : i32
      %dma_start3A_241 = tpu.memref_slice %arg4[%squeeze3A_227, %dma_start3A_240] : memref<1000000x64xf32, #tpu.memory_space<hbm>> -> memref<1x64xf32, #tpu.memory_space<hbm>>
      tpu.enqueue_dma source(%dma_start3A_241 : memref<1x64xf32, #tpu.memory_space<hbm>>) target(%dma_start3A_239 : memref<1x64xf32, #tpu.memory_space<vmem>>) target_semaphore(%arg12 : memref<!tpu.dma_semaphore, #tpu.memory_space<semaphore_mem>>)
      %slice3A_242 = vector.extract_strided_slice %get3A_147 {offsets = [6], sizes = [1], strides = [1]} : vector<16xi32> to vector<1xi32>
      %squeeze3A_243 = vector.extract %slice3A_242[0] : i32 from vector<1xi32>
      %mul3A_244 = arith.constant 16 : i32
      %mul3A_245 = arith.muli %scan3A_141, %mul3A_244 : i32
      %add3A_246 = arith.constant 0 : i32
      %add3A_247 = arith.addi %add3A_246, %mul3A_245 : i32
      %add3A_248 = arith.constant 6 : i32
      %add3A_249 = arith.addi %add3A_247, %add3A_248 : i32
      %dma_start3A_250 = arith.constant 0 : i32
      %dma_start3A_251 = tpu.memref_slice %arg9[%add3A_249, %dma_start3A_250] : memref<512x64xf32, #tpu.memory_space<vmem>> -> memref<1x64xf32, #tpu.memory_space<vmem>>
      %dma_start3A_252 = arith.constant 0 : i32
      %dma_start3A_253 = tpu.memref_slice %arg4[%squeeze3A_243, %dma_start3A_252] : memref<1000000x64xf32, #tpu.memory_space<hbm>> -> memref<1x64xf32, #tpu.memory_space<hbm>>
      %dma_start3A_254 = arith.constant 0 : i32
      %dma_start3A_255 = tpu.memref_slice %arg9[%add3A_249, %dma_start3A_254] : memref<512x64xf32, #tpu.memory_space<vmem>> -> memref<1x64xf32, #tpu.memory_space<vmem>>
      %dma_start3A_256 = arith.constant 0 : i32
      %dma_start3A_257 = tpu.memref_slice %arg4[%squeeze3A_243, %dma_start3A_256] : memref<1000000x64xf32, #tpu.memory_space<hbm>> -> memref<1x64xf32, #tpu.memory_space<hbm>>
      tpu.enqueue_dma source(%dma_start3A_257 : memref<1x64xf32, #tpu.memory_space<hbm>>) target(%dma_start3A_255 : memref<1x64xf32, #tpu.memory_space<vmem>>) target_semaphore(%arg12 : memref<!tpu.dma_semaphore, #tpu.memory_space<semaphore_mem>>)
      %slice3A_258 = vector.extract_strided_slice %get3A_147 {offsets = [7], sizes = [1], strides = [1]} : vector<16xi32> to vector<1xi32>
      %squeeze3A_259 = vector.extract %slice3A_258[0] : i32 from vector<1xi32>
      %mul3A_260 = arith.constant 16 : i32
      %mul3A_261 = arith.muli %scan3A_141, %mul3A_260 : i32
      %add3A_262 = arith.constant 0 : i32
      %add3A_263 = arith.addi %add3A_262, %mul3A_261 : i32
      %add3A_264 = arith.constant 7 : i32
      %add3A_265 = arith.addi %add3A_263, %add3A_264 : i32
      %dma_start3A_266 = arith.constant 0 : i32
      %dma_start3A_267 = tpu.memref_slice %arg9[%add3A_265, %dma_start3A_266] : memref<512x64xf32, #tpu.memory_space<vmem>> -> memref<1x64xf32, #tpu.memory_space<vmem>>
      %dma_start3A_268 = arith.constant 0 : i32
      %dma_start3A_269 = tpu.memref_slice %arg4[%squeeze3A_259, %dma_start3A_268] : memref<1000000x64xf32, #tpu.memory_space<hbm>> -> memref<1x64xf32, #tpu.memory_space<hbm>>
      %dma_start3A_270 = arith.constant 0 : i32
      %dma_start3A_271 = tpu.memref_slice %arg9[%add3A_265, %dma_start3A_270] : memref<512x64xf32, #tpu.memory_space<vmem>> -> memref<1x64xf32, #tpu.memory_space<vmem>>
      %dma_start3A_272 = arith.constant 0 : i32
      %dma_start3A_273 = tpu.memref_slice %arg4[%squeeze3A_259, %dma_start3A_272] : memref<1000000x64xf32, #tpu.memory_space<hbm>> -> memref<1x64xf32, #tpu.memory_space<hbm>>
      tpu.enqueue_dma source(%dma_start3A_273 : memref<1x64xf32, #tpu.memory_space<hbm>>) target(%dma_start3A_271 : memref<1x64xf32, #tpu.memory_space<vmem>>) target_semaphore(%arg12 : memref<!tpu.dma_semaphore, #tpu.memory_space<semaphore_mem>>)
      %slice3A_274 = vector.extract_strided_slice %get3A_147 {offsets = [8], sizes = [1], strides = [1]} : vector<16xi32> to vector<1xi32>
      %squeeze3A_275 = vector.extract %slice3A_274[0] : i32 from vector<1xi32>
      %mul3A_276 = arith.constant 16 : i32
      %mul3A_277 = arith.muli %scan3A_141, %mul3A_276 : i32
      %add3A_278 = arith.constant 0 : i32
      %add3A_279 = arith.addi %add3A_278, %mul3A_277 : i32
      %add3A_280 = arith.constant 8 : i32
      %add3A_281 = arith.addi %add3A_279, %add3A_280 : i32
      %dma_start3A_282 = arith.constant 0 : i32
      %dma_start3A_283 = tpu.memref_slice %arg9[%add3A_281, %dma_start3A_282] : memref<512x64xf32, #tpu.memory_space<vmem>> -> memref<1x64xf32, #tpu.memory_space<vmem>>
      %dma_start3A_284 = arith.constant 0 : i32
      %dma_start3A_285 = tpu.memref_slice %arg4[%squeeze3A_275, %dma_start3A_284] : memref<1000000x64xf32, #tpu.memory_space<hbm>> -> memref<1x64xf32, #tpu.memory_space<hbm>>
      %dma_start3A_286 = arith.constant 0 : i32
      %dma_start3A_287 = tpu.memref_slice %arg9[%add3A_281, %dma_start3A_286] : memref<512x64xf32, #tpu.memory_space<vmem>> -> memref<1x64xf32, #tpu.memory_space<vmem>>
      %dma_start3A_288 = arith.constant 0 : i32
      %dma_start3A_289 = tpu.memref_slice %arg4[%squeeze3A_275, %dma_start3A_288] : memref<1000000x64xf32, #tpu.memory_space<hbm>> -> memref<1x64xf32, #tpu.memory_space<hbm>>
      tpu.enqueue_dma source(%dma_start3A_289 : memref<1x64xf32, #tpu.memory_space<hbm>>) target(%dma_start3A_287 : memref<1x64xf32, #tpu.memory_space<vmem>>) target_semaphore(%arg12 : memref<!tpu.dma_semaphore, #tpu.memory_space<semaphore_mem>>)
      %slice3A_290 = vector.extract_strided_slice %get3A_147 {offsets = [9], sizes = [1], strides = [1]} : vector<16xi32> to vector<1xi32>
      %squeeze3A_291 = vector.extract %slice3A_290[0] : i32 from vector<1xi32>
      %mul3A_292 = arith.constant 16 : i32
      %mul3A_293 = arith.muli %scan3A_141, %mul3A_292 : i32
      %add3A_294 = arith.constant 0 : i32
      %add3A_295 = arith.addi %add3A_294, %mul3A_293 : i32
      %add3A_296 = arith.constant 9 : i32
      %add3A_297 = arith.addi %add3A_295, %add3A_296 : i32
      %dma_start3A_298 = arith.constant 0 : i32
      %dma_start3A_299 = tpu.memref_slice %arg9[%add3A_297, %dma_start3A_298] : memref<512x64xf32, #tpu.memory_space<vmem>> -> memref<1x64xf32, #tpu.memory_space<vmem>>
      %dma_start3A_300 = arith.constant 0 : i32
      %dma_start3A_301 = tpu.memref_slice %arg4[%squeeze3A_291, %dma_start3A_300] : memref<1000000x64xf32, #tpu.memory_space<hbm>> -> memref<1x64xf32, #tpu.memory_space<hbm>>
      %dma_start3A_302 = arith.constant 0 : i32
      %dma_start3A_303 = tpu.memref_slice %arg9[%add3A_297, %dma_start3A_302] : memref<512x64xf32, #tpu.memory_space<vmem>> -> memref<1x64xf32, #tpu.memory_space<vmem>>
      %dma_start3A_304 = arith.constant 0 : i32
      %dma_start3A_305 = tpu.memref_slice %arg4[%squeeze3A_291, %dma_start3A_304] : memref<1000000x64xf32, #tpu.memory_space<hbm>> -> memref<1x64xf32, #tpu.memory_space<hbm>>
      tpu.enqueue_dma source(%dma_start3A_305 : memref<1x64xf32, #tpu.memory_space<hbm>>) target(%dma_start3A_303 : memref<1x64xf32, #tpu.memory_space<vmem>>) target_semaphore(%arg12 : memref<!tpu.dma_semaphore, #tpu.memory_space<semaphore_mem>>)
      %slice3A_306 = vector.extract_strided_slice %get3A_147 {offsets = [10], sizes = [1], strides = [1]} : vector<16xi32> to vector<1xi32>
      %squeeze3A_307 = vector.extract %slice3A_306[0] : i32 from vector<1xi32>
      %mul3A_308 = arith.constant 16 : i32
      %mul3A_309 = arith.muli %scan3A_141, %mul3A_308 : i32
      %add3A_310 = arith.constant 0 : i32
      %add3A_311 = arith.addi %add3A_310, %mul3A_309 : i32
      %add3A_312 = arith.constant 10 : i32
      %add3A_313 = arith.addi %add3A_311, %add3A_312 : i32
      %dma_start3A_314 = arith.constant 0 : i32
      %dma_start3A_315 = tpu.memref_slice %arg9[%add3A_313, %dma_start3A_314] : memref<512x64xf32, #tpu.memory_space<vmem>> -> memref<1x64xf32, #tpu.memory_space<vmem>>
      %dma_start3A_316 = arith.constant 0 : i32
      %dma_start3A_317 = tpu.memref_slice %arg4[%squeeze3A_307, %dma_start3A_316] : memref<1000000x64xf32, #tpu.memory_space<hbm>> -> memref<1x64xf32, #tpu.memory_space<hbm>>
      %dma_start3A_318 = arith.constant 0 : i32
      %dma_start3A_319 = tpu.memref_slice %arg9[%add3A_313, %dma_start3A_318] : memref<512x64xf32, #tpu.memory_space<vmem>> -> memref<1x64xf32, #tpu.memory_space<vmem>>
      %dma_start3A_320 = arith.constant 0 : i32
      %dma_start3A_321 = tpu.memref_slice %arg4[%squeeze3A_307, %dma_start3A_320] : memref<1000000x64xf32, #tpu.memory_space<hbm>> -> memref<1x64xf32, #tpu.memory_space<hbm>>
      tpu.enqueue_dma source(%dma_start3A_321 : memref<1x64xf32, #tpu.memory_space<hbm>>) target(%dma_start3A_319 : memref<1x64xf32, #tpu.memory_space<vmem>>) target_semaphore(%arg12 : memref<!tpu.dma_semaphore, #tpu.memory_space<semaphore_mem>>)
      %slice3A_322 = vector.extract_strided_slice %get3A_147 {offsets = [11], sizes = [1], strides = [1]} : vector<16xi32> to vector<1xi32>
      %squeeze3A_323 = vector.extract %slice3A_322[0] : i32 from vector<1xi32>
      %mul3A_324 = arith.constant 16 : i32
      %mul3A_325 = arith.muli %scan3A_141, %mul3A_324 : i32
      %add3A_326 = arith.constant 0 : i32
      %add3A_327 = arith.addi %add3A_326, %mul3A_325 : i32
      %add3A_328 = arith.constant 11 : i32
      %add3A_329 = arith.addi %add3A_327, %add3A_328 : i32
      %dma_start3A_330 = arith.constant 0 : i32
      %dma_start3A_331 = tpu.memref_slice %arg9[%add3A_329, %dma_start3A_330] : memref<512x64xf32, #tpu.memory_space<vmem>> -> memref<1x64xf32, #tpu.memory_space<vmem>>
      %dma_start3A_332 = arith.constant 0 : i32
      %dma_start3A_333 = tpu.memref_slice %arg4[%squeeze3A_323, %dma_start3A_332] : memref<1000000x64xf32, #tpu.memory_space<hbm>> -> memref<1x64xf32, #tpu.memory_space<hbm>>
      %dma_start3A_334 = arith.constant 0 : i32
      %dma_start3A_335 = tpu.memref_slice %arg9[%add3A_329, %dma_start3A_334] : memref<512x64xf32, #tpu.memory_space<vmem>> -> memref<1x64xf32, #tpu.memory_space<vmem>>
      %dma_start3A_336 = arith.constant 0 : i32
      %dma_start3A_337 = tpu.memref_slice %arg4[%squeeze3A_323, %dma_start3A_336] : memref<1000000x64xf32, #tpu.memory_space<hbm>> -> memref<1x64xf32, #tpu.memory_space<hbm>>
      tpu.enqueue_dma source(%dma_start3A_337 : memref<1x64xf32, #tpu.memory_space<hbm>>) target(%dma_start3A_335 : memref<1x64xf32, #tpu.memory_space<vmem>>) target_semaphore(%arg12 : memref<!tpu.dma_semaphore, #tpu.memory_space<semaphore_mem>>)
      %slice3A_338 = vector.extract_strided_slice %get3A_147 {offsets = [12], sizes = [1], strides = [1]} : vector<16xi32> to vector<1xi32>
      %squeeze3A_339 = vector.extract %slice3A_338[0] : i32 from vector<1xi32>
      %mul3A_340 = arith.constant 16 : i32
      %mul3A_341 = arith.muli %scan3A_141, %mul3A_340 : i32
      %add3A_342 = arith.constant 0 : i32
      %add3A_343 = arith.addi %add3A_342, %mul3A_341 : i32
      %add3A_344 = arith.constant 12 : i32
      %add3A_345 = arith.addi %add3A_343, %add3A_344 : i32
      %dma_start3A_346 = arith.constant 0 : i32
      %dma_start3A_347 = tpu.memref_slice %arg9[%add3A_345, %dma_start3A_346] : memref<512x64xf32, #tpu.memory_space<vmem>> -> memref<1x64xf32, #tpu.memory_space<vmem>>
      %dma_start3A_348 = arith.constant 0 : i32
      %dma_start3A_349 = tpu.memref_slice %arg4[%squeeze3A_339, %dma_start3A_348] : memref<1000000x64xf32, #tpu.memory_space<hbm>> -> memref<1x64xf32, #tpu.memory_space<hbm>>
      %dma_start3A_350 = arith.constant 0 : i32
      %dma_start3A_351 = tpu.memref_slice %arg9[%add3A_345, %dma_start3A_350] : memref<512x64xf32, #tpu.memory_space<vmem>> -> memref<1x64xf32, #tpu.memory_space<vmem>>
      %dma_start3A_352 = arith.constant 0 : i32
      %dma_start3A_353 = tpu.memref_slice %arg4[%squeeze3A_339, %dma_start3A_352] : memref<1000000x64xf32, #tpu.memory_space<hbm>> -> memref<1x64xf32, #tpu.memory_space<hbm>>
      tpu.enqueue_dma source(%dma_start3A_353 : memref<1x64xf32, #tpu.memory_space<hbm>>) target(%dma_start3A_351 : memref<1x64xf32, #tpu.memory_space<vmem>>) target_semaphore(%arg12 : memref<!tpu.dma_semaphore, #tpu.memory_space<semaphore_mem>>)
      %slice3A_354 = vector.extract_strided_slice %get3A_147 {offsets = [13], sizes = [1], strides = [1]} : vector<16xi32> to vector<1xi32>
      %squeeze3A_355 = vector.extract %slice3A_354[0] : i32 from vector<1xi32>
      %mul3A_356 = arith.constant 16 : i32
      %mul3A_357 = arith.muli %scan3A_141, %mul3A_356 : i32
      %add3A_358 = arith.constant 0 : i32
      %add3A_359 = arith.addi %add3A_358, %mul3A_357 : i32
      %add3A_360 = arith.constant 13 : i32
      %add3A_361 = arith.addi %add3A_359, %add3A_360 : i32
      %dma_start3A_362 = arith.constant 0 : i32
      %dma_start3A_363 = tpu.memref_slice %arg9[%add3A_361, %dma_start3A_362] : memref<512x64xf32, #tpu.memory_space<vmem>> -> memref<1x64xf32, #tpu.memory_space<vmem>>
      %dma_start3A_364 = arith.constant 0 : i32
      %dma_start3A_365 = tpu.memref_slice %arg4[%squeeze3A_355, %dma_start3A_364] : memref<1000000x64xf32, #tpu.memory_space<hbm>> -> memref<1x64xf32, #tpu.memory_space<hbm>>
      %dma_start3A_366 = arith.constant 0 : i32
      %dma_start3A_367 = tpu.memref_slice %arg9[%add3A_361, %dma_start3A_366] : memref<512x64xf32, #tpu.memory_space<vmem>> -> memref<1x64xf32, #tpu.memory_space<vmem>>
      %dma_start3A_368 = arith.constant 0 : i32
      %dma_start3A_369 = tpu.memref_slice %arg4[%squeeze3A_355, %dma_start3A_368] : memref<1000000x64xf32, #tpu.memory_space<hbm>> -> memref<1x64xf32, #tpu.memory_space<hbm>>
      tpu.enqueue_dma source(%dma_start3A_369 : memref<1x64xf32, #tpu.memory_space<hbm>>) target(%dma_start3A_367 : memref<1x64xf32, #tpu.memory_space<vmem>>) target_semaphore(%arg12 : memref<!tpu.dma_semaphore, #tpu.memory_space<semaphore_mem>>)
      %slice3A_370 = vector.extract_strided_slice %get3A_147 {offsets = [14], sizes = [1], strides = [1]} : vector<16xi32> to vector<1xi32>
      %squeeze3A_371 = vector.extract %slice3A_370[0] : i32 from vector<1xi32>
      %mul3A_372 = arith.constant 16 : i32
      %mul3A_373 = arith.muli %scan3A_141, %mul3A_372 : i32
      %add3A_374 = arith.constant 0 : i32
      %add3A_375 = arith.addi %add3A_374, %mul3A_373 : i32
      %add3A_376 = arith.constant 14 : i32
      %add3A_377 = arith.addi %add3A_375, %add3A_376 : i32
      %dma_start3A_378 = arith.constant 0 : i32
      %dma_start3A_379 = tpu.memref_slice %arg9[%add3A_377, %dma_start3A_378] : memref<512x64xf32, #tpu.memory_space<vmem>> -> memref<1x64xf32, #tpu.memory_space<vmem>>
      %dma_start3A_380 = arith.constant 0 : i32
      %dma_start3A_381 = tpu.memref_slice %arg4[%squeeze3A_371, %dma_start3A_380] : memref<1000000x64xf32, #tpu.memory_space<hbm>> -> memref<1x64xf32, #tpu.memory_space<hbm>>
      %dma_start3A_382 = arith.constant 0 : i32
      %dma_start3A_383 = tpu.memref_slice %arg9[%add3A_377, %dma_start3A_382] : memref<512x64xf32, #tpu.memory_space<vmem>> -> memref<1x64xf32, #tpu.memory_space<vmem>>
      %dma_start3A_384 = arith.constant 0 : i32
      %dma_start3A_385 = tpu.memref_slice %arg4[%squeeze3A_371, %dma_start3A_384] : memref<1000000x64xf32, #tpu.memory_space<hbm>> -> memref<1x64xf32, #tpu.memory_space<hbm>>
      tpu.enqueue_dma source(%dma_start3A_385 : memref<1x64xf32, #tpu.memory_space<hbm>>) target(%dma_start3A_383 : memref<1x64xf32, #tpu.memory_space<vmem>>) target_semaphore(%arg12 : memref<!tpu.dma_semaphore, #tpu.memory_space<semaphore_mem>>)
      %slice3A_386 = vector.extract_strided_slice %get3A_147 {offsets = [15], sizes = [1], strides = [1]} : vector<16xi32> to vector<1xi32>
      %squeeze3A_387 = vector.extract %slice3A_386[0] : i32 from vector<1xi32>
      %mul3A_388 = arith.constant 16 : i32
      %mul3A_389 = arith.muli %scan3A_141, %mul3A_388 : i32
      %add3A_390 = arith.constant 0 : i32
      %add3A_391 = arith.addi %add3A_390, %mul3A_389 : i32
      %add3A_392 = arith.constant 15 : i32
      %add3A_393 = arith.addi %add3A_391, %add3A_392 : i32
      %dma_start3A_394 = arith.constant 0 : i32
      %dma_start3A_395 = tpu.memref_slice %arg9[%add3A_393, %dma_start3A_394] : memref<512x64xf32, #tpu.memory_space<vmem>> -> memref<1x64xf32, #tpu.memory_space<vmem>>
      %dma_start3A_396 = arith.constant 0 : i32
      %dma_start3A_397 = tpu.memref_slice %arg4[%squeeze3A_387, %dma_start3A_396] : memref<1000000x64xf32, #tpu.memory_space<hbm>> -> memref<1x64xf32, #tpu.memory_space<hbm>>
      %dma_start3A_398 = arith.constant 0 : i32
      %dma_start3A_399 = tpu.memref_slice %arg9[%add3A_393, %dma_start3A_398] : memref<512x64xf32, #tpu.memory_space<vmem>> -> memref<1x64xf32, #tpu.memory_space<vmem>>
      %dma_start3A_400 = arith.constant 0 : i32
      %dma_start3A_401 = tpu.memref_slice %arg4[%squeeze3A_387, %dma_start3A_400] : memref<1000000x64xf32, #tpu.memory_space<hbm>> -> memref<1x64xf32, #tpu.memory_space<hbm>>
      tpu.enqueue_dma source(%dma_start3A_401 : memref<1x64xf32, #tpu.memory_space<hbm>>) target(%dma_start3A_399 : memref<1x64xf32, #tpu.memory_space<vmem>>) target_semaphore(%arg12 : memref<!tpu.dma_semaphore, #tpu.memory_space<semaphore_mem>>)
    }
    %scan3A_10 = arith.constant 8 : i32
    %scan3A_11 = arith.constant 0 : i32
    %scan3A_12 = arith.constant 0 : i32
    %scan3A_13 = arith.constant 8 : i32
    %scan3A_14 = arith.addi %scan3A_12, %scan3A_13 : i32
    %scan3A_15 = arith.constant 1 : i32
    scf.for %scan3A_141 = %scan3A_12 to %scan3A_14 step %scan3A_15  : i32 {
      %mul3A_142 = arith.constant 16 : i32
      %mul3A_143 = arith.muli %scan3A_141, %mul3A_142 : i32
      %add3A_144 = arith.constant 128 : i32
      %add3A_145 = arith.addi %add3A_144, %mul3A_143 : i32
      %get3A = arith.index_cast %add3A_145 : i32 to index
      %get3A_146 = tpu.vector_load %arg6[%get3A] {strides = array<i32>} : memref<512xi32, #tpu.memory_space<vmem>>, vector<16xi32>,
      %get3A_147 = vector.shape_cast %get3A_146 : vector<16xi32> to vector<16xi32>
      %slice3A = vector.extract_strided_slice %get3A_147 {offsets = [0], sizes = [1], strides = [1]} : vector<16xi32> to vector<1xi32>
      %squeeze3A = vector.extract %slice3A[0] : i32 from vector<1xi32>
      %mul3A_148 = arith.constant 16 : i32
      %mul3A_149 = arith.muli %scan3A_141, %mul3A_148 : i32
      %add3A_150 = arith.constant 128 : i32
      %add3A_151 = arith.addi %add3A_150, %mul3A_149 : i32
      %add3A_152 = arith.constant 0 : i32
      %add3A_153 = arith.addi %add3A_151, %add3A_152 : i32
      %dma_start3A_154 = arith.constant 0 : i32
      %dma_start3A_155 = tpu.memref_slice %arg9[%add3A_153, %dma_start3A_154] : memref<512x64xf32, #tpu.memory_space<vmem>> -> memref<1x64xf32, #tpu.memory_space<vmem>>
      %dma_start3A_156 = arith.constant 0 : i32
      %dma_start3A_157 = tpu.memref_slice %arg4[%squeeze3A, %dma_start3A_156] : memref<1000000x64xf32, #tpu.memory_space<hbm>> -> memref<1x64xf32, #tpu.memory_space<hbm>>
      %dma_start3A_158 = arith.constant 0 : i32
      %dma_start3A_159 = tpu.memref_slice %arg9[%add3A_153, %dma_start3A_158] : memref<512x64xf32, #tpu.memory_space<vmem>> -> memref<1x64xf32, #tpu.memory_space<vmem>>
      %dma_start3A_160 = arith.constant 0 : i32
      %dma_start3A_161 = tpu.memref_slice %arg4[%squeeze3A, %dma_start3A_160] : memref<1000000x64xf32, #tpu.memory_space<hbm>> -> memref<1x64xf32, #tpu.memory_space<hbm>>
      tpu.enqueue_dma source(%dma_start3A_161 : memref<1x64xf32, #tpu.memory_space<hbm>>) target(%dma_start3A_159 : memref<1x64xf32, #tpu.memory_space<vmem>>) target_semaphore(%arg13 : memref<!tpu.dma_semaphore, #tpu.memory_space<semaphore_mem>>)
      %slice3A_162 = vector.extract_strided_slice %get3A_147 {offsets = [1], sizes = [1], strides = [1]} : vector<16xi32> to vector<1xi32>
      %squeeze3A_163 = vector.extract %slice3A_162[0] : i32 from vector<1xi32>
      %mul3A_164 = arith.constant 16 : i32
      %mul3A_165 = arith.muli %scan3A_141, %mul3A_164 : i32
      %add3A_166 = arith.constant 128 : i32
      %add3A_167 = arith.addi %add3A_166, %mul3A_165 : i32
      %add3A_168 = arith.constant 1 : i32
      %add3A_169 = arith.addi %add3A_167, %add3A_168 : i32
      %dma_start3A_170 = arith.constant 0 : i32
      %dma_start3A_171 = tpu.memref_slice %arg9[%add3A_169, %dma_start3A_170] : memref<512x64xf32, #tpu.memory_space<vmem>> -> memref<1x64xf32, #tpu.memory_space<vmem>>
      %dma_start3A_172 = arith.constant 0 : i32
      %dma_start3A_173 = tpu.memref_slice %arg4[%squeeze3A_163, %dma_start3A_172] : memref<1000000x64xf32, #tpu.memory_space<hbm>> -> memref<1x64xf32, #tpu.memory_space<hbm>>
      %dma_start3A_174 = arith.constant 0 : i32
      %dma_start3A_175 = tpu.memref_slice %arg9[%add3A_169, %dma_start3A_174] : memref<512x64xf32, #tpu.memory_space<vmem>> -> memref<1x64xf32, #tpu.memory_space<vmem>>
      %dma_start3A_176 = arith.constant 0 : i32
      %dma_start3A_177 = tpu.memref_slice %arg4[%squeeze3A_163, %dma_start3A_176] : memref<1000000x64xf32, #tpu.memory_space<hbm>> -> memref<1x64xf32, #tpu.memory_space<hbm>>
      tpu.enqueue_dma source(%dma_start3A_177 : memref<1x64xf32, #tpu.memory_space<hbm>>) target(%dma_start3A_175 : memref<1x64xf32, #tpu.memory_space<vmem>>) target_semaphore(%arg13 : memref<!tpu.dma_semaphore, #tpu.memory_space<semaphore_mem>>)
      %slice3A_178 = vector.extract_strided_slice %get3A_147 {offsets = [2], sizes = [1], strides = [1]} : vector<16xi32> to vector<1xi32>
      %squeeze3A_179 = vector.extract %slice3A_178[0] : i32 from vector<1xi32>
      %mul3A_180 = arith.constant 16 : i32
      %mul3A_181 = arith.muli %scan3A_141, %mul3A_180 : i32
      %add3A_182 = arith.constant 128 : i32
      %add3A_183 = arith.addi %add3A_182, %mul3A_181 : i32
      %add3A_184 = arith.constant 2 : i32
      %add3A_185 = arith.addi %add3A_183, %add3A_184 : i32
      %dma_start3A_186 = arith.constant 0 : i32
      %dma_start3A_187 = tpu.memref_slice %arg9[%add3A_185, %dma_start3A_186] : memref<512x64xf32, #tpu.memory_space<vmem>> -> memref<1x64xf32, #tpu.memory_space<vmem>>
      %dma_start3A_188 = arith.constant 0 : i32
      %dma_start3A_189 = tpu.memref_slice %arg4[%squeeze3A_179, %dma_start3A_188] : memref<1000000x64xf32, #tpu.memory_space<hbm>> -> memref<1x64xf32, #tpu.memory_space<hbm>>
      %dma_start3A_190 = arith.constant 0 : i32
      %dma_start3A_191 = tpu.memref_slice %arg9[%add3A_185, %dma_start3A_190] : memref<512x64xf32, #tpu.memory_space<vmem>> -> memref<1x64xf32, #tpu.memory_space<vmem>>
      %dma_start3A_192 = arith.constant 0 : i32
      %dma_start3A_193 = tpu.memref_slice %arg4[%squeeze3A_179, %dma_start3A_192] : memref<1000000x64xf32, #tpu.memory_space<hbm>> -> memref<1x64xf32, #tpu.memory_space<hbm>>
      tpu.enqueue_dma source(%dma_start3A_193 : memref<1x64xf32, #tpu.memory_space<hbm>>) target(%dma_start3A_191 : memref<1x64xf32, #tpu.memory_space<vmem>>) target_semaphore(%arg13 : memref<!tpu.dma_semaphore, #tpu.memory_space<semaphore_mem>>)
      %slice3A_194 = vector.extract_strided_slice %get3A_147 {offsets = [3], sizes = [1], strides = [1]} : vector<16xi32> to vector<1xi32>
      %squeeze3A_195 = vector.extract %slice3A_194[0] : i32 from vector<1xi32>
      %mul3A_196 = arith.constant 16 : i32
      %mul3A_197 = arith.muli %scan3A_141, %mul3A_196 : i32
      %add3A_198 = arith.constant 128 : i32
      %add3A_199 = arith.addi %add3A_198, %mul3A_197 : i32
      %add3A_200 = arith.constant 3 : i32
      %add3A_201 = arith.addi %add3A_199, %add3A_200 : i32
      %dma_start3A_202 = arith.constant 0 : i32
      %dma_start3A_203 = tpu.memref_slice %arg9[%add3A_201, %dma_start3A_202] : memref<512x64xf32, #tpu.memory_space<vmem>> -> memref<1x64xf32, #tpu.memory_space<vmem>>
      %dma_start3A_204 = arith.constant 0 : i32
      %dma_start3A_205 = tpu.memref_slice %arg4[%squeeze3A_195, %dma_start3A_204] : memref<1000000x64xf32, #tpu.memory_space<hbm>> -> memref<1x64xf32, #tpu.memory_space<hbm>>
      %dma_start3A_206 = arith.constant 0 : i32
      %dma_start3A_207 = tpu.memref_slice %arg9[%add3A_201, %dma_start3A_206] : memref<512x64xf32, #tpu.memory_space<vmem>> -> memref<1x64xf32, #tpu.memory_space<vmem>>
      %dma_start3A_208 = arith.constant 0 : i32
      %dma_start3A_209 = tpu.memref_slice %arg4[%squeeze3A_195, %dma_start3A_208] : memref<1000000x64xf32, #tpu.memory_space<hbm>> -> memref<1x64xf32, #tpu.memory_space<hbm>>
      tpu.enqueue_dma source(%dma_start3A_209 : memref<1x64xf32, #tpu.memory_space<hbm>>) target(%dma_start3A_207 : memref<1x64xf32, #tpu.memory_space<vmem>>) target_semaphore(%arg13 : memref<!tpu.dma_semaphore, #tpu.memory_space<semaphore_mem>>)
      %slice3A_210 = vector.extract_strided_slice %get3A_147 {offsets = [4], sizes = [1], strides = [1]} : vector<16xi32> to vector<1xi32>
      %squeeze3A_211 = vector.extract %slice3A_210[0] : i32 from vector<1xi32>
      %mul3A_212 = arith.constant 16 : i32
      %mul3A_213 = arith.muli %scan3A_141, %mul3A_212 : i32
      %add3A_214 = arith.constant 128 : i32
      %add3A_215 = arith.addi %add3A_214, %mul3A_213 : i32
      %add3A_216 = arith.constant 4 : i32
      %add3A_217 = arith.addi %add3A_215, %add3A_216 : i32
      %dma_start3A_218 = arith.constant 0 : i32
      %dma_start3A_219 = tpu.memref_slice %arg9[%add3A_217, %dma_start3A_218] : memref<512x64xf32, #tpu.memory_space<vmem>> -> memref<1x64xf32, #tpu.memory_space<vmem>>
      %dma_start3A_220 = arith.constant 0 : i32
      %dma_start3A_221 = tpu.memref_slice %arg4[%squeeze3A_211, %dma_start3A_220] : memref<1000000x64xf32, #tpu.memory_space<hbm>> -> memref<1x64xf32, #tpu.memory_space<hbm>>
      %dma_start3A_222 = arith.constant 0 : i32
      %dma_start3A_223 = tpu.memref_slice %arg9[%add3A_217, %dma_start3A_222] : memref<512x64xf32, #tpu.memory_space<vmem>> -> memref<1x64xf32, #tpu.memory_space<vmem>>
      %dma_start3A_224 = arith.constant 0 : i32
      %dma_start3A_225 = tpu.memref_slice %arg4[%squeeze3A_211, %dma_start3A_224] : memref<1000000x64xf32, #tpu.memory_space<hbm>> -> memref<1x64xf32, #tpu.memory_space<hbm>>
      tpu.enqueue_dma source(%dma_start3A_225 : memref<1x64xf32, #tpu.memory_space<hbm>>) target(%dma_start3A_223 : memref<1x64xf32, #tpu.memory_space<vmem>>) target_semaphore(%arg13 : memref<!tpu.dma_semaphore, #tpu.memory_space<semaphore_mem>>)
      %slice3A_226 = vector.extract_strided_slice %get3A_147 {offsets = [5], sizes = [1], strides = [1]} : vector<16xi32> to vector<1xi32>
      %squeeze3A_227 = vector.extract %slice3A_226[0] : i32 from vector<1xi32>
      %mul3A_228 = arith.constant 16 : i32
      %mul3A_229 = arith.muli %scan3A_141, %mul3A_228 : i32
      %add3A_230 = arith.constant 128 : i32
      %add3A_231 = arith.addi %add3A_230, %mul3A_229 : i32
      %add3A_232 = arith.constant 5 : i32
      %add3A_233 = arith.addi %add3A_231, %add3A_232 : i32
      %dma_start3A_234 = arith.constant 0 : i32
      %dma_start3A_235 = tpu.memref_slice %arg9[%add3A_233, %dma_start3A_234] : memref<512x64xf32, #tpu.memory_space<vmem>> -> memref<1x64xf32, #tpu.memory_space<vmem>>
      %dma_start3A_236 = arith.constant 0 : i32
      %dma_start3A_237 = tpu.memref_slice %arg4[%squeeze3A_227, %dma_start3A_236] : memref<1000000x64xf32, #tpu.memory_space<hbm>> -> memref<1x64xf32, #tpu.memory_space<hbm>>
      %dma_start3A_238 = arith.constant 0 : i32
      %dma_start3A_239 = tpu.memref_slice %arg9[%add3A_233, %dma_start3A_238] : memref<512x64xf32, #tpu.memory_space<vmem>> -> memref<1x64xf32, #tpu.memory_space<vmem>>
      %dma_start3A_240 = arith.constant 0 : i32
      %dma_start3A_241 = tpu.memref_slice %arg4[%squeeze3A_227, %dma_start3A_240] : memref<1000000x64xf32, #tpu.memory_space<hbm>> -> memref<1x64xf32, #tpu.memory_space<hbm>>
      tpu.enqueue_dma source(%dma_start3A_241 : memref<1x64xf32, #tpu.memory_space<hbm>>) target(%dma_start3A_239 : memref<1x64xf32, #tpu.memory_space<vmem>>) target_semaphore(%arg13 : memref<!tpu.dma_semaphore, #tpu.memory_space<semaphore_mem>>)
      %slice3A_242 = vector.extract_strided_slice %get3A_147 {offsets = [6], sizes = [1], strides = [1]} : vector<16xi32> to vector<1xi32>
      %squeeze3A_243 = vector.extract %slice3A_242[0] : i32 from vector<1xi32>
      %mul3A_244 = arith.constant 16 : i32
      %mul3A_245 = arith.muli %scan3A_141, %mul3A_244 : i32
      %add3A_246 = arith.constant 128 : i32
      %add3A_247 = arith.addi %add3A_246, %mul3A_245 : i32
      %add3A_248 = arith.constant 6 : i32
      %add3A_249 = arith.addi %add3A_247, %add3A_248 : i32
      %dma_start3A_250 = arith.constant 0 : i32
      %dma_start3A_251 = tpu.memref_slice %arg9[%add3A_249, %dma_start3A_250] : memref<512x64xf32, #tpu.memory_space<vmem>> -> memref<1x64xf32, #tpu.memory_space<vmem>>
      %dma_start3A_252 = arith.constant 0 : i32
      %dma_start3A_253 = tpu.memref_slice %arg4[%squeeze3A_243, %dma_start3A_252] : memref<1000000x64xf32, #tpu.memory_space<hbm>> -> memref<1x64xf32, #tpu.memory_space<hbm>>
      %dma_start3A_254 = arith.constant 0 : i32
      %dma_start3A_255 = tpu.memref_slice %arg9[%add3A_249, %dma_start3A_254] : memref<512x64xf32, #tpu.memory_space<vmem>> -> memref<1x64xf32, #tpu.memory_space<vmem>>
      %dma_start3A_256 = arith.constant 0 : i32
      %dma_start3A_257 = tpu.memref_slice %arg4[%squeeze3A_243, %dma_start3A_256] : memref<1000000x64xf32, #tpu.memory_space<hbm>> -> memref<1x64xf32, #tpu.memory_space<hbm>>
      tpu.enqueue_dma source(%dma_start3A_257 : memref<1x64xf32, #tpu.memory_space<hbm>>) target(%dma_start3A_255 : memref<1x64xf32, #tpu.memory_space<vmem>>) target_semaphore(%arg13 : memref<!tpu.dma_semaphore, #tpu.memory_space<semaphore_mem>>)
      %slice3A_258 = vector.extract_strided_slice %get3A_147 {offsets = [7], sizes = [1], strides = [1]} : vector<16xi32> to vector<1xi32>
      %squeeze3A_259 = vector.extract %slice3A_258[0] : i32 from vector<1xi32>
      %mul3A_260 = arith.constant 16 : i32
      %mul3A_261 = arith.muli %scan3A_141, %mul3A_260 : i32
      %add3A_262 = arith.constant 128 : i32
      %add3A_263 = arith.addi %add3A_262, %mul3A_261 : i32
      %add3A_264 = arith.constant 7 : i32
      %add3A_265 = arith.addi %add3A_263, %add3A_264 : i32
      %dma_start3A_266 = arith.constant 0 : i32
      %dma_start3A_267 = tpu.memref_slice %arg9[%add3A_265, %dma_start3A_266] : memref<512x64xf32, #tpu.memory_space<vmem>> -> memref<1x64xf32, #tpu.memory_space<vmem>>
      %dma_start3A_268 = arith.constant 0 : i32
      %dma_start3A_269 = tpu.memref_slice %arg4[%squeeze3A_259, %dma_start3A_268] : memref<1000000x64xf32, #tpu.memory_space<hbm>> -> memref<1x64xf32, #tpu.memory_space<hbm>>
      %dma_start3A_270 = arith.constant 0 : i32
      %dma_start3A_271 = tpu.memref_slice %arg9[%add3A_265, %dma_start3A_270] : memref<512x64xf32, #tpu.memory_space<vmem>> -> memref<1x64xf32, #tpu.memory_space<vmem>>
      %dma_start3A_272 = arith.constant 0 : i32
      %dma_start3A_273 = tpu.memref_slice %arg4[%squeeze3A_259, %dma_start3A_272] : memref<1000000x64xf32, #tpu.memory_space<hbm>> -> memref<1x64xf32, #tpu.memory_space<hbm>>
      tpu.enqueue_dma source(%dma_start3A_273 : memref<1x64xf32, #tpu.memory_space<hbm>>) target(%dma_start3A_271 : memref<1x64xf32, #tpu.memory_space<vmem>>) target_semaphore(%arg13 : memref<!tpu.dma_semaphore, #tpu.memory_space<semaphore_mem>>)
      %slice3A_274 = vector.extract_strided_slice %get3A_147 {offsets = [8], sizes = [1], strides = [1]} : vector<16xi32> to vector<1xi32>
      %squeeze3A_275 = vector.extract %slice3A_274[0] : i32 from vector<1xi32>
      %mul3A_276 = arith.constant 16 : i32
      %mul3A_277 = arith.muli %scan3A_141, %mul3A_276 : i32
      %add3A_278 = arith.constant 128 : i32
      %add3A_279 = arith.addi %add3A_278, %mul3A_277 : i32
      %add3A_280 = arith.constant 8 : i32
      %add3A_281 = arith.addi %add3A_279, %add3A_280 : i32
      %dma_start3A_282 = arith.constant 0 : i32
      %dma_start3A_283 = tpu.memref_slice %arg9[%add3A_281, %dma_start3A_282] : memref<512x64xf32, #tpu.memory_space<vmem>> -> memref<1x64xf32, #tpu.memory_space<vmem>>
      %dma_start3A_284 = arith.constant 0 : i32
      %dma_start3A_285 = tpu.memref_slice %arg4[%squeeze3A_275, %dma_start3A_284] : memref<1000000x64xf32, #tpu.memory_space<hbm>> -> memref<1x64xf32, #tpu.memory_space<hbm>>
      %dma_start3A_286 = arith.constant 0 : i32
      %dma_start3A_287 = tpu.memref_slice %arg9[%add3A_281, %dma_start3A_286] : memref<512x64xf32, #tpu.memory_space<vmem>> -> memref<1x64xf32, #tpu.memory_space<vmem>>
      %dma_start3A_288 = arith.constant 0 : i32
      %dma_start3A_289 = tpu.memref_slice %arg4[%squeeze3A_275, %dma_start3A_288] : memref<1000000x64xf32, #tpu.memory_space<hbm>> -> memref<1x64xf32, #tpu.memory_space<hbm>>
      tpu.enqueue_dma source(%dma_start3A_289 : memref<1x64xf32, #tpu.memory_space<hbm>>) target(%dma_start3A_287 : memref<1x64xf32, #tpu.memory_space<vmem>>) target_semaphore(%arg13 : memref<!tpu.dma_semaphore, #tpu.memory_space<semaphore_mem>>)
      %slice3A_290 = vector.extract_strided_slice %get3A_147 {offsets = [9], sizes = [1], strides = [1]} : vector<16xi32> to vector<1xi32>
      %squeeze3A_291 = vector.extract %slice3A_290[0] : i32 from vector<1xi32>
      %mul3A_292 = arith.constant 16 : i32
      %mul3A_293 = arith.muli %scan3A_141, %mul3A_292 : i32
      %add3A_294 = arith.constant 128 : i32
      %add3A_295 = arith.addi %add3A_294, %mul3A_293 : i32
      %add3A_296 = arith.constant 9 : i32
      %add3A_297 = arith.addi %add3A_295, %add3A_296 : i32
      %dma_start3A_298 = arith.constant 0 : i32
      %dma_start3A_299 = tpu.memref_slice %arg9[%add3A_297, %dma_start3A_298] : memref<512x64xf32, #tpu.memory_space<vmem>> -> memref<1x64xf32, #tpu.memory_space<vmem>>
      %dma_start3A_300 = arith.constant 0 : i32
      %dma_start3A_301 = tpu.memref_slice %arg4[%squeeze3A_291, %dma_start3A_300] : memref<1000000x64xf32, #tpu.memory_space<hbm>> -> memref<1x64xf32, #tpu.memory_space<hbm>>
      %dma_start3A_302 = arith.constant 0 : i32
      %dma_start3A_303 = tpu.memref_slice %arg9[%add3A_297, %dma_start3A_302] : memref<512x64xf32, #tpu.memory_space<vmem>> -> memref<1x64xf32, #tpu.memory_space<vmem>>
      %dma_start3A_304 = arith.constant 0 : i32
      %dma_start3A_305 = tpu.memref_slice %arg4[%squeeze3A_291, %dma_start3A_304] : memref<1000000x64xf32, #tpu.memory_space<hbm>> -> memref<1x64xf32, #tpu.memory_space<hbm>>
      tpu.enqueue_dma source(%dma_start3A_305 : memref<1x64xf32, #tpu.memory_space<hbm>>) target(%dma_start3A_303 : memref<1x64xf32, #tpu.memory_space<vmem>>) target_semaphore(%arg13 : memref<!tpu.dma_semaphore, #tpu.memory_space<semaphore_mem>>)
      %slice3A_306 = vector.extract_strided_slice %get3A_147 {offsets = [10], sizes = [1], strides = [1]} : vector<16xi32> to vector<1xi32>
      %squeeze3A_307 = vector.extract %slice3A_306[0] : i32 from vector<1xi32>
      %mul3A_308 = arith.constant 16 : i32
      %mul3A_309 = arith.muli %scan3A_141, %mul3A_308 : i32
      %add3A_310 = arith.constant 128 : i32
      %add3A_311 = arith.addi %add3A_310, %mul3A_309 : i32
      %add3A_312 = arith.constant 10 : i32
      %add3A_313 = arith.addi %add3A_311, %add3A_312 : i32
      %dma_start3A_314 = arith.constant 0 : i32
      %dma_start3A_315 = tpu.memref_slice %arg9[%add3A_313, %dma_start3A_314] : memref<512x64xf32, #tpu.memory_space<vmem>> -> memref<1x64xf32, #tpu.memory_space<vmem>>
      %dma_start3A_316 = arith.constant 0 : i32
      %dma_start3A_317 = tpu.memref_slice %arg4[%squeeze3A_307, %dma_start3A_316] : memref<1000000x64xf32, #tpu.memory_space<hbm>> -> memref<1x64xf32, #tpu.memory_space<hbm>>
      %dma_start3A_318 = arith.constant 0 : i32
      %dma_start3A_319 = tpu.memref_slice %arg9[%add3A_313, %dma_start3A_318] : memref<512x64xf32, #tpu.memory_space<vmem>> -> memref<1x64xf32, #tpu.memory_space<vmem>>
      %dma_start3A_320 = arith.constant 0 : i32
      %dma_start3A_321 = tpu.memref_slice %arg4[%squeeze3A_307, %dma_start3A_320] : memref<1000000x64xf32, #tpu.memory_space<hbm>> -> memref<1x64xf32, #tpu.memory_space<hbm>>
      tpu.enqueue_dma source(%dma_start3A_321 : memref<1x64xf32, #tpu.memory_space<hbm>>) target(%dma_start3A_319 : memref<1x64xf32, #tpu.memory_space<vmem>>) target_semaphore(%arg13 : memref<!tpu.dma_semaphore, #tpu.memory_space<semaphore_mem>>)
      %slice3A_322 = vector.extract_strided_slice %get3A_147 {offsets = [11], sizes = [1], strides = [1]} : vector<16xi32> to vector<1xi32>
      %squeeze3A_323 = vector.extract %slice3A_322[0] : i32 from vector<1xi32>
      %mul3A_324 = arith.constant 16 : i32
      %mul3A_325 = arith.muli %scan3A_141, %mul3A_324 : i32
      %add3A_326 = arith.constant 128 : i32
      %add3A_327 = arith.addi %add3A_326, %mul3A_325 : i32
      %add3A_328 = arith.constant 11 : i32
      %add3A_329 = arith.addi %add3A_327, %add3A_328 : i32
      %dma_start3A_330 = arith.constant 0 : i32
      %dma_start3A_331 = tpu.memref_slice %arg9[%add3A_329, %dma_start3A_330] : memref<512x64xf32, #tpu.memory_space<vmem>> -> memref<1x64xf32, #tpu.memory_space<vmem>>
      %dma_start3A_332 = arith.constant 0 : i32
      %dma_start3A_333 = tpu.memref_slice %arg4[%squeeze3A_323, %dma_start3A_332] : memref<1000000x64xf32, #tpu.memory_space<hbm>> -> memref<1x64xf32, #tpu.memory_space<hbm>>
      %dma_start3A_334 = arith.constant 0 : i32
      %dma_start3A_335 = tpu.memref_slice %arg9[%add3A_329, %dma_start3A_334] : memref<512x64xf32, #tpu.memory_space<vmem>> -> memref<1x64xf32, #tpu.memory_space<vmem>>
      %dma_start3A_336 = arith.constant 0 : i32
      %dma_start3A_337 = tpu.memref_slice %arg4[%squeeze3A_323, %dma_start3A_336] : memref<1000000x64xf32, #tpu.memory_space<hbm>> -> memref<1x64xf32, #tpu.memory_space<hbm>>
      tpu.enqueue_dma source(%dma_start3A_337 : memref<1x64xf32, #tpu.memory_space<hbm>>) target(%dma_start3A_335 : memref<1x64xf32, #tpu.memory_space<vmem>>) target_semaphore(%arg13 : memref<!tpu.dma_semaphore, #tpu.memory_space<semaphore_mem>>)
      %slice3A_338 = vector.extract_strided_slice %get3A_147 {offsets = [12], sizes = [1], strides = [1]} : vector<16xi32> to vector<1xi32>
      %squeeze3A_339 = vector.extract %slice3A_338[0] : i32 from vector<1xi32>
      %mul3A_340 = arith.constant 16 : i32
      %mul3A_341 = arith.muli %scan3A_141, %mul3A_340 : i32
      %add3A_342 = arith.constant 128 : i32
      %add3A_343 = arith.addi %add3A_342, %mul3A_341 : i32
      %add3A_344 = arith.constant 12 : i32
      %add3A_345 = arith.addi %add3A_343, %add3A_344 : i32
      %dma_start3A_346 = arith.constant 0 : i32
      %dma_start3A_347 = tpu.memref_slice %arg9[%add3A_345, %dma_start3A_346] : memref<512x64xf32, #tpu.memory_space<vmem>> -> memref<1x64xf32, #tpu.memory_space<vmem>>
      %dma_start3A_348 = arith.constant 0 : i32
      %dma_start3A_349 = tpu.memref_slice %arg4[%squeeze3A_339, %dma_start3A_348] : memref<1000000x64xf32, #tpu.memory_space<hbm>> -> memref<1x64xf32, #tpu.memory_space<hbm>>
      %dma_start3A_350 = arith.constant 0 : i32
      %dma_start3A_351 = tpu.memref_slice %arg9[%add3A_345, %dma_start3A_350] : memref<512x64xf32, #tpu.memory_space<vmem>> -> memref<1x64xf32, #tpu.memory_space<vmem>>
      %dma_start3A_352 = arith.constant 0 : i32
      %dma_start3A_353 = tpu.memref_slice %arg4[%squeeze3A_339, %dma_start3A_352] : memref<1000000x64xf32, #tpu.memory_space<hbm>> -> memref<1x64xf32, #tpu.memory_space<hbm>>
      tpu.enqueue_dma source(%dma_start3A_353 : memref<1x64xf32, #tpu.memory_space<hbm>>) target(%dma_start3A_351 : memref<1x64xf32, #tpu.memory_space<vmem>>) target_semaphore(%arg13 : memref<!tpu.dma_semaphore, #tpu.memory_space<semaphore_mem>>)
      %slice3A_354 = vector.extract_strided_slice %get3A_147 {offsets = [13], sizes = [1], strides = [1]} : vector<16xi32> to vector<1xi32>
      %squeeze3A_355 = vector.extract %slice3A_354[0] : i32 from vector<1xi32>
      %mul3A_356 = arith.constant 16 : i32
      %mul3A_357 = arith.muli %scan3A_141, %mul3A_356 : i32
      %add3A_358 = arith.constant 128 : i32
      %add3A_359 = arith.addi %add3A_358, %mul3A_357 : i32
      %add3A_360 = arith.constant 13 : i32
      %add3A_361 = arith.addi %add3A_359, %add3A_360 : i32
      %dma_start3A_362 = arith.constant 0 : i32
      %dma_start3A_363 = tpu.memref_slice %arg9[%add3A_361, %dma_start3A_362] : memref<512x64xf32, #tpu.memory_space<vmem>> -> memref<1x64xf32, #tpu.memory_space<vmem>>
      %dma_start3A_364 = arith.constant 0 : i32
      %dma_start3A_365 = tpu.memref_slice %arg4[%squeeze3A_355, %dma_start3A_364] : memref<1000000x64xf32, #tpu.memory_space<hbm>> -> memref<1x64xf32, #tpu.memory_space<hbm>>
      %dma_start3A_366 = arith.constant 0 : i32
      %dma_start3A_367 = tpu.memref_slice %arg9[%add3A_361, %dma_start3A_366] : memref<512x64xf32, #tpu.memory_space<vmem>> -> memref<1x64xf32, #tpu.memory_space<vmem>>
      %dma_start3A_368 = arith.constant 0 : i32
      %dma_start3A_369 = tpu.memref_slice %arg4[%squeeze3A_355, %dma_start3A_368] : memref<1000000x64xf32, #tpu.memory_space<hbm>> -> memref<1x64xf32, #tpu.memory_space<hbm>>
      tpu.enqueue_dma source(%dma_start3A_369 : memref<1x64xf32, #tpu.memory_space<hbm>>) target(%dma_start3A_367 : memref<1x64xf32, #tpu.memory_space<vmem>>) target_semaphore(%arg13 : memref<!tpu.dma_semaphore, #tpu.memory_space<semaphore_mem>>)
      %slice3A_370 = vector.extract_strided_slice %get3A_147 {offsets = [14], sizes = [1], strides = [1]} : vector<16xi32> to vector<1xi32>
      %squeeze3A_371 = vector.extract %slice3A_370[0] : i32 from vector<1xi32>
      %mul3A_372 = arith.constant 16 : i32
      %mul3A_373 = arith.muli %scan3A_141, %mul3A_372 : i32
      %add3A_374 = arith.constant 128 : i32
      %add3A_375 = arith.addi %add3A_374, %mul3A_373 : i32
      %add3A_376 = arith.constant 14 : i32
      %add3A_377 = arith.addi %add3A_375, %add3A_376 : i32
      %dma_start3A_378 = arith.constant 0 : i32
      %dma_start3A_379 = tpu.memref_slice %arg9[%add3A_377, %dma_start3A_378] : memref<512x64xf32, #tpu.memory_space<vmem>> -> memref<1x64xf32, #tpu.memory_space<vmem>>
      %dma_start3A_380 = arith.constant 0 : i32
      %dma_start3A_381 = tpu.memref_slice %arg4[%squeeze3A_371, %dma_start3A_380] : memref<1000000x64xf32, #tpu.memory_space<hbm>> -> memref<1x64xf32, #tpu.memory_space<hbm>>
      %dma_start3A_382 = arith.constant 0 : i32
      %dma_start3A_383 = tpu.memref_slice %arg9[%add3A_377, %dma_start3A_382] : memref<512x64xf32, #tpu.memory_space<vmem>> -> memref<1x64xf32, #tpu.memory_space<vmem>>
      %dma_start3A_384 = arith.constant 0 : i32
      %dma_start3A_385 = tpu.memref_slice %arg4[%squeeze3A_371, %dma_start3A_384] : memref<1000000x64xf32, #tpu.memory_space<hbm>> -> memref<1x64xf32, #tpu.memory_space<hbm>>
      tpu.enqueue_dma source(%dma_start3A_385 : memref<1x64xf32, #tpu.memory_space<hbm>>) target(%dma_start3A_383 : memref<1x64xf32, #tpu.memory_space<vmem>>) target_semaphore(%arg13 : memref<!tpu.dma_semaphore, #tpu.memory_space<semaphore_mem>>)
      %slice3A_386 = vector.extract_strided_slice %get3A_147 {offsets = [15], sizes = [1], strides = [1]} : vector<16xi32> to vector<1xi32>
      %squeeze3A_387 = vector.extract %slice3A_386[0] : i32 from vector<1xi32>
      %mul3A_388 = arith.constant 16 : i32
      %mul3A_389 = arith.muli %scan3A_141, %mul3A_388 : i32
      %add3A_390 = arith.constant 128 : i32
      %add3A_391 = arith.addi %add3A_390, %mul3A_389 : i32
      %add3A_392 = arith.constant 15 : i32
      %add3A_393 = arith.addi %add3A_391, %add3A_392 : i32
      %dma_start3A_394 = arith.constant 0 : i32
      %dma_start3A_395 = tpu.memref_slice %arg9[%add3A_393, %dma_start3A_394] : memref<512x64xf32, #tpu.memory_space<vmem>> -> memref<1x64xf32, #tpu.memory_space<vmem>>
      %dma_start3A_396 = arith.constant 0 : i32
      %dma_start3A_397 = tpu.memref_slice %arg4[%squeeze3A_387, %dma_start3A_396] : memref<1000000x64xf32, #tpu.memory_space<hbm>> -> memref<1x64xf32, #tpu.memory_space<hbm>>
      %dma_start3A_398 = arith.constant 0 : i32
      %dma_start3A_399 = tpu.memref_slice %arg9[%add3A_393, %dma_start3A_398] : memref<512x64xf32, #tpu.memory_space<vmem>> -> memref<1x64xf32, #tpu.memory_space<vmem>>
      %dma_start3A_400 = arith.constant 0 : i32
      %dma_start3A_401 = tpu.memref_slice %arg4[%squeeze3A_387, %dma_start3A_400] : memref<1000000x64xf32, #tpu.memory_space<hbm>> -> memref<1x64xf32, #tpu.memory_space<hbm>>
      tpu.enqueue_dma source(%dma_start3A_401 : memref<1x64xf32, #tpu.memory_space<hbm>>) target(%dma_start3A_399 : memref<1x64xf32, #tpu.memory_space<vmem>>) target_semaphore(%arg13 : memref<!tpu.dma_semaphore, #tpu.memory_space<semaphore_mem>>)
    }
    %scan3A_16 = arith.constant 8 : i32
    %scan3A_17 = arith.constant 0 : i32
    %scan3A_18 = arith.constant 0 : i32
    %scan3A_19 = arith.constant 8 : i32
    %scan3A_20 = arith.addi %scan3A_18, %scan3A_19 : i32
    %scan3A_21 = arith.constant 1 : i32
    scf.for %scan3A_141 = %scan3A_18 to %scan3A_20 step %scan3A_21  : i32 {
      %mul3A_142 = arith.constant 16 : i32
      %mul3A_143 = arith.muli %scan3A_141, %mul3A_142 : i32
      %add3A_144 = arith.constant 256 : i32
      %add3A_145 = arith.addi %add3A_144, %mul3A_143 : i32
      %get3A = arith.index_cast %add3A_145 : i32 to index
      %get3A_146 = tpu.vector_load %arg6[%get3A] {strides = array<i32>} : memref<512xi32, #tpu.memory_space<vmem>>, vector<16xi32>,
      %get3A_147 = vector.shape_cast %get3A_146 : vector<16xi32> to vector<16xi32>
      %slice3A = vector.extract_strided_slice %get3A_147 {offsets = [0], sizes = [1], strides = [1]} : vector<16xi32> to vector<1xi32>
      %squeeze3A = vector.extract %slice3A[0] : i32 from vector<1xi32>
      %mul3A_148 = arith.constant 16 : i32
      %mul3A_149 = arith.muli %scan3A_141, %mul3A_148 : i32
      %add3A_150 = arith.constant 256 : i32
      %add3A_151 = arith.addi %add3A_150, %mul3A_149 : i32
      %add3A_152 = arith.constant 0 : i32
      %add3A_153 = arith.addi %add3A_151, %add3A_152 : i32
      %dma_start3A_154 = arith.constant 0 : i32
      %dma_start3A_155 = tpu.memref_slice %arg9[%add3A_153, %dma_start3A_154] : memref<512x64xf32, #tpu.memory_space<vmem>> -> memref<1x64xf32, #tpu.memory_space<vmem>>
      %dma_start3A_156 = arith.constant 0 : i32
      %dma_start3A_157 = tpu.memref_slice %arg4[%squeeze3A, %dma_start3A_156] : memref<1000000x64xf32, #tpu.memory_space<hbm>> -> memref<1x64xf32, #tpu.memory_space<hbm>>
      %dma_start3A_158 = arith.constant 0 : i32
      %dma_start3A_159 = tpu.memref_slice %arg9[%add3A_153, %dma_start3A_158] : memref<512x64xf32, #tpu.memory_space<vmem>> -> memref<1x64xf32, #tpu.memory_space<vmem>>
      %dma_start3A_160 = arith.constant 0 : i32
      %dma_start3A_161 = tpu.memref_slice %arg4[%squeeze3A, %dma_start3A_160] : memref<1000000x64xf32, #tpu.memory_space<hbm>> -> memref<1x64xf32, #tpu.memory_space<hbm>>
      tpu.enqueue_dma source(%dma_start3A_161 : memref<1x64xf32, #tpu.memory_space<hbm>>) target(%dma_start3A_159 : memref<1x64xf32, #tpu.memory_space<vmem>>) target_semaphore(%arg14 : memref<!tpu.dma_semaphore, #tpu.memory_space<semaphore_mem>>)
      %slice3A_162 = vector.extract_strided_slice %get3A_147 {offsets = [1], sizes = [1], strides = [1]} : vector<16xi32> to vector<1xi32>
      %squeeze3A_163 = vector.extract %slice3A_162[0] : i32 from vector<1xi32>
      %mul3A_164 = arith.constant 16 : i32
      %mul3A_165 = arith.muli %scan3A_141, %mul3A_164 : i32
      %add3A_166 = arith.constant 256 : i32
      %add3A_167 = arith.addi %add3A_166, %mul3A_165 : i32
      %add3A_168 = arith.constant 1 : i32
      %add3A_169 = arith.addi %add3A_167, %add3A_168 : i32
      %dma_start3A_170 = arith.constant 0 : i32
      %dma_start3A_171 = tpu.memref_slice %arg9[%add3A_169, %dma_start3A_170] : memref<512x64xf32, #tpu.memory_space<vmem>> -> memref<1x64xf32, #tpu.memory_space<vmem>>
      %dma_start3A_172 = arith.constant 0 : i32
      %dma_start3A_173 = tpu.memref_slice %arg4[%squeeze3A_163, %dma_start3A_172] : memref<1000000x64xf32, #tpu.memory_space<hbm>> -> memref<1x64xf32, #tpu.memory_space<hbm>>
      %dma_start3A_174 = arith.constant 0 : i32
      %dma_start3A_175 = tpu.memref_slice %arg9[%add3A_169, %dma_start3A_174] : memref<512x64xf32, #tpu.memory_space<vmem>> -> memref<1x64xf32, #tpu.memory_space<vmem>>
      %dma_start3A_176 = arith.constant 0 : i32
      %dma_start3A_177 = tpu.memref_slice %arg4[%squeeze3A_163, %dma_start3A_176] : memref<1000000x64xf32, #tpu.memory_space<hbm>> -> memref<1x64xf32, #tpu.memory_space<hbm>>
      tpu.enqueue_dma source(%dma_start3A_177 : memref<1x64xf32, #tpu.memory_space<hbm>>) target(%dma_start3A_175 : memref<1x64xf32, #tpu.memory_space<vmem>>) target_semaphore(%arg14 : memref<!tpu.dma_semaphore, #tpu.memory_space<semaphore_mem>>)
      %slice3A_178 = vector.extract_strided_slice %get3A_147 {offsets = [2], sizes = [1], strides = [1]} : vector<16xi32> to vector<1xi32>
      %squeeze3A_179 = vector.extract %slice3A_178[0] : i32 from vector<1xi32>
      %mul3A_180 = arith.constant 16 : i32
      %mul3A_181 = arith.muli %scan3A_141, %mul3A_180 : i32
      %add3A_182 = arith.constant 256 : i32
      %add3A_183 = arith.addi %add3A_182, %mul3A_181 : i32
      %add3A_184 = arith.constant 2 : i32
      %add3A_185 = arith.addi %add3A_183, %add3A_184 : i32
      %dma_start3A_186 = arith.constant 0 : i32
      %dma_start3A_187 = tpu.memref_slice %arg9[%add3A_185, %dma_start3A_186] : memref<512x64xf32, #tpu.memory_space<vmem>> -> memref<1x64xf32, #tpu.memory_space<vmem>>
      %dma_start3A_188 = arith.constant 0 : i32
      %dma_start3A_189 = tpu.memref_slice %arg4[%squeeze3A_179, %dma_start3A_188] : memref<1000000x64xf32, #tpu.memory_space<hbm>> -> memref<1x64xf32, #tpu.memory_space<hbm>>
      %dma_start3A_190 = arith.constant 0 : i32
      %dma_start3A_191 = tpu.memref_slice %arg9[%add3A_185, %dma_start3A_190] : memref<512x64xf32, #tpu.memory_space<vmem>> -> memref<1x64xf32, #tpu.memory_space<vmem>>
      %dma_start3A_192 = arith.constant 0 : i32
      %dma_start3A_193 = tpu.memref_slice %arg4[%squeeze3A_179, %dma_start3A_192] : memref<1000000x64xf32, #tpu.memory_space<hbm>> -> memref<1x64xf32, #tpu.memory_space<hbm>>
      tpu.enqueue_dma source(%dma_start3A_193 : memref<1x64xf32, #tpu.memory_space<hbm>>) target(%dma_start3A_191 : memref<1x64xf32, #tpu.memory_space<vmem>>) target_semaphore(%arg14 : memref<!tpu.dma_semaphore, #tpu.memory_space<semaphore_mem>>)
      %slice3A_194 = vector.extract_strided_slice %get3A_147 {offsets = [3], sizes = [1], strides = [1]} : vector<16xi32> to vector<1xi32>
      %squeeze3A_195 = vector.extract %slice3A_194[0] : i32 from vector<1xi32>
      %mul3A_196 = arith.constant 16 : i32
      %mul3A_197 = arith.muli %scan3A_141, %mul3A_196 : i32
      %add3A_198 = arith.constant 256 : i32
      %add3A_199 = arith.addi %add3A_198, %mul3A_197 : i32
      %add3A_200 = arith.constant 3 : i32
      %add3A_201 = arith.addi %add3A_199, %add3A_200 : i32
      %dma_start3A_202 = arith.constant 0 : i32
      %dma_start3A_203 = tpu.memref_slice %arg9[%add3A_201, %dma_start3A_202] : memref<512x64xf32, #tpu.memory_space<vmem>> -> memref<1x64xf32, #tpu.memory_space<vmem>>
      %dma_start3A_204 = arith.constant 0 : i32
      %dma_start3A_205 = tpu.memref_slice %arg4[%squeeze3A_195, %dma_start3A_204] : memref<1000000x64xf32, #tpu.memory_space<hbm>> -> memref<1x64xf32, #tpu.memory_space<hbm>>
      %dma_start3A_206 = arith.constant 0 : i32
      %dma_start3A_207 = tpu.memref_slice %arg9[%add3A_201, %dma_start3A_206] : memref<512x64xf32, #tpu.memory_space<vmem>> -> memref<1x64xf32, #tpu.memory_space<vmem>>
      %dma_start3A_208 = arith.constant 0 : i32
      %dma_start3A_209 = tpu.memref_slice %arg4[%squeeze3A_195, %dma_start3A_208] : memref<1000000x64xf32, #tpu.memory_space<hbm>> -> memref<1x64xf32, #tpu.memory_space<hbm>>
      tpu.enqueue_dma source(%dma_start3A_209 : memref<1x64xf32, #tpu.memory_space<hbm>>) target(%dma_start3A_207 : memref<1x64xf32, #tpu.memory_space<vmem>>) target_semaphore(%arg14 : memref<!tpu.dma_semaphore, #tpu.memory_space<semaphore_mem>>)
      %slice3A_210 = vector.extract_strided_slice %get3A_147 {offsets = [4], sizes = [1], strides = [1]} : vector<16xi32> to vector<1xi32>
      %squeeze3A_211 = vector.extract %slice3A_210[0] : i32 from vector<1xi32>
      %mul3A_212 = arith.constant 16 : i32
      %mul3A_213 = arith.muli %scan3A_141, %mul3A_212 : i32
      %add3A_214 = arith.constant 256 : i32
      %add3A_215 = arith.addi %add3A_214, %mul3A_213 : i32
      %add3A_216 = arith.constant 4 : i32
      %add3A_217 = arith.addi %add3A_215, %add3A_216 : i32
      %dma_start3A_218 = arith.constant 0 : i32
      %dma_start3A_219 = tpu.memref_slice %arg9[%add3A_217, %dma_start3A_218] : memref<512x64xf32, #tpu.memory_space<vmem>> -> memref<1x64xf32, #tpu.memory_space<vmem>>
      %dma_start3A_220 = arith.constant 0 : i32
      %dma_start3A_221 = tpu.memref_slice %arg4[%squeeze3A_211, %dma_start3A_220] : memref<1000000x64xf32, #tpu.memory_space<hbm>> -> memref<1x64xf32, #tpu.memory_space<hbm>>
      %dma_start3A_222 = arith.constant 0 : i32
      %dma_start3A_223 = tpu.memref_slice %arg9[%add3A_217, %dma_start3A_222] : memref<512x64xf32, #tpu.memory_space<vmem>> -> memref<1x64xf32, #tpu.memory_space<vmem>>
      %dma_start3A_224 = arith.constant 0 : i32
      %dma_start3A_225 = tpu.memref_slice %arg4[%squeeze3A_211, %dma_start3A_224] : memref<1000000x64xf32, #tpu.memory_space<hbm>> -> memref<1x64xf32, #tpu.memory_space<hbm>>
      tpu.enqueue_dma source(%dma_start3A_225 : memref<1x64xf32, #tpu.memory_space<hbm>>) target(%dma_start3A_223 : memref<1x64xf32, #tpu.memory_space<vmem>>) target_semaphore(%arg14 : memref<!tpu.dma_semaphore, #tpu.memory_space<semaphore_mem>>)
      %slice3A_226 = vector.extract_strided_slice %get3A_147 {offsets = [5], sizes = [1], strides = [1]} : vector<16xi32> to vector<1xi32>
      %squeeze3A_227 = vector.extract %slice3A_226[0] : i32 from vector<1xi32>
      %mul3A_228 = arith.constant 16 : i32
      %mul3A_229 = arith.muli %scan3A_141, %mul3A_228 : i32
      %add3A_230 = arith.constant 256 : i32
      %add3A_231 = arith.addi %add3A_230, %mul3A_229 : i32
      %add3A_232 = arith.constant 5 : i32
      %add3A_233 = arith.addi %add3A_231, %add3A_232 : i32
      %dma_start3A_234 = arith.constant 0 : i32
      %dma_start3A_235 = tpu.memref_slice %arg9[%add3A_233, %dma_start3A_234] : memref<512x64xf32, #tpu.memory_space<vmem>> -> memref<1x64xf32, #tpu.memory_space<vmem>>
      %dma_start3A_236 = arith.constant 0 : i32
      %dma_start3A_237 = tpu.memref_slice %arg4[%squeeze3A_227, %dma_start3A_236] : memref<1000000x64xf32, #tpu.memory_space<hbm>> -> memref<1x64xf32, #tpu.memory_space<hbm>>
      %dma_start3A_238 = arith.constant 0 : i32
      %dma_start3A_239 = tpu.memref_slice %arg9[%add3A_233, %dma_start3A_238] : memref<512x64xf32, #tpu.memory_space<vmem>> -> memref<1x64xf32, #tpu.memory_space<vmem>>
      %dma_start3A_240 = arith.constant 0 : i32
      %dma_start3A_241 = tpu.memref_slice %arg4[%squeeze3A_227, %dma_start3A_240] : memref<1000000x64xf32, #tpu.memory_space<hbm>> -> memref<1x64xf32, #tpu.memory_space<hbm>>
      tpu.enqueue_dma source(%dma_start3A_241 : memref<1x64xf32, #tpu.memory_space<hbm>>) target(%dma_start3A_239 : memref<1x64xf32, #tpu.memory_space<vmem>>) target_semaphore(%arg14 : memref<!tpu.dma_semaphore, #tpu.memory_space<semaphore_mem>>)
      %slice3A_242 = vector.extract_strided_slice %get3A_147 {offsets = [6], sizes = [1], strides = [1]} : vector<16xi32> to vector<1xi32>
      %squeeze3A_243 = vector.extract %slice3A_242[0] : i32 from vector<1xi32>
      %mul3A_244 = arith.constant 16 : i32
      %mul3A_245 = arith.muli %scan3A_141, %mul3A_244 : i32
      %add3A_246 = arith.constant 256 : i32
      %add3A_247 = arith.addi %add3A_246, %mul3A_245 : i32
      %add3A_248 = arith.constant 6 : i32
      %add3A_249 = arith.addi %add3A_247, %add3A_248 : i32
      %dma_start3A_250 = arith.constant 0 : i32
      %dma_start3A_251 = tpu.memref_slice %arg9[%add3A_249, %dma_start3A_250] : memref<512x64xf32, #tpu.memory_space<vmem>> -> memref<1x64xf32, #tpu.memory_space<vmem>>
      %dma_start3A_252 = arith.constant 0 : i32
      %dma_start3A_253 = tpu.memref_slice %arg4[%squeeze3A_243, %dma_start3A_252] : memref<1000000x64xf32, #tpu.memory_space<hbm>> -> memref<1x64xf32, #tpu.memory_space<hbm>>
      %dma_start3A_254 = arith.constant 0 : i32
      %dma_start3A_255 = tpu.memref_slice %arg9[%add3A_249, %dma_start3A_254] : memref<512x64xf32, #tpu.memory_space<vmem>> -> memref<1x64xf32, #tpu.memory_space<vmem>>
      %dma_start3A_256 = arith.constant 0 : i32
      %dma_start3A_257 = tpu.memref_slice %arg4[%squeeze3A_243, %dma_start3A_256] : memref<1000000x64xf32, #tpu.memory_space<hbm>> -> memref<1x64xf32, #tpu.memory_space<hbm>>
      tpu.enqueue_dma source(%dma_start3A_257 : memref<1x64xf32, #tpu.memory_space<hbm>>) target(%dma_start3A_255 : memref<1x64xf32, #tpu.memory_space<vmem>>) target_semaphore(%arg14 : memref<!tpu.dma_semaphore, #tpu.memory_space<semaphore_mem>>)
      %slice3A_258 = vector.extract_strided_slice %get3A_147 {offsets = [7], sizes = [1], strides = [1]} : vector<16xi32> to vector<1xi32>
      %squeeze3A_259 = vector.extract %slice3A_258[0] : i32 from vector<1xi32>
      %mul3A_260 = arith.constant 16 : i32
      %mul3A_261 = arith.muli %scan3A_141, %mul3A_260 : i32
      %add3A_262 = arith.constant 256 : i32
      %add3A_263 = arith.addi %add3A_262, %mul3A_261 : i32
      %add3A_264 = arith.constant 7 : i32
      %add3A_265 = arith.addi %add3A_263, %add3A_264 : i32
      %dma_start3A_266 = arith.constant 0 : i32
      %dma_start3A_267 = tpu.memref_slice %arg9[%add3A_265, %dma_start3A_266] : memref<512x64xf32, #tpu.memory_space<vmem>> -> memref<1x64xf32, #tpu.memory_space<vmem>>
      %dma_start3A_268 = arith.constant 0 : i32
      %dma_start3A_269 = tpu.memref_slice %arg4[%squeeze3A_259, %dma_start3A_268] : memref<1000000x64xf32, #tpu.memory_space<hbm>> -> memref<1x64xf32, #tpu.memory_space<hbm>>
      %dma_start3A_270 = arith.constant 0 : i32
      %dma_start3A_271 = tpu.memref_slice %arg9[%add3A_265, %dma_start3A_270] : memref<512x64xf32, #tpu.memory_space<vmem>> -> memref<1x64xf32, #tpu.memory_space<vmem>>
      %dma_start3A_272 = arith.constant 0 : i32
      %dma_start3A_273 = tpu.memref_slice %arg4[%squeeze3A_259, %dma_start3A_272] : memref<1000000x64xf32, #tpu.memory_space<hbm>> -> memref<1x64xf32, #tpu.memory_space<hbm>>
      tpu.enqueue_dma source(%dma_start3A_273 : memref<1x64xf32, #tpu.memory_space<hbm>>) target(%dma_start3A_271 : memref<1x64xf32, #tpu.memory_space<vmem>>) target_semaphore(%arg14 : memref<!tpu.dma_semaphore, #tpu.memory_space<semaphore_mem>>)
      %slice3A_274 = vector.extract_strided_slice %get3A_147 {offsets = [8], sizes = [1], strides = [1]} : vector<16xi32> to vector<1xi32>
      %squeeze3A_275 = vector.extract %slice3A_274[0] : i32 from vector<1xi32>
      %mul3A_276 = arith.constant 16 : i32
      %mul3A_277 = arith.muli %scan3A_141, %mul3A_276 : i32
      %add3A_278 = arith.constant 256 : i32
      %add3A_279 = arith.addi %add3A_278, %mul3A_277 : i32
      %add3A_280 = arith.constant 8 : i32
      %add3A_281 = arith.addi %add3A_279, %add3A_280 : i32
      %dma_start3A_282 = arith.constant 0 : i32
      %dma_start3A_283 = tpu.memref_slice %arg9[%add3A_281, %dma_start3A_282] : memref<512x64xf32, #tpu.memory_space<vmem>> -> memref<1x64xf32, #tpu.memory_space<vmem>>
      %dma_start3A_284 = arith.constant 0 : i32
      %dma_start3A_285 = tpu.memref_slice %arg4[%squeeze3A_275, %dma_start3A_284] : memref<1000000x64xf32, #tpu.memory_space<hbm>> -> memref<1x64xf32, #tpu.memory_space<hbm>>
      %dma_start3A_286 = arith.constant 0 : i32
      %dma_start3A_287 = tpu.memref_slice %arg9[%add3A_281, %dma_start3A_286] : memref<512x64xf32, #tpu.memory_space<vmem>> -> memref<1x64xf32, #tpu.memory_space<vmem>>
      %dma_start3A_288 = arith.constant 0 : i32
      %dma_start3A_289 = tpu.memref_slice %arg4[%squeeze3A_275, %dma_start3A_288] : memref<1000000x64xf32, #tpu.memory_space<hbm>> -> memref<1x64xf32, #tpu.memory_space<hbm>>
      tpu.enqueue_dma source(%dma_start3A_289 : memref<1x64xf32, #tpu.memory_space<hbm>>) target(%dma_start3A_287 : memref<1x64xf32, #tpu.memory_space<vmem>>) target_semaphore(%arg14 : memref<!tpu.dma_semaphore, #tpu.memory_space<semaphore_mem>>)
      %slice3A_290 = vector.extract_strided_slice %get3A_147 {offsets = [9], sizes = [1], strides = [1]} : vector<16xi32> to vector<1xi32>
      %squeeze3A_291 = vector.extract %slice3A_290[0] : i32 from vector<1xi32>
      %mul3A_292 = arith.constant 16 : i32
      %mul3A_293 = arith.muli %scan3A_141, %mul3A_292 : i32
      %add3A_294 = arith.constant 256 : i32
      %add3A_295 = arith.addi %add3A_294, %mul3A_293 : i32
      %add3A_296 = arith.constant 9 : i32
      %add3A_297 = arith.addi %add3A_295, %add3A_296 : i32
      %dma_start3A_298 = arith.constant 0 : i32
      %dma_start3A_299 = tpu.memref_slice %arg9[%add3A_297, %dma_start3A_298] : memref<512x64xf32, #tpu.memory_space<vmem>> -> memref<1x64xf32, #tpu.memory_space<vmem>>
      %dma_start3A_300 = arith.constant 0 : i32
      %dma_start3A_301 = tpu.memref_slice %arg4[%squeeze3A_291, %dma_start3A_300] : memref<1000000x64xf32, #tpu.memory_space<hbm>> -> memref<1x64xf32, #tpu.memory_space<hbm>>
      %dma_start3A_302 = arith.constant 0 : i32
      %dma_start3A_303 = tpu.memref_slice %arg9[%add3A_297, %dma_start3A_302] : memref<512x64xf32, #tpu.memory_space<vmem>> -> memref<1x64xf32, #tpu.memory_space<vmem>>
      %dma_start3A_304 = arith.constant 0 : i32
      %dma_start3A_305 = tpu.memref_slice %arg4[%squeeze3A_291, %dma_start3A_304] : memref<1000000x64xf32, #tpu.memory_space<hbm>> -> memref<1x64xf32, #tpu.memory_space<hbm>>
      tpu.enqueue_dma source(%dma_start3A_305 : memref<1x64xf32, #tpu.memory_space<hbm>>) target(%dma_start3A_303 : memref<1x64xf32, #tpu.memory_space<vmem>>) target_semaphore(%arg14 : memref<!tpu.dma_semaphore, #tpu.memory_space<semaphore_mem>>)
      %slice3A_306 = vector.extract_strided_slice %get3A_147 {offsets = [10], sizes = [1], strides = [1]} : vector<16xi32> to vector<1xi32>
      %squeeze3A_307 = vector.extract %slice3A_306[0] : i32 from vector<1xi32>
      %mul3A_308 = arith.constant 16 : i32
      %mul3A_309 = arith.muli %scan3A_141, %mul3A_308 : i32
      %add3A_310 = arith.constant 256 : i32
      %add3A_311 = arith.addi %add3A_310, %mul3A_309 : i32
      %add3A_312 = arith.constant 10 : i32
      %add3A_313 = arith.addi %add3A_311, %add3A_312 : i32
      %dma_start3A_314 = arith.constant 0 : i32
      %dma_start3A_315 = tpu.memref_slice %arg9[%add3A_313, %dma_start3A_314] : memref<512x64xf32, #tpu.memory_space<vmem>> -> memref<1x64xf32, #tpu.memory_space<vmem>>
      %dma_start3A_316 = arith.constant 0 : i32
      %dma_start3A_317 = tpu.memref_slice %arg4[%squeeze3A_307, %dma_start3A_316] : memref<1000000x64xf32, #tpu.memory_space<hbm>> -> memref<1x64xf32, #tpu.memory_space<hbm>>
      %dma_start3A_318 = arith.constant 0 : i32
      %dma_start3A_319 = tpu.memref_slice %arg9[%add3A_313, %dma_start3A_318] : memref<512x64xf32, #tpu.memory_space<vmem>> -> memref<1x64xf32, #tpu.memory_space<vmem>>
      %dma_start3A_320 = arith.constant 0 : i32
      %dma_start3A_321 = tpu.memref_slice %arg4[%squeeze3A_307, %dma_start3A_320] : memref<1000000x64xf32, #tpu.memory_space<hbm>> -> memref<1x64xf32, #tpu.memory_space<hbm>>
      tpu.enqueue_dma source(%dma_start3A_321 : memref<1x64xf32, #tpu.memory_space<hbm>>) target(%dma_start3A_319 : memref<1x64xf32, #tpu.memory_space<vmem>>) target_semaphore(%arg14 : memref<!tpu.dma_semaphore, #tpu.memory_space<semaphore_mem>>)
      %slice3A_322 = vector.extract_strided_slice %get3A_147 {offsets = [11], sizes = [1], strides = [1]} : vector<16xi32> to vector<1xi32>
      %squeeze3A_323 = vector.extract %slice3A_322[0] : i32 from vector<1xi32>
      %mul3A_324 = arith.constant 16 : i32
      %mul3A_325 = arith.muli %scan3A_141, %mul3A_324 : i32
      %add3A_326 = arith.constant 256 : i32
      %add3A_327 = arith.addi %add3A_326, %mul3A_325 : i32
      %add3A_328 = arith.constant 11 : i32
      %add3A_329 = arith.addi %add3A_327, %add3A_328 : i32
      %dma_start3A_330 = arith.constant 0 : i32
      %dma_start3A_331 = tpu.memref_slice %arg9[%add3A_329, %dma_start3A_330] : memref<512x64xf32, #tpu.memory_space<vmem>> -> memref<1x64xf32, #tpu.memory_space<vmem>>
      %dma_start3A_332 = arith.constant 0 : i32
      %dma_start3A_333 = tpu.memref_slice %arg4[%squeeze3A_323, %dma_start3A_332] : memref<1000000x64xf32, #tpu.memory_space<hbm>> -> memref<1x64xf32, #tpu.memory_space<hbm>>
      %dma_start3A_334 = arith.constant 0 : i32
      %dma_start3A_335 = tpu.memref_slice %arg9[%add3A_329, %dma_start3A_334] : memref<512x64xf32, #tpu.memory_space<vmem>> -> memref<1x64xf32, #tpu.memory_space<vmem>>
      %dma_start3A_336 = arith.constant 0 : i32
      %dma_start3A_337 = tpu.memref_slice %arg4[%squeeze3A_323, %dma_start3A_336] : memref<1000000x64xf32, #tpu.memory_space<hbm>> -> memref<1x64xf32, #tpu.memory_space<hbm>>
      tpu.enqueue_dma source(%dma_start3A_337 : memref<1x64xf32, #tpu.memory_space<hbm>>) target(%dma_start3A_335 : memref<1x64xf32, #tpu.memory_space<vmem>>) target_semaphore(%arg14 : memref<!tpu.dma_semaphore, #tpu.memory_space<semaphore_mem>>)
      %slice3A_338 = vector.extract_strided_slice %get3A_147 {offsets = [12], sizes = [1], strides = [1]} : vector<16xi32> to vector<1xi32>
      %squeeze3A_339 = vector.extract %slice3A_338[0] : i32 from vector<1xi32>
      %mul3A_340 = arith.constant 16 : i32
      %mul3A_341 = arith.muli %scan3A_141, %mul3A_340 : i32
      %add3A_342 = arith.constant 256 : i32
      %add3A_343 = arith.addi %add3A_342, %mul3A_341 : i32
      %add3A_344 = arith.constant 12 : i32
      %add3A_345 = arith.addi %add3A_343, %add3A_344 : i32
      %dma_start3A_346 = arith.constant 0 : i32
      %dma_start3A_347 = tpu.memref_slice %arg9[%add3A_345, %dma_start3A_346] : memref<512x64xf32, #tpu.memory_space<vmem>> -> memref<1x64xf32, #tpu.memory_space<vmem>>
      %dma_start3A_348 = arith.constant 0 : i32
      %dma_start3A_349 = tpu.memref_slice %arg4[%squeeze3A_339, %dma_start3A_348] : memref<1000000x64xf32, #tpu.memory_space<hbm>> -> memref<1x64xf32, #tpu.memory_space<hbm>>
      %dma_start3A_350 = arith.constant 0 : i32
      %dma_start3A_351 = tpu.memref_slice %arg9[%add3A_345, %dma_start3A_350] : memref<512x64xf32, #tpu.memory_space<vmem>> -> memref<1x64xf32, #tpu.memory_space<vmem>>
      %dma_start3A_352 = arith.constant 0 : i32
      %dma_start3A_353 = tpu.memref_slice %arg4[%squeeze3A_339, %dma_start3A_352] : memref<1000000x64xf32, #tpu.memory_space<hbm>> -> memref<1x64xf32, #tpu.memory_space<hbm>>
      tpu.enqueue_dma source(%dma_start3A_353 : memref<1x64xf32, #tpu.memory_space<hbm>>) target(%dma_start3A_351 : memref<1x64xf32, #tpu.memory_space<vmem>>) target_semaphore(%arg14 : memref<!tpu.dma_semaphore, #tpu.memory_space<semaphore_mem>>)
      %slice3A_354 = vector.extract_strided_slice %get3A_147 {offsets = [13], sizes = [1], strides = [1]} : vector<16xi32> to vector<1xi32>
      %squeeze3A_355 = vector.extract %slice3A_354[0] : i32 from vector<1xi32>
      %mul3A_356 = arith.constant 16 : i32
      %mul3A_357 = arith.muli %scan3A_141, %mul3A_356 : i32
      %add3A_358 = arith.constant 256 : i32
      %add3A_359 = arith.addi %add3A_358, %mul3A_357 : i32
      %add3A_360 = arith.constant 13 : i32
      %add3A_361 = arith.addi %add3A_359, %add3A_360 : i32
      %dma_start3A_362 = arith.constant 0 : i32
      %dma_start3A_363 = tpu.memref_slice %arg9[%add3A_361, %dma_start3A_362] : memref<512x64xf32, #tpu.memory_space<vmem>> -> memref<1x64xf32, #tpu.memory_space<vmem>>
      %dma_start3A_364 = arith.constant 0 : i32
      %dma_start3A_365 = tpu.memref_slice %arg4[%squeeze3A_355, %dma_start3A_364] : memref<1000000x64xf32, #tpu.memory_space<hbm>> -> memref<1x64xf32, #tpu.memory_space<hbm>>
      %dma_start3A_366 = arith.constant 0 : i32
      %dma_start3A_367 = tpu.memref_slice %arg9[%add3A_361, %dma_start3A_366] : memref<512x64xf32, #tpu.memory_space<vmem>> -> memref<1x64xf32, #tpu.memory_space<vmem>>
      %dma_start3A_368 = arith.constant 0 : i32
      %dma_start3A_369 = tpu.memref_slice %arg4[%squeeze3A_355, %dma_start3A_368] : memref<1000000x64xf32, #tpu.memory_space<hbm>> -> memref<1x64xf32, #tpu.memory_space<hbm>>
      tpu.enqueue_dma source(%dma_start3A_369 : memref<1x64xf32, #tpu.memory_space<hbm>>) target(%dma_start3A_367 : memref<1x64xf32, #tpu.memory_space<vmem>>) target_semaphore(%arg14 : memref<!tpu.dma_semaphore, #tpu.memory_space<semaphore_mem>>)
      %slice3A_370 = vector.extract_strided_slice %get3A_147 {offsets = [14], sizes = [1], strides = [1]} : vector<16xi32> to vector<1xi32>
      %squeeze3A_371 = vector.extract %slice3A_370[0] : i32 from vector<1xi32>
      %mul3A_372 = arith.constant 16 : i32
      %mul3A_373 = arith.muli %scan3A_141, %mul3A_372 : i32
      %add3A_374 = arith.constant 256 : i32
      %add3A_375 = arith.addi %add3A_374, %mul3A_373 : i32
      %add3A_376 = arith.constant 14 : i32
      %add3A_377 = arith.addi %add3A_375, %add3A_376 : i32
      %dma_start3A_378 = arith.constant 0 : i32
      %dma_start3A_379 = tpu.memref_slice %arg9[%add3A_377, %dma_start3A_378] : memref<512x64xf32, #tpu.memory_space<vmem>> -> memref<1x64xf32, #tpu.memory_space<vmem>>
      %dma_start3A_380 = arith.constant 0 : i32
      %dma_start3A_381 = tpu.memref_slice %arg4[%squeeze3A_371, %dma_start3A_380] : memref<1000000x64xf32, #tpu.memory_space<hbm>> -> memref<1x64xf32, #tpu.memory_space<hbm>>
      %dma_start3A_382 = arith.constant 0 : i32
      %dma_start3A_383 = tpu.memref_slice %arg9[%add3A_377, %dma_start3A_382] : memref<512x64xf32, #tpu.memory_space<vmem>> -> memref<1x64xf32, #tpu.memory_space<vmem>>
      %dma_start3A_384 = arith.constant 0 : i32
      %dma_start3A_385 = tpu.memref_slice %arg4[%squeeze3A_371, %dma_start3A_384] : memref<1000000x64xf32, #tpu.memory_space<hbm>> -> memref<1x64xf32, #tpu.memory_space<hbm>>
      tpu.enqueue_dma source(%dma_start3A_385 : memref<1x64xf32, #tpu.memory_space<hbm>>) target(%dma_start3A_383 : memref<1x64xf32, #tpu.memory_space<vmem>>) target_semaphore(%arg14 : memref<!tpu.dma_semaphore, #tpu.memory_space<semaphore_mem>>)
      %slice3A_386 = vector.extract_strided_slice %get3A_147 {offsets = [15], sizes = [1], strides = [1]} : vector<16xi32> to vector<1xi32>
      %squeeze3A_387 = vector.extract %slice3A_386[0] : i32 from vector<1xi32>
      %mul3A_388 = arith.constant 16 : i32
      %mul3A_389 = arith.muli %scan3A_141, %mul3A_388 : i32
      %add3A_390 = arith.constant 256 : i32
      %add3A_391 = arith.addi %add3A_390, %mul3A_389 : i32
      %add3A_392 = arith.constant 15 : i32
      %add3A_393 = arith.addi %add3A_391, %add3A_392 : i32
      %dma_start3A_394 = arith.constant 0 : i32
      %dma_start3A_395 = tpu.memref_slice %arg9[%add3A_393, %dma_start3A_394] : memref<512x64xf32, #tpu.memory_space<vmem>> -> memref<1x64xf32, #tpu.memory_space<vmem>>
      %dma_start3A_396 = arith.constant 0 : i32
      %dma_start3A_397 = tpu.memref_slice %arg4[%squeeze3A_387, %dma_start3A_396] : memref<1000000x64xf32, #tpu.memory_space<hbm>> -> memref<1x64xf32, #tpu.memory_space<hbm>>
      %dma_start3A_398 = arith.constant 0 : i32
      %dma_start3A_399 = tpu.memref_slice %arg9[%add3A_393, %dma_start3A_398] : memref<512x64xf32, #tpu.memory_space<vmem>> -> memref<1x64xf32, #tpu.memory_space<vmem>>
      %dma_start3A_400 = arith.constant 0 : i32
      %dma_start3A_401 = tpu.memref_slice %arg4[%squeeze3A_387, %dma_start3A_400] : memref<1000000x64xf32, #tpu.memory_space<hbm>> -> memref<1x64xf32, #tpu.memory_space<hbm>>
      tpu.enqueue_dma source(%dma_start3A_401 : memref<1x64xf32, #tpu.memory_space<hbm>>) target(%dma_start3A_399 : memref<1x64xf32, #tpu.memory_space<vmem>>) target_semaphore(%arg14 : memref<!tpu.dma_semaphore, #tpu.memory_space<semaphore_mem>>)
    }
    %scan3A_22 = arith.constant 8 : i32
    %scan3A_23 = arith.constant 0 : i32
    %scan3A_24 = arith.constant 0 : i32
    %scan3A_25 = arith.constant 8 : i32
    %scan3A_26 = arith.addi %scan3A_24, %scan3A_25 : i32
    %scan3A_27 = arith.constant 1 : i32
    scf.for %scan3A_141 = %scan3A_24 to %scan3A_26 step %scan3A_27  : i32 {
      %mul3A_142 = arith.constant 16 : i32
      %mul3A_143 = arith.muli %scan3A_141, %mul3A_142 : i32
      %add3A_144 = arith.constant 384 : i32
      %add3A_145 = arith.addi %add3A_144, %mul3A_143 : i32
      %get3A = arith.index_cast %add3A_145 : i32 to index
      %get3A_146 = tpu.vector_load %arg6[%get3A] {strides = array<i32>} : memref<512xi32, #tpu.memory_space<vmem>>, vector<16xi32>,
      %get3A_147 = vector.shape_cast %get3A_146 : vector<16xi32> to vector<16xi32>
      %slice3A = vector.extract_strided_slice %get3A_147 {offsets = [0], sizes = [1], strides = [1]} : vector<16xi32> to vector<1xi32>
      %squeeze3A = vector.extract %slice3A[0] : i32 from vector<1xi32>
      %mul3A_148 = arith.constant 16 : i32
      %mul3A_149 = arith.muli %scan3A_141, %mul3A_148 : i32
      %add3A_150 = arith.constant 384 : i32
      %add3A_151 = arith.addi %add3A_150, %mul3A_149 : i32
      %add3A_152 = arith.constant 0 : i32
      %add3A_153 = arith.addi %add3A_151, %add3A_152 : i32
      %dma_start3A_154 = arith.constant 0 : i32
      %dma_start3A_155 = tpu.memref_slice %arg9[%add3A_153, %dma_start3A_154] : memref<512x64xf32, #tpu.memory_space<vmem>> -> memref<1x64xf32, #tpu.memory_space<vmem>>
      %dma_start3A_156 = arith.constant 0 : i32
      %dma_start3A_157 = tpu.memref_slice %arg4[%squeeze3A, %dma_start3A_156] : memref<1000000x64xf32, #tpu.memory_space<hbm>> -> memref<1x64xf32, #tpu.memory_space<hbm>>
      %dma_start3A_158 = arith.constant 0 : i32
      %dma_start3A_159 = tpu.memref_slice %arg9[%add3A_153, %dma_start3A_158] : memref<512x64xf32, #tpu.memory_space<vmem>> -> memref<1x64xf32, #tpu.memory_space<vmem>>
      %dma_start3A_160 = arith.constant 0 : i32
      %dma_start3A_161 = tpu.memref_slice %arg4[%squeeze3A, %dma_start3A_160] : memref<1000000x64xf32, #tpu.memory_space<hbm>> -> memref<1x64xf32, #tpu.memory_space<hbm>>
      tpu.enqueue_dma source(%dma_start3A_161 : memref<1x64xf32, #tpu.memory_space<hbm>>) target(%dma_start3A_159 : memref<1x64xf32, #tpu.memory_space<vmem>>) target_semaphore(%arg15 : memref<!tpu.dma_semaphore, #tpu.memory_space<semaphore_mem>>)
      %slice3A_162 = vector.extract_strided_slice %get3A_147 {offsets = [1], sizes = [1], strides = [1]} : vector<16xi32> to vector<1xi32>
      %squeeze3A_163 = vector.extract %slice3A_162[0] : i32 from vector<1xi32>
      %mul3A_164 = arith.constant 16 : i32
      %mul3A_165 = arith.muli %scan3A_141, %mul3A_164 : i32
      %add3A_166 = arith.constant 384 : i32
      %add3A_167 = arith.addi %add3A_166, %mul3A_165 : i32
      %add3A_168 = arith.constant 1 : i32
      %add3A_169 = arith.addi %add3A_167, %add3A_168 : i32
      %dma_start3A_170 = arith.constant 0 : i32
      %dma_start3A_171 = tpu.memref_slice %arg9[%add3A_169, %dma_start3A_170] : memref<512x64xf32, #tpu.memory_space<vmem>> -> memref<1x64xf32, #tpu.memory_space<vmem>>
      %dma_start3A_172 = arith.constant 0 : i32
      %dma_start3A_173 = tpu.memref_slice %arg4[%squeeze3A_163, %dma_start3A_172] : memref<1000000x64xf32, #tpu.memory_space<hbm>> -> memref<1x64xf32, #tpu.memory_space<hbm>>
      %dma_start3A_174 = arith.constant 0 : i32
      %dma_start3A_175 = tpu.memref_slice %arg9[%add3A_169, %dma_start3A_174] : memref<512x64xf32, #tpu.memory_space<vmem>> -> memref<1x64xf32, #tpu.memory_space<vmem>>
      %dma_start3A_176 = arith.constant 0 : i32
      %dma_start3A_177 = tpu.memref_slice %arg4[%squeeze3A_163, %dma_start3A_176] : memref<1000000x64xf32, #tpu.memory_space<hbm>> -> memref<1x64xf32, #tpu.memory_space<hbm>>
      tpu.enqueue_dma source(%dma_start3A_177 : memref<1x64xf32, #tpu.memory_space<hbm>>) target(%dma_start3A_175 : memref<1x64xf32, #tpu.memory_space<vmem>>) target_semaphore(%arg15 : memref<!tpu.dma_semaphore, #tpu.memory_space<semaphore_mem>>)
      %slice3A_178 = vector.extract_strided_slice %get3A_147 {offsets = [2], sizes = [1], strides = [1]} : vector<16xi32> to vector<1xi32>
      %squeeze3A_179 = vector.extract %slice3A_178[0] : i32 from vector<1xi32>
      %mul3A_180 = arith.constant 16 : i32
      %mul3A_181 = arith.muli %scan3A_141, %mul3A_180 : i32
      %add3A_182 = arith.constant 384 : i32
      %add3A_183 = arith.addi %add3A_182, %mul3A_181 : i32
      %add3A_184 = arith.constant 2 : i32
      %add3A_185 = arith.addi %add3A_183, %add3A_184 : i32
      %dma_start3A_186 = arith.constant 0 : i32
      %dma_start3A_187 = tpu.memref_slice %arg9[%add3A_185, %dma_start3A_186] : memref<512x64xf32, #tpu.memory_space<vmem>> -> memref<1x64xf32, #tpu.memory_space<vmem>>
      %dma_start3A_188 = arith.constant 0 : i32
      %dma_start3A_189 = tpu.memref_slice %arg4[%squeeze3A_179, %dma_start3A_188] : memref<1000000x64xf32, #tpu.memory_space<hbm>> -> memref<1x64xf32, #tpu.memory_space<hbm>>
      %dma_start3A_190 = arith.constant 0 : i32
      %dma_start3A_191 = tpu.memref_slice %arg9[%add3A_185, %dma_start3A_190] : memref<512x64xf32, #tpu.memory_space<vmem>> -> memref<1x64xf32, #tpu.memory_space<vmem>>
      %dma_start3A_192 = arith.constant 0 : i32
      %dma_start3A_193 = tpu.memref_slice %arg4[%squeeze3A_179, %dma_start3A_192] : memref<1000000x64xf32, #tpu.memory_space<hbm>> -> memref<1x64xf32, #tpu.memory_space<hbm>>
      tpu.enqueue_dma source(%dma_start3A_193 : memref<1x64xf32, #tpu.memory_space<hbm>>) target(%dma_start3A_191 : memref<1x64xf32, #tpu.memory_space<vmem>>) target_semaphore(%arg15 : memref<!tpu.dma_semaphore, #tpu.memory_space<semaphore_mem>>)
      %slice3A_194 = vector.extract_strided_slice %get3A_147 {offsets = [3], sizes = [1], strides = [1]} : vector<16xi32> to vector<1xi32>
      %squeeze3A_195 = vector.extract %slice3A_194[0] : i32 from vector<1xi32>
      %mul3A_196 = arith.constant 16 : i32
      %mul3A_197 = arith.muli %scan3A_141, %mul3A_196 : i32
      %add3A_198 = arith.constant 384 : i32
      %add3A_199 = arith.addi %add3A_198, %mul3A_197 : i32
      %add3A_200 = arith.constant 3 : i32
      %add3A_201 = arith.addi %add3A_199, %add3A_200 : i32
      %dma_start3A_202 = arith.constant 0 : i32
      %dma_start3A_203 = tpu.memref_slice %arg9[%add3A_201, %dma_start3A_202] : memref<512x64xf32, #tpu.memory_space<vmem>> -> memref<1x64xf32, #tpu.memory_space<vmem>>
      %dma_start3A_204 = arith.constant 0 : i32
      %dma_start3A_205 = tpu.memref_slice %arg4[%squeeze3A_195, %dma_start3A_204] : memref<1000000x64xf32, #tpu.memory_space<hbm>> -> memref<1x64xf32, #tpu.memory_space<hbm>>
      %dma_start3A_206 = arith.constant 0 : i32
      %dma_start3A_207 = tpu.memref_slice %arg9[%add3A_201, %dma_start3A_206] : memref<512x64xf32, #tpu.memory_space<vmem>> -> memref<1x64xf32, #tpu.memory_space<vmem>>
      %dma_start3A_208 = arith.constant 0 : i32
      %dma_start3A_209 = tpu.memref_slice %arg4[%squeeze3A_195, %dma_start3A_208] : memref<1000000x64xf32, #tpu.memory_space<hbm>> -> memref<1x64xf32, #tpu.memory_space<hbm>>
      tpu.enqueue_dma source(%dma_start3A_209 : memref<1x64xf32, #tpu.memory_space<hbm>>) target(%dma_start3A_207 : memref<1x64xf32, #tpu.memory_space<vmem>>) target_semaphore(%arg15 : memref<!tpu.dma_semaphore, #tpu.memory_space<semaphore_mem>>)
      %slice3A_210 = vector.extract_strided_slice %get3A_147 {offsets = [4], sizes = [1], strides = [1]} : vector<16xi32> to vector<1xi32>
      %squeeze3A_211 = vector.extract %slice3A_210[0] : i32 from vector<1xi32>
      %mul3A_212 = arith.constant 16 : i32
      %mul3A_213 = arith.muli %scan3A_141, %mul3A_212 : i32
      %add3A_214 = arith.constant 384 : i32
      %add3A_215 = arith.addi %add3A_214, %mul3A_213 : i32
      %add3A_216 = arith.constant 4 : i32
      %add3A_217 = arith.addi %add3A_215, %add3A_216 : i32
      %dma_start3A_218 = arith.constant 0 : i32
      %dma_start3A_219 = tpu.memref_slice %arg9[%add3A_217, %dma_start3A_218] : memref<512x64xf32, #tpu.memory_space<vmem>> -> memref<1x64xf32, #tpu.memory_space<vmem>>
      %dma_start3A_220 = arith.constant 0 : i32
      %dma_start3A_221 = tpu.memref_slice %arg4[%squeeze3A_211, %dma_start3A_220] : memref<1000000x64xf32, #tpu.memory_space<hbm>> -> memref<1x64xf32, #tpu.memory_space<hbm>>
      %dma_start3A_222 = arith.constant 0 : i32
      %dma_start3A_223 = tpu.memref_slice %arg9[%add3A_217, %dma_start3A_222] : memref<512x64xf32, #tpu.memory_space<vmem>> -> memref<1x64xf32, #tpu.memory_space<vmem>>
      %dma_start3A_224 = arith.constant 0 : i32
      %dma_start3A_225 = tpu.memref_slice %arg4[%squeeze3A_211, %dma_start3A_224] : memref<1000000x64xf32, #tpu.memory_space<hbm>> -> memref<1x64xf32, #tpu.memory_space<hbm>>
      tpu.enqueue_dma source(%dma_start3A_225 : memref<1x64xf32, #tpu.memory_space<hbm>>) target(%dma_start3A_223 : memref<1x64xf32, #tpu.memory_space<vmem>>) target_semaphore(%arg15 : memref<!tpu.dma_semaphore, #tpu.memory_space<semaphore_mem>>)
      %slice3A_226 = vector.extract_strided_slice %get3A_147 {offsets = [5], sizes = [1], strides = [1]} : vector<16xi32> to vector<1xi32>
      %squeeze3A_227 = vector.extract %slice3A_226[0] : i32 from vector<1xi32>
      %mul3A_228 = arith.constant 16 : i32
      %mul3A_229 = arith.muli %scan3A_141, %mul3A_228 : i32
      %add3A_230 = arith.constant 384 : i32
      %add3A_231 = arith.addi %add3A_230, %mul3A_229 : i32
      %add3A_232 = arith.constant 5 : i32
      %add3A_233 = arith.addi %add3A_231, %add3A_232 : i32
      %dma_start3A_234 = arith.constant 0 : i32
      %dma_start3A_235 = tpu.memref_slice %arg9[%add3A_233, %dma_start3A_234] : memref<512x64xf32, #tpu.memory_space<vmem>> -> memref<1x64xf32, #tpu.memory_space<vmem>>
      %dma_start3A_236 = arith.constant 0 : i32
      %dma_start3A_237 = tpu.memref_slice %arg4[%squeeze3A_227, %dma_start3A_236] : memref<1000000x64xf32, #tpu.memory_space<hbm>> -> memref<1x64xf32, #tpu.memory_space<hbm>>
      %dma_start3A_238 = arith.constant 0 : i32
      %dma_start3A_239 = tpu.memref_slice %arg9[%add3A_233, %dma_start3A_238] : memref<512x64xf32, #tpu.memory_space<vmem>> -> memref<1x64xf32, #tpu.memory_space<vmem>>
      %dma_start3A_240 = arith.constant 0 : i32
      %dma_start3A_241 = tpu.memref_slice %arg4[%squeeze3A_227, %dma_start3A_240] : memref<1000000x64xf32, #tpu.memory_space<hbm>> -> memref<1x64xf32, #tpu.memory_space<hbm>>
      tpu.enqueue_dma source(%dma_start3A_241 : memref<1x64xf32, #tpu.memory_space<hbm>>) target(%dma_start3A_239 : memref<1x64xf32, #tpu.memory_space<vmem>>) target_semaphore(%arg15 : memref<!tpu.dma_semaphore, #tpu.memory_space<semaphore_mem>>)
      %slice3A_242 = vector.extract_strided_slice %get3A_147 {offsets = [6], sizes = [1], strides = [1]} : vector<16xi32> to vector<1xi32>
      %squeeze3A_243 = vector.extract %slice3A_242[0] : i32 from vector<1xi32>
      %mul3A_244 = arith.constant 16 : i32
      %mul3A_245 = arith.muli %scan3A_141, %mul3A_244 : i32
      %add3A_246 = arith.constant 384 : i32
      %add3A_247 = arith.addi %add3A_246, %mul3A_245 : i32
      %add3A_248 = arith.constant 6 : i32
      %add3A_249 = arith.addi %add3A_247, %add3A_248 : i32
      %dma_start3A_250 = arith.constant 0 : i32
      %dma_start3A_251 = tpu.memref_slice %arg9[%add3A_249, %dma_start3A_250] : memref<512x64xf32, #tpu.memory_space<vmem>> -> memref<1x64xf32, #tpu.memory_space<vmem>>
      %dma_start3A_252 = arith.constant 0 : i32
      %dma_start3A_253 = tpu.memref_slice %arg4[%squeeze3A_243, %dma_start3A_252] : memref<1000000x64xf32, #tpu.memory_space<hbm>> -> memref<1x64xf32, #tpu.memory_space<hbm>>
      %dma_start3A_254 = arith.constant 0 : i32
      %dma_start3A_255 = tpu.memref_slice %arg9[%add3A_249, %dma_start3A_254] : memref<512x64xf32, #tpu.memory_space<vmem>> -> memref<1x64xf32, #tpu.memory_space<vmem>>
      %dma_start3A_256 = arith.constant 0 : i32
      %dma_start3A_257 = tpu.memref_slice %arg4[%squeeze3A_243, %dma_start3A_256] : memref<1000000x64xf32, #tpu.memory_space<hbm>> -> memref<1x64xf32, #tpu.memory_space<hbm>>
      tpu.enqueue_dma source(%dma_start3A_257 : memref<1x64xf32, #tpu.memory_space<hbm>>) target(%dma_start3A_255 : memref<1x64xf32, #tpu.memory_space<vmem>>) target_semaphore(%arg15 : memref<!tpu.dma_semaphore, #tpu.memory_space<semaphore_mem>>)
      %slice3A_258 = vector.extract_strided_slice %get3A_147 {offsets = [7], sizes = [1], strides = [1]} : vector<16xi32> to vector<1xi32>
      %squeeze3A_259 = vector.extract %slice3A_258[0] : i32 from vector<1xi32>
      %mul3A_260 = arith.constant 16 : i32
      %mul3A_261 = arith.muli %scan3A_141, %mul3A_260 : i32
      %add3A_262 = arith.constant 384 : i32
      %add3A_263 = arith.addi %add3A_262, %mul3A_261 : i32
      %add3A_264 = arith.constant 7 : i32
      %add3A_265 = arith.addi %add3A_263, %add3A_264 : i32
      %dma_start3A_266 = arith.constant 0 : i32
      %dma_start3A_267 = tpu.memref_slice %arg9[%add3A_265, %dma_start3A_266] : memref<512x64xf32, #tpu.memory_space<vmem>> -> memref<1x64xf32, #tpu.memory_space<vmem>>
      %dma_start3A_268 = arith.constant 0 : i32
      %dma_start3A_269 = tpu.memref_slice %arg4[%squeeze3A_259, %dma_start3A_268] : memref<1000000x64xf32, #tpu.memory_space<hbm>> -> memref<1x64xf32, #tpu.memory_space<hbm>>
      %dma_start3A_270 = arith.constant 0 : i32
      %dma_start3A_271 = tpu.memref_slice %arg9[%add3A_265, %dma_start3A_270] : memref<512x64xf32, #tpu.memory_space<vmem>> -> memref<1x64xf32, #tpu.memory_space<vmem>>
      %dma_start3A_272 = arith.constant 0 : i32
      %dma_start3A_273 = tpu.memref_slice %arg4[%squeeze3A_259, %dma_start3A_272] : memref<1000000x64xf32, #tpu.memory_space<hbm>> -> memref<1x64xf32, #tpu.memory_space<hbm>>
      tpu.enqueue_dma source(%dma_start3A_273 : memref<1x64xf32, #tpu.memory_space<hbm>>) target(%dma_start3A_271 : memref<1x64xf32, #tpu.memory_space<vmem>>) target_semaphore(%arg15 : memref<!tpu.dma_semaphore, #tpu.memory_space<semaphore_mem>>)
      %slice3A_274 = vector.extract_strided_slice %get3A_147 {offsets = [8], sizes = [1], strides = [1]} : vector<16xi32> to vector<1xi32>
      %squeeze3A_275 = vector.extract %slice3A_274[0] : i32 from vector<1xi32>
      %mul3A_276 = arith.constant 16 : i32
      %mul3A_277 = arith.muli %scan3A_141, %mul3A_276 : i32
      %add3A_278 = arith.constant 384 : i32
      %add3A_279 = arith.addi %add3A_278, %mul3A_277 : i32
      %add3A_280 = arith.constant 8 : i32
      %add3A_281 = arith.addi %add3A_279, %add3A_280 : i32
      %dma_start3A_282 = arith.constant 0 : i32
      %dma_start3A_283 = tpu.memref_slice %arg9[%add3A_281, %dma_start3A_282] : memref<512x64xf32, #tpu.memory_space<vmem>> -> memref<1x64xf32, #tpu.memory_space<vmem>>
      %dma_start3A_284 = arith.constant 0 : i32
      %dma_start3A_285 = tpu.memref_slice %arg4[%squeeze3A_275, %dma_start3A_284] : memref<1000000x64xf32, #tpu.memory_space<hbm>> -> memref<1x64xf32, #tpu.memory_space<hbm>>
      %dma_start3A_286 = arith.constant 0 : i32
      %dma_start3A_287 = tpu.memref_slice %arg9[%add3A_281, %dma_start3A_286] : memref<512x64xf32, #tpu.memory_space<vmem>> -> memref<1x64xf32, #tpu.memory_space<vmem>>
      %dma_start3A_288 = arith.constant 0 : i32
      %dma_start3A_289 = tpu.memref_slice %arg4[%squeeze3A_275, %dma_start3A_288] : memref<1000000x64xf32, #tpu.memory_space<hbm>> -> memref<1x64xf32, #tpu.memory_space<hbm>>
      tpu.enqueue_dma source(%dma_start3A_289 : memref<1x64xf32, #tpu.memory_space<hbm>>) target(%dma_start3A_287 : memref<1x64xf32, #tpu.memory_space<vmem>>) target_semaphore(%arg15 : memref<!tpu.dma_semaphore, #tpu.memory_space<semaphore_mem>>)
      %slice3A_290 = vector.extract_strided_slice %get3A_147 {offsets = [9], sizes = [1], strides = [1]} : vector<16xi32> to vector<1xi32>
      %squeeze3A_291 = vector.extract %slice3A_290[0] : i32 from vector<1xi32>
      %mul3A_292 = arith.constant 16 : i32
      %mul3A_293 = arith.muli %scan3A_141, %mul3A_292 : i32
      %add3A_294 = arith.constant 384 : i32
      %add3A_295 = arith.addi %add3A_294, %mul3A_293 : i32
      %add3A_296 = arith.constant 9 : i32
      %add3A_297 = arith.addi %add3A_295, %add3A_296 : i32
      %dma_start3A_298 = arith.constant 0 : i32
      %dma_start3A_299 = tpu.memref_slice %arg9[%add3A_297, %dma_start3A_298] : memref<512x64xf32, #tpu.memory_space<vmem>> -> memref<1x64xf32, #tpu.memory_space<vmem>>
      %dma_start3A_300 = arith.constant 0 : i32
      %dma_start3A_301 = tpu.memref_slice %arg4[%squeeze3A_291, %dma_start3A_300] : memref<1000000x64xf32, #tpu.memory_space<hbm>> -> memref<1x64xf32, #tpu.memory_space<hbm>>
      %dma_start3A_302 = arith.constant 0 : i32
      %dma_start3A_303 = tpu.memref_slice %arg9[%add3A_297, %dma_start3A_302] : memref<512x64xf32, #tpu.memory_space<vmem>> -> memref<1x64xf32, #tpu.memory_space<vmem>>
      %dma_start3A_304 = arith.constant 0 : i32
      %dma_start3A_305 = tpu.memref_slice %arg4[%squeeze3A_291, %dma_start3A_304] : memref<1000000x64xf32, #tpu.memory_space<hbm>> -> memref<1x64xf32, #tpu.memory_space<hbm>>
      tpu.enqueue_dma source(%dma_start3A_305 : memref<1x64xf32, #tpu.memory_space<hbm>>) target(%dma_start3A_303 : memref<1x64xf32, #tpu.memory_space<vmem>>) target_semaphore(%arg15 : memref<!tpu.dma_semaphore, #tpu.memory_space<semaphore_mem>>)
      %slice3A_306 = vector.extract_strided_slice %get3A_147 {offsets = [10], sizes = [1], strides = [1]} : vector<16xi32> to vector<1xi32>
      %squeeze3A_307 = vector.extract %slice3A_306[0] : i32 from vector<1xi32>
      %mul3A_308 = arith.constant 16 : i32
      %mul3A_309 = arith.muli %scan3A_141, %mul3A_308 : i32
      %add3A_310 = arith.constant 384 : i32
      %add3A_311 = arith.addi %add3A_310, %mul3A_309 : i32
      %add3A_312 = arith.constant 10 : i32
      %add3A_313 = arith.addi %add3A_311, %add3A_312 : i32
      %dma_start3A_314 = arith.constant 0 : i32
      %dma_start3A_315 = tpu.memref_slice %arg9[%add3A_313, %dma_start3A_314] : memref<512x64xf32, #tpu.memory_space<vmem>> -> memref<1x64xf32, #tpu.memory_space<vmem>>
      %dma_start3A_316 = arith.constant 0 : i32
      %dma_start3A_317 = tpu.memref_slice %arg4[%squeeze3A_307, %dma_start3A_316] : memref<1000000x64xf32, #tpu.memory_space<hbm>> -> memref<1x64xf32, #tpu.memory_space<hbm>>
      %dma_start3A_318 = arith.constant 0 : i32
      %dma_start3A_319 = tpu.memref_slice %arg9[%add3A_313, %dma_start3A_318] : memref<512x64xf32, #tpu.memory_space<vmem>> -> memref<1x64xf32, #tpu.memory_space<vmem>>
      %dma_start3A_320 = arith.constant 0 : i32
      %dma_start3A_321 = tpu.memref_slice %arg4[%squeeze3A_307, %dma_start3A_320] : memref<1000000x64xf32, #tpu.memory_space<hbm>> -> memref<1x64xf32, #tpu.memory_space<hbm>>
      tpu.enqueue_dma source(%dma_start3A_321 : memref<1x64xf32, #tpu.memory_space<hbm>>) target(%dma_start3A_319 : memref<1x64xf32, #tpu.memory_space<vmem>>) target_semaphore(%arg15 : memref<!tpu.dma_semaphore, #tpu.memory_space<semaphore_mem>>)
      %slice3A_322 = vector.extract_strided_slice %get3A_147 {offsets = [11], sizes = [1], strides = [1]} : vector<16xi32> to vector<1xi32>
      %squeeze3A_323 = vector.extract %slice3A_322[0] : i32 from vector<1xi32>
      %mul3A_324 = arith.constant 16 : i32
      %mul3A_325 = arith.muli %scan3A_141, %mul3A_324 : i32
      %add3A_326 = arith.constant 384 : i32
      %add3A_327 = arith.addi %add3A_326, %mul3A_325 : i32
      %add3A_328 = arith.constant 11 : i32
      %add3A_329 = arith.addi %add3A_327, %add3A_328 : i32
      %dma_start3A_330 = arith.constant 0 : i32
      %dma_start3A_331 = tpu.memref_slice %arg9[%add3A_329, %dma_start3A_330] : memref<512x64xf32, #tpu.memory_space<vmem>> -> memref<1x64xf32, #tpu.memory_space<vmem>>
      %dma_start3A_332 = arith.constant 0 : i32
      %dma_start3A_333 = tpu.memref_slice %arg4[%squeeze3A_323, %dma_start3A_332] : memref<1000000x64xf32, #tpu.memory_space<hbm>> -> memref<1x64xf32, #tpu.memory_space<hbm>>
      %dma_start3A_334 = arith.constant 0 : i32
      %dma_start3A_335 = tpu.memref_slice %arg9[%add3A_329, %dma_start3A_334] : memref<512x64xf32, #tpu.memory_space<vmem>> -> memref<1x64xf32, #tpu.memory_space<vmem>>
      %dma_start3A_336 = arith.constant 0 : i32
      %dma_start3A_337 = tpu.memref_slice %arg4[%squeeze3A_323, %dma_start3A_336] : memref<1000000x64xf32, #tpu.memory_space<hbm>> -> memref<1x64xf32, #tpu.memory_space<hbm>>
      tpu.enqueue_dma source(%dma_start3A_337 : memref<1x64xf32, #tpu.memory_space<hbm>>) target(%dma_start3A_335 : memref<1x64xf32, #tpu.memory_space<vmem>>) target_semaphore(%arg15 : memref<!tpu.dma_semaphore, #tpu.memory_space<semaphore_mem>>)
      %slice3A_338 = vector.extract_strided_slice %get3A_147 {offsets = [12], sizes = [1], strides = [1]} : vector<16xi32> to vector<1xi32>
      %squeeze3A_339 = vector.extract %slice3A_338[0] : i32 from vector<1xi32>
      %mul3A_340 = arith.constant 16 : i32
      %mul3A_341 = arith.muli %scan3A_141, %mul3A_340 : i32
      %add3A_342 = arith.constant 384 : i32
      %add3A_343 = arith.addi %add3A_342, %mul3A_341 : i32
      %add3A_344 = arith.constant 12 : i32
      %add3A_345 = arith.addi %add3A_343, %add3A_344 : i32
      %dma_start3A_346 = arith.constant 0 : i32
      %dma_start3A_347 = tpu.memref_slice %arg9[%add3A_345, %dma_start3A_346] : memref<512x64xf32, #tpu.memory_space<vmem>> -> memref<1x64xf32, #tpu.memory_space<vmem>>
      %dma_start3A_348 = arith.constant 0 : i32
      %dma_start3A_349 = tpu.memref_slice %arg4[%squeeze3A_339, %dma_start3A_348] : memref<1000000x64xf32, #tpu.memory_space<hbm>> -> memref<1x64xf32, #tpu.memory_space<hbm>>
      %dma_start3A_350 = arith.constant 0 : i32
      %dma_start3A_351 = tpu.memref_slice %arg9[%add3A_345, %dma_start3A_350] : memref<512x64xf32, #tpu.memory_space<vmem>> -> memref<1x64xf32, #tpu.memory_space<vmem>>
      %dma_start3A_352 = arith.constant 0 : i32
      %dma_start3A_353 = tpu.memref_slice %arg4[%squeeze3A_339, %dma_start3A_352] : memref<1000000x64xf32, #tpu.memory_space<hbm>> -> memref<1x64xf32, #tpu.memory_space<hbm>>
      tpu.enqueue_dma source(%dma_start3A_353 : memref<1x64xf32, #tpu.memory_space<hbm>>) target(%dma_start3A_351 : memref<1x64xf32, #tpu.memory_space<vmem>>) target_semaphore(%arg15 : memref<!tpu.dma_semaphore, #tpu.memory_space<semaphore_mem>>)
      %slice3A_354 = vector.extract_strided_slice %get3A_147 {offsets = [13], sizes = [1], strides = [1]} : vector<16xi32> to vector<1xi32>
      %squeeze3A_355 = vector.extract %slice3A_354[0] : i32 from vector<1xi32>
      %mul3A_356 = arith.constant 16 : i32
      %mul3A_357 = arith.muli %scan3A_141, %mul3A_356 : i32
      %add3A_358 = arith.constant 384 : i32
      %add3A_359 = arith.addi %add3A_358, %mul3A_357 : i32
      %add3A_360 = arith.constant 13 : i32
      %add3A_361 = arith.addi %add3A_359, %add3A_360 : i32
      %dma_start3A_362 = arith.constant 0 : i32
      %dma_start3A_363 = tpu.memref_slice %arg9[%add3A_361, %dma_start3A_362] : memref<512x64xf32, #tpu.memory_space<vmem>> -> memref<1x64xf32, #tpu.memory_space<vmem>>
      %dma_start3A_364 = arith.constant 0 : i32
      %dma_start3A_365 = tpu.memref_slice %arg4[%squeeze3A_355, %dma_start3A_364] : memref<1000000x64xf32, #tpu.memory_space<hbm>> -> memref<1x64xf32, #tpu.memory_space<hbm>>
      %dma_start3A_366 = arith.constant 0 : i32
      %dma_start3A_367 = tpu.memref_slice %arg9[%add3A_361, %dma_start3A_366] : memref<512x64xf32, #tpu.memory_space<vmem>> -> memref<1x64xf32, #tpu.memory_space<vmem>>
      %dma_start3A_368 = arith.constant 0 : i32
      %dma_start3A_369 = tpu.memref_slice %arg4[%squeeze3A_355, %dma_start3A_368] : memref<1000000x64xf32, #tpu.memory_space<hbm>> -> memref<1x64xf32, #tpu.memory_space<hbm>>
      tpu.enqueue_dma source(%dma_start3A_369 : memref<1x64xf32, #tpu.memory_space<hbm>>) target(%dma_start3A_367 : memref<1x64xf32, #tpu.memory_space<vmem>>) target_semaphore(%arg15 : memref<!tpu.dma_semaphore, #tpu.memory_space<semaphore_mem>>)
      %slice3A_370 = vector.extract_strided_slice %get3A_147 {offsets = [14], sizes = [1], strides = [1]} : vector<16xi32> to vector<1xi32>
      %squeeze3A_371 = vector.extract %slice3A_370[0] : i32 from vector<1xi32>
      %mul3A_372 = arith.constant 16 : i32
      %mul3A_373 = arith.muli %scan3A_141, %mul3A_372 : i32
      %add3A_374 = arith.constant 384 : i32
      %add3A_375 = arith.addi %add3A_374, %mul3A_373 : i32
      %add3A_376 = arith.constant 14 : i32
      %add3A_377 = arith.addi %add3A_375, %add3A_376 : i32
      %dma_start3A_378 = arith.constant 0 : i32
      %dma_start3A_379 = tpu.memref_slice %arg9[%add3A_377, %dma_start3A_378] : memref<512x64xf32, #tpu.memory_space<vmem>> -> memref<1x64xf32, #tpu.memory_space<vmem>>
      %dma_start3A_380 = arith.constant 0 : i32
      %dma_start3A_381 = tpu.memref_slice %arg4[%squeeze3A_371, %dma_start3A_380] : memref<1000000x64xf32, #tpu.memory_space<hbm>> -> memref<1x64xf32, #tpu.memory_space<hbm>>
      %dma_start3A_382 = arith.constant 0 : i32
      %dma_start3A_383 = tpu.memref_slice %arg9[%add3A_377, %dma_start3A_382] : memref<512x64xf32, #tpu.memory_space<vmem>> -> memref<1x64xf32, #tpu.memory_space<vmem>>
      %dma_start3A_384 = arith.constant 0 : i32
      %dma_start3A_385 = tpu.memref_slice %arg4[%squeeze3A_371, %dma_start3A_384] : memref<1000000x64xf32, #tpu.memory_space<hbm>> -> memref<1x64xf32, #tpu.memory_space<hbm>>
      tpu.enqueue_dma source(%dma_start3A_385 : memref<1x64xf32, #tpu.memory_space<hbm>>) target(%dma_start3A_383 : memref<1x64xf32, #tpu.memory_space<vmem>>) target_semaphore(%arg15 : memref<!tpu.dma_semaphore, #tpu.memory_space<semaphore_mem>>)
      %slice3A_386 = vector.extract_strided_slice %get3A_147 {offsets = [15], sizes = [1], strides = [1]} : vector<16xi32> to vector<1xi32>
      %squeeze3A_387 = vector.extract %slice3A_386[0] : i32 from vector<1xi32>
      %mul3A_388 = arith.constant 16 : i32
      %mul3A_389 = arith.muli %scan3A_141, %mul3A_388 : i32
      %add3A_390 = arith.constant 384 : i32
      %add3A_391 = arith.addi %add3A_390, %mul3A_389 : i32
      %add3A_392 = arith.constant 15 : i32
      %add3A_393 = arith.addi %add3A_391, %add3A_392 : i32
      %dma_start3A_394 = arith.constant 0 : i32
      %dma_start3A_395 = tpu.memref_slice %arg9[%add3A_393, %dma_start3A_394] : memref<512x64xf32, #tpu.memory_space<vmem>> -> memref<1x64xf32, #tpu.memory_space<vmem>>
      %dma_start3A_396 = arith.constant 0 : i32
      %dma_start3A_397 = tpu.memref_slice %arg4[%squeeze3A_387, %dma_start3A_396] : memref<1000000x64xf32, #tpu.memory_space<hbm>> -> memref<1x64xf32, #tpu.memory_space<hbm>>
      %dma_start3A_398 = arith.constant 0 : i32
      %dma_start3A_399 = tpu.memref_slice %arg9[%add3A_393, %dma_start3A_398] : memref<512x64xf32, #tpu.memory_space<vmem>> -> memref<1x64xf32, #tpu.memory_space<vmem>>
      %dma_start3A_400 = arith.constant 0 : i32
      %dma_start3A_401 = tpu.memref_slice %arg4[%squeeze3A_387, %dma_start3A_400] : memref<1000000x64xf32, #tpu.memory_space<hbm>> -> memref<1x64xf32, #tpu.memory_space<hbm>>
      tpu.enqueue_dma source(%dma_start3A_401 : memref<1x64xf32, #tpu.memory_space<hbm>>) target(%dma_start3A_399 : memref<1x64xf32, #tpu.memory_space<vmem>>) target_semaphore(%arg15 : memref<!tpu.dma_semaphore, #tpu.memory_space<semaphore_mem>>)
    }
    %scan3A_28 = arith.constant 8 : i32
    %broadcast_in_dim3A = arith.constant 0.000000e+00 : f32
    %broadcast_in_dim3A_29 = vector.broadcast %broadcast_in_dim3A : f32 to vector<16xf32>
    %add3A_30 = arith.constant 128 : i32
    %add3A_31 = arith.addi %mul3A_2, %add3A_30 : i32
    %dma_start3A_32 = arith.constant 0 : i32
    %dma_start3A_33 = tpu.memref_slice %arg2[%add3A_31, %dma_start3A_32] : memref<16384x64xf32, #tpu.memory_space<hbm>> -> memref<128x64xf32, #tpu.memory_space<hbm>>
    %dma_start3A_34 = arith.constant 0 : i32
    %dma_start3A_35 = tpu.memref_slice %arg2[%add3A_31, %dma_start3A_34] : memref<16384x64xf32, #tpu.memory_space<hbm>> -> memref<128x64xf32, #tpu.memory_space<hbm>>
    tpu.enqueue_dma source(%dma_start3A_35 : memref<128x64xf32, #tpu.memory_space<hbm>>) target(%arg8 : memref<128x64xf32, #tpu.memory_space<vmem>>) target_semaphore(%arg11 : memref<!tpu.dma_semaphore, #tpu.memory_space<semaphore_mem>>)
    %dma_wait3A = arith.constant 0 : i32
    %dma_wait3A_36 = tpu.memref_slice %arg2[%mul3A_2, %dma_wait3A] : memref<16384x64xf32, #tpu.memory_space<hbm>> -> memref<128x64xf32, #tpu.memory_space<hbm>>
    %dma_wait3A_37 = arith.constant 0 : i32
    %dma_wait3A_38 = tpu.memref_slice %arg2[%mul3A_2, %dma_wait3A_37] : memref<16384x64xf32, #tpu.memory_space<hbm>> -> memref<128x64xf32, #tpu.memory_space<hbm>>
    tpu.wait_dma2 semaphore(%arg11 : memref<!tpu.dma_semaphore, #tpu.memory_space<semaphore_mem>>) src(%dma_wait3A_38 : memref<128x64xf32, #tpu.memory_space<hbm>>) dst(%arg7 : memref<128x64xf32, #tpu.memory_space<vmem>>)
    %dma_wait3A_39 = arith.constant 0 : i32
    %dma_wait3A_40 = arith.constant 0 : i32
    %dma_wait3A_41 = tpu.memref_slice %arg9[%dma_wait3A_39, %dma_wait3A_40] : memref<512x64xf32, #tpu.memory_space<vmem>> -> memref<128x64xf32, #tpu.memory_space<vmem>>
    %dma_wait3A_42 = arith.constant 0 : i32
    %dma_wait3A_43 = arith.constant 0 : i32
    %dma_wait3A_44 = tpu.memref_slice %arg4[%dma_wait3A_42, %dma_wait3A_43] : memref<1000000x64xf32, #tpu.memory_space<hbm>> -> memref<128x64xf32, #tpu.memory_space<hbm>>
    %dma_wait3A_45 = arith.constant 0 : i32
    %dma_wait3A_46 = arith.constant 0 : i32
    %dma_wait3A_47 = tpu.memref_slice %arg9[%dma_wait3A_45, %dma_wait3A_46] : memref<512x64xf32, #tpu.memory_space<vmem>> -> memref<128x64xf32, #tpu.memory_space<vmem>>
    %dma_wait3A_48 = arith.constant 0 : i32
    %dma_wait3A_49 = arith.constant 0 : i32
    %dma_wait3A_50 = tpu.memref_slice %arg4[%dma_wait3A_48, %dma_wait3A_49] : memref<1000000x64xf32, #tpu.memory_space<hbm>> -> memref<128x64xf32, #tpu.memory_space<hbm>>
    tpu.wait_dma2 semaphore(%arg12 : memref<!tpu.dma_semaphore, #tpu.memory_space<semaphore_mem>>) src(%dma_wait3A_50 : memref<128x64xf32, #tpu.memory_space<hbm>>) dst(%dma_wait3A_47 : memref<128x64xf32, #tpu.memory_space<vmem>>)
    %scan3A_51 = arith.constant 0 : i32
    %scan3A_52 = arith.constant 128 : i32
    %scan3A_53 = arith.addi %scan3A_51, %scan3A_52 : i32
    %scan3A_54 = arith.constant 1 : i32
    %scan3A_55 = scf.for %scan3A_141 = %scan3A_51 to %scan3A_53 step %scan3A_54 iter_args(%scan3A_142 = %broadcast_in_dim3A_29) -> (vector<16xf32>)  : i32 {
      %get3A = arith.index_cast %scan3A_141 : i32 to index
      %get3A_143 = arith.constant 0 : index
      %get3A_144 = tpu.vector_load %arg7[%get3A, %get3A_143] {strides = array<i32>} : memref<128x64xf32, #tpu.memory_space<vmem>>, vector<1x16xf32>,
      %get3A_145 = vector.shape_cast %get3A_144 : vector<1x16xf32> to vector<16xf32>
      %add3A_146 = arith.constant 0 : i32
      %add3A_147 = arith.addi %add3A_146, %scan3A_141 : i32
      %get3A_148 = arith.index_cast %add3A_147 : i32 to index
      %get3A_149 = arith.constant 0 : index
      %get3A_150 = tpu.vector_load %arg9[%get3A_148, %get3A_149] {strides = array<i32>} : memref<512x64xf32, #tpu.memory_space<vmem>>, vector<1x16xf32>,
      %get3A_151 = vector.shape_cast %get3A_150 : vector<1x16xf32> to vector<16xf32>
      %sub3A = arith.subf %get3A_145, %get3A_151 : vector<16xf32>
      %mul3A_152 = arith.mulf %sub3A, %sub3A : vector<16xf32>
      %add3A_153 = arith.addf %scan3A_142, %mul3A_152 : vector<16xf32>
      %get3A_154 = arith.index_cast %scan3A_141 : i32 to index
      %get3A_155 = arith.constant 16 : index
      %get3A_156 = tpu.vector_load %arg7[%get3A_154, %get3A_155] {strides = array<i32>} : memref<128x64xf32, #tpu.memory_space<vmem>>, vector<1x16xf32>,
      %get3A_157 = vector.shape_cast %get3A_156 : vector<1x16xf32> to vector<16xf32>
      %add3A_158 = arith.constant 0 : i32
      %add3A_159 = arith.addi %add3A_158, %scan3A_141 : i32
      %get3A_160 = arith.index_cast %add3A_159 : i32 to index
      %get3A_161 = arith.constant 16 : index
      %get3A_162 = tpu.vector_load %arg9[%get3A_160, %get3A_161] {strides = array<i32>} : memref<512x64xf32, #tpu.memory_space<vmem>>, vector<1x16xf32>,
      %get3A_163 = vector.shape_cast %get3A_162 : vector<1x16xf32> to vector<16xf32>
      %sub3A_164 = arith.subf %get3A_157, %get3A_163 : vector<16xf32>
      %mul3A_165 = arith.mulf %sub3A_164, %sub3A_164 : vector<16xf32>
      %add3A_166 = arith.addf %add3A_153, %mul3A_165 : vector<16xf32>
      %get3A_167 = arith.index_cast %scan3A_141 : i32 to index
      %get3A_168 = arith.constant 32 : index
      %get3A_169 = tpu.vector_load %arg7[%get3A_167, %get3A_168] {strides = array<i32>} : memref<128x64xf32, #tpu.memory_space<vmem>>, vector<1x16xf32>,
      %get3A_170 = vector.shape_cast %get3A_169 : vector<1x16xf32> to vector<16xf32>
      %add3A_171 = arith.constant 0 : i32
      %add3A_172 = arith.addi %add3A_171, %scan3A_141 : i32
      %get3A_173 = arith.index_cast %add3A_172 : i32 to index
      %get3A_174 = arith.constant 32 : index
      %get3A_175 = tpu.vector_load %arg9[%get3A_173, %get3A_174] {strides = array<i32>} : memref<512x64xf32, #tpu.memory_space<vmem>>, vector<1x16xf32>,
      %get3A_176 = vector.shape_cast %get3A_175 : vector<1x16xf32> to vector<16xf32>
      %sub3A_177 = arith.subf %get3A_170, %get3A_176 : vector<16xf32>
      %mul3A_178 = arith.mulf %sub3A_177, %sub3A_177 : vector<16xf32>
      %add3A_179 = arith.addf %add3A_166, %mul3A_178 : vector<16xf32>
      %get3A_180 = arith.index_cast %scan3A_141 : i32 to index
      %get3A_181 = arith.constant 48 : index
      %get3A_182 = tpu.vector_load %arg7[%get3A_180, %get3A_181] {strides = array<i32>} : memref<128x64xf32, #tpu.memory_space<vmem>>, vector<1x16xf32>,
      %get3A_183 = vector.shape_cast %get3A_182 : vector<1x16xf32> to vector<16xf32>
      %add3A_184 = arith.constant 0 : i32
      %add3A_185 = arith.addi %add3A_184, %scan3A_141 : i32
      %get3A_186 = arith.index_cast %add3A_185 : i32 to index
      %get3A_187 = arith.constant 48 : index
      %get3A_188 = tpu.vector_load %arg9[%get3A_186, %get3A_187] {strides = array<i32>} : memref<512x64xf32, #tpu.memory_space<vmem>>, vector<1x16xf32>,
      %get3A_189 = vector.shape_cast %get3A_188 : vector<1x16xf32> to vector<16xf32>
      %sub3A_190 = arith.subf %get3A_183, %get3A_189 : vector<16xf32>
      %mul3A_191 = arith.mulf %sub3A_190, %sub3A_190 : vector<16xf32>
      %add3A_192 = arith.addf %add3A_179, %mul3A_191 : vector<16xf32>
      scf.yield %add3A_192 : vector<16xf32>
    }
    %scan3A_56 = arith.constant 128 : i32
    %add3A_57 = arith.constant 256 : i32
    %add3A_58 = arith.addi %mul3A_2, %add3A_57 : i32
    %dma_start3A_59 = arith.constant 0 : i32
    %dma_start3A_60 = tpu.memref_slice %arg2[%add3A_58, %dma_start3A_59] : memref<16384x64xf32, #tpu.memory_space<hbm>> -> memref<128x64xf32, #tpu.memory_space<hbm>>
    %dma_start3A_61 = arith.constant 0 : i32
    %dma_start3A_62 = tpu.memref_slice %arg2[%add3A_58, %dma_start3A_61] : memref<16384x64xf32, #tpu.memory_space<hbm>> -> memref<128x64xf32, #tpu.memory_space<hbm>>
    tpu.enqueue_dma source(%dma_start3A_62 : memref<128x64xf32, #tpu.memory_space<hbm>>) target(%arg7 : memref<128x64xf32, #tpu.memory_space<vmem>>) target_semaphore(%arg11 : memref<!tpu.dma_semaphore, #tpu.memory_space<semaphore_mem>>)
    %dma_wait3A_63 = arith.constant 0 : i32
    %dma_wait3A_64 = tpu.memref_slice %arg2[%add3A_31, %dma_wait3A_63] : memref<16384x64xf32, #tpu.memory_space<hbm>> -> memref<128x64xf32, #tpu.memory_space<hbm>>
    %dma_wait3A_65 = arith.constant 0 : i32
    %dma_wait3A_66 = tpu.memref_slice %arg2[%add3A_31, %dma_wait3A_65] : memref<16384x64xf32, #tpu.memory_space<hbm>> -> memref<128x64xf32, #tpu.memory_space<hbm>>
    tpu.wait_dma2 semaphore(%arg11 : memref<!tpu.dma_semaphore, #tpu.memory_space<semaphore_mem>>) src(%dma_wait3A_66 : memref<128x64xf32, #tpu.memory_space<hbm>>) dst(%arg8 : memref<128x64xf32, #tpu.memory_space<vmem>>)
    %dma_wait3A_67 = arith.constant 128 : i32
    %dma_wait3A_68 = arith.constant 0 : i32
    %dma_wait3A_69 = tpu.memref_slice %arg9[%dma_wait3A_67, %dma_wait3A_68] : memref<512x64xf32, #tpu.memory_space<vmem>> -> memref<128x64xf32, #tpu.memory_space<vmem>>
    %dma_wait3A_70 = arith.constant 0 : i32
    %dma_wait3A_71 = arith.constant 0 : i32
    %dma_wait3A_72 = tpu.memref_slice %arg4[%dma_wait3A_70, %dma_wait3A_71] : memref<1000000x64xf32, #tpu.memory_space<hbm>> -> memref<128x64xf32, #tpu.memory_space<hbm>>
    %dma_wait3A_73 = arith.constant 128 : i32
    %dma_wait3A_74 = arith.constant 0 : i32
    %dma_wait3A_75 = tpu.memref_slice %arg9[%dma_wait3A_73, %dma_wait3A_74] : memref<512x64xf32, #tpu.memory_space<vmem>> -> memref<128x64xf32, #tpu.memory_space<vmem>>
    %dma_wait3A_76 = arith.constant 0 : i32
    %dma_wait3A_77 = arith.constant 0 : i32
    %dma_wait3A_78 = tpu.memref_slice %arg4[%dma_wait3A_76, %dma_wait3A_77] : memref<1000000x64xf32, #tpu.memory_space<hbm>> -> memref<128x64xf32, #tpu.memory_space<hbm>>
    tpu.wait_dma2 semaphore(%arg13 : memref<!tpu.dma_semaphore, #tpu.memory_space<semaphore_mem>>) src(%dma_wait3A_78 : memref<128x64xf32, #tpu.memory_space<hbm>>) dst(%dma_wait3A_75 : memref<128x64xf32, #tpu.memory_space<vmem>>)
    %scan3A_79 = arith.constant 0 : i32
    %scan3A_80 = arith.constant 128 : i32
    %scan3A_81 = arith.addi %scan3A_79, %scan3A_80 : i32
    %scan3A_82 = arith.constant 1 : i32
    %scan3A_83 = scf.for %scan3A_141 = %scan3A_79 to %scan3A_81 step %scan3A_82 iter_args(%scan3A_142 = %scan3A_55) -> (vector<16xf32>)  : i32 {
      %get3A = arith.index_cast %scan3A_141 : i32 to index
      %get3A_143 = arith.constant 0 : index
      %get3A_144 = tpu.vector_load %arg8[%get3A, %get3A_143] {strides = array<i32>} : memref<128x64xf32, #tpu.memory_space<vmem>>, vector<1x16xf32>,
      %get3A_145 = vector.shape_cast %get3A_144 : vector<1x16xf32> to vector<16xf32>
      %add3A_146 = arith.constant 128 : i32
      %add3A_147 = arith.addi %add3A_146, %scan3A_141 : i32
      %get3A_148 = arith.index_cast %add3A_147 : i32 to index
      %get3A_149 = arith.constant 0 : index
      %get3A_150 = tpu.vector_load %arg9[%get3A_148, %get3A_149] {strides = array<i32>} : memref<512x64xf32, #tpu.memory_space<vmem>>, vector<1x16xf32>,
      %get3A_151 = vector.shape_cast %get3A_150 : vector<1x16xf32> to vector<16xf32>
      %sub3A = arith.subf %get3A_145, %get3A_151 : vector<16xf32>
      %mul3A_152 = arith.mulf %sub3A, %sub3A : vector<16xf32>
      %add3A_153 = arith.addf %scan3A_142, %mul3A_152 : vector<16xf32>
      %get3A_154 = arith.index_cast %scan3A_141 : i32 to index
      %get3A_155 = arith.constant 16 : index
      %get3A_156 = tpu.vector_load %arg8[%get3A_154, %get3A_155] {strides = array<i32>} : memref<128x64xf32, #tpu.memory_space<vmem>>, vector<1x16xf32>,
      %get3A_157 = vector.shape_cast %get3A_156 : vector<1x16xf32> to vector<16xf32>
      %add3A_158 = arith.constant 128 : i32
      %add3A_159 = arith.addi %add3A_158, %scan3A_141 : i32
      %get3A_160 = arith.index_cast %add3A_159 : i32 to index
      %get3A_161 = arith.constant 16 : index
      %get3A_162 = tpu.vector_load %arg9[%get3A_160, %get3A_161] {strides = array<i32>} : memref<512x64xf32, #tpu.memory_space<vmem>>, vector<1x16xf32>,
      %get3A_163 = vector.shape_cast %get3A_162 : vector<1x16xf32> to vector<16xf32>
      %sub3A_164 = arith.subf %get3A_157, %get3A_163 : vector<16xf32>
      %mul3A_165 = arith.mulf %sub3A_164, %sub3A_164 : vector<16xf32>
      %add3A_166 = arith.addf %add3A_153, %mul3A_165 : vector<16xf32>
      %get3A_167 = arith.index_cast %scan3A_141 : i32 to index
      %get3A_168 = arith.constant 32 : index
      %get3A_169 = tpu.vector_load %arg8[%get3A_167, %get3A_168] {strides = array<i32>} : memref<128x64xf32, #tpu.memory_space<vmem>>, vector<1x16xf32>,
      %get3A_170 = vector.shape_cast %get3A_169 : vector<1x16xf32> to vector<16xf32>
      %add3A_171 = arith.constant 128 : i32
      %add3A_172 = arith.addi %add3A_171, %scan3A_141 : i32
      %get3A_173 = arith.index_cast %add3A_172 : i32 to index
      %get3A_174 = arith.constant 32 : index
      %get3A_175 = tpu.vector_load %arg9[%get3A_173, %get3A_174] {strides = array<i32>} : memref<512x64xf32, #tpu.memory_space<vmem>>, vector<1x16xf32>,
      %get3A_176 = vector.shape_cast %get3A_175 : vector<1x16xf32> to vector<16xf32>
      %sub3A_177 = arith.subf %get3A_170, %get3A_176 : vector<16xf32>
      %mul3A_178 = arith.mulf %sub3A_177, %sub3A_177 : vector<16xf32>
      %add3A_179 = arith.addf %add3A_166, %mul3A_178 : vector<16xf32>
      %get3A_180 = arith.index_cast %scan3A_141 : i32 to index
      %get3A_181 = arith.constant 48 : index
      %get3A_182 = tpu.vector_load %arg8[%get3A_180, %get3A_181] {strides = array<i32>} : memref<128x64xf32, #tpu.memory_space<vmem>>, vector<1x16xf32>,
      %get3A_183 = vector.shape_cast %get3A_182 : vector<1x16xf32> to vector<16xf32>
      %add3A_184 = arith.constant 128 : i32
      %add3A_185 = arith.addi %add3A_184, %scan3A_141 : i32
      %get3A_186 = arith.index_cast %add3A_185 : i32 to index
      %get3A_187 = arith.constant 48 : index
      %get3A_188 = tpu.vector_load %arg9[%get3A_186, %get3A_187] {strides = array<i32>} : memref<512x64xf32, #tpu.memory_space<vmem>>, vector<1x16xf32>,
      %get3A_189 = vector.shape_cast %get3A_188 : vector<1x16xf32> to vector<16xf32>
      %sub3A_190 = arith.subf %get3A_183, %get3A_189 : vector<16xf32>
      %mul3A_191 = arith.mulf %sub3A_190, %sub3A_190 : vector<16xf32>
      %add3A_192 = arith.addf %add3A_179, %mul3A_191 : vector<16xf32>
      scf.yield %add3A_192 : vector<16xf32>
    }
    %scan3A_84 = arith.constant 128 : i32
    %add3A_85 = arith.constant 384 : i32
    %add3A_86 = arith.addi %mul3A_2, %add3A_85 : i32
    %dma_start3A_87 = arith.constant 0 : i32
    %dma_start3A_88 = tpu.memref_slice %arg2[%add3A_86, %dma_start3A_87] : memref<16384x64xf32, #tpu.memory_space<hbm>> -> memref<128x64xf32, #tpu.memory_space<hbm>>
    %dma_start3A_89 = arith.constant 0 : i32
    %dma_start3A_90 = tpu.memref_slice %arg2[%add3A_86, %dma_start3A_89] : memref<16384x64xf32, #tpu.memory_space<hbm>> -> memref<128x64xf32, #tpu.memory_space<hbm>>
    tpu.enqueue_dma source(%dma_start3A_90 : memref<128x64xf32, #tpu.memory_space<hbm>>) target(%arg8 : memref<128x64xf32, #tpu.memory_space<vmem>>) target_semaphore(%arg11 : memref<!tpu.dma_semaphore, #tpu.memory_space<semaphore_mem>>)
    %dma_wait3A_91 = arith.constant 0 : i32
    %dma_wait3A_92 = tpu.memref_slice %arg2[%add3A_58, %dma_wait3A_91] : memref<16384x64xf32, #tpu.memory_space<hbm>> -> memref<128x64xf32, #tpu.memory_space<hbm>>
    %dma_wait3A_93 = arith.constant 0 : i32
    %dma_wait3A_94 = tpu.memref_slice %arg2[%add3A_58, %dma_wait3A_93] : memref<16384x64xf32, #tpu.memory_space<hbm>> -> memref<128x64xf32, #tpu.memory_space<hbm>>
    tpu.wait_dma2 semaphore(%arg11 : memref<!tpu.dma_semaphore, #tpu.memory_space<semaphore_mem>>) src(%dma_wait3A_94 : memref<128x64xf32, #tpu.memory_space<hbm>>) dst(%arg7 : memref<128x64xf32, #tpu.memory_space<vmem>>)
    %dma_wait3A_95 = arith.constant 256 : i32
    %dma_wait3A_96 = arith.constant 0 : i32
    %dma_wait3A_97 = tpu.memref_slice %arg9[%dma_wait3A_95, %dma_wait3A_96] : memref<512x64xf32, #tpu.memory_space<vmem>> -> memref<128x64xf32, #tpu.memory_space<vmem>>
    %dma_wait3A_98 = arith.constant 0 : i32
    %dma_wait3A_99 = arith.constant 0 : i32
    %dma_wait3A_100 = tpu.memref_slice %arg4[%dma_wait3A_98, %dma_wait3A_99] : memref<1000000x64xf32, #tpu.memory_space<hbm>> -> memref<128x64xf32, #tpu.memory_space<hbm>>
    %dma_wait3A_101 = arith.constant 256 : i32
    %dma_wait3A_102 = arith.constant 0 : i32
    %dma_wait3A_103 = tpu.memref_slice %arg9[%dma_wait3A_101, %dma_wait3A_102] : memref<512x64xf32, #tpu.memory_space<vmem>> -> memref<128x64xf32, #tpu.memory_space<vmem>>
    %dma_wait3A_104 = arith.constant 0 : i32
    %dma_wait3A_105 = arith.constant 0 : i32
    %dma_wait3A_106 = tpu.memref_slice %arg4[%dma_wait3A_104, %dma_wait3A_105] : memref<1000000x64xf32, #tpu.memory_space<hbm>> -> memref<128x64xf32, #tpu.memory_space<hbm>>
    tpu.wait_dma2 semaphore(%arg14 : memref<!tpu.dma_semaphore, #tpu.memory_space<semaphore_mem>>) src(%dma_wait3A_106 : memref<128x64xf32, #tpu.memory_space<hbm>>) dst(%dma_wait3A_103 : memref<128x64xf32, #tpu.memory_space<vmem>>)
    %scan3A_107 = arith.constant 0 : i32
    %scan3A_108 = arith.constant 128 : i32
    %scan3A_109 = arith.addi %scan3A_107, %scan3A_108 : i32
    %scan3A_110 = arith.constant 1 : i32
    %scan3A_111 = scf.for %scan3A_141 = %scan3A_107 to %scan3A_109 step %scan3A_110 iter_args(%scan3A_142 = %scan3A_83) -> (vector<16xf32>)  : i32 {
      %get3A = arith.index_cast %scan3A_141 : i32 to index
      %get3A_143 = arith.constant 0 : index
      %get3A_144 = tpu.vector_load %arg7[%get3A, %get3A_143] {strides = array<i32>} : memref<128x64xf32, #tpu.memory_space<vmem>>, vector<1x16xf32>,
      %get3A_145 = vector.shape_cast %get3A_144 : vector<1x16xf32> to vector<16xf32>
      %add3A_146 = arith.constant 256 : i32
      %add3A_147 = arith.addi %add3A_146, %scan3A_141 : i32
      %get3A_148 = arith.index_cast %add3A_147 : i32 to index
      %get3A_149 = arith.constant 0 : index
      %get3A_150 = tpu.vector_load %arg9[%get3A_148, %get3A_149] {strides = array<i32>} : memref<512x64xf32, #tpu.memory_space<vmem>>, vector<1x16xf32>,
      %get3A_151 = vector.shape_cast %get3A_150 : vector<1x16xf32> to vector<16xf32>
      %sub3A = arith.subf %get3A_145, %get3A_151 : vector<16xf32>
      %mul3A_152 = arith.mulf %sub3A, %sub3A : vector<16xf32>
      %add3A_153 = arith.addf %scan3A_142, %mul3A_152 : vector<16xf32>
      %get3A_154 = arith.index_cast %scan3A_141 : i32 to index
      %get3A_155 = arith.constant 16 : index
      %get3A_156 = tpu.vector_load %arg7[%get3A_154, %get3A_155] {strides = array<i32>} : memref<128x64xf32, #tpu.memory_space<vmem>>, vector<1x16xf32>,
      %get3A_157 = vector.shape_cast %get3A_156 : vector<1x16xf32> to vector<16xf32>
      %add3A_158 = arith.constant 256 : i32
      %add3A_159 = arith.addi %add3A_158, %scan3A_141 : i32
      %get3A_160 = arith.index_cast %add3A_159 : i32 to index
      %get3A_161 = arith.constant 16 : index
      %get3A_162 = tpu.vector_load %arg9[%get3A_160, %get3A_161] {strides = array<i32>} : memref<512x64xf32, #tpu.memory_space<vmem>>, vector<1x16xf32>,
      %get3A_163 = vector.shape_cast %get3A_162 : vector<1x16xf32> to vector<16xf32>
      %sub3A_164 = arith.subf %get3A_157, %get3A_163 : vector<16xf32>
      %mul3A_165 = arith.mulf %sub3A_164, %sub3A_164 : vector<16xf32>
      %add3A_166 = arith.addf %add3A_153, %mul3A_165 : vector<16xf32>
      %get3A_167 = arith.index_cast %scan3A_141 : i32 to index
      %get3A_168 = arith.constant 32 : index
      %get3A_169 = tpu.vector_load %arg7[%get3A_167, %get3A_168] {strides = array<i32>} : memref<128x64xf32, #tpu.memory_space<vmem>>, vector<1x16xf32>,
      %get3A_170 = vector.shape_cast %get3A_169 : vector<1x16xf32> to vector<16xf32>
      %add3A_171 = arith.constant 256 : i32
      %add3A_172 = arith.addi %add3A_171, %scan3A_141 : i32
      %get3A_173 = arith.index_cast %add3A_172 : i32 to index
      %get3A_174 = arith.constant 32 : index
      %get3A_175 = tpu.vector_load %arg9[%get3A_173, %get3A_174] {strides = array<i32>} : memref<512x64xf32, #tpu.memory_space<vmem>>, vector<1x16xf32>,
      %get3A_176 = vector.shape_cast %get3A_175 : vector<1x16xf32> to vector<16xf32>
      %sub3A_177 = arith.subf %get3A_170, %get3A_176 : vector<16xf32>
      %mul3A_178 = arith.mulf %sub3A_177, %sub3A_177 : vector<16xf32>
      %add3A_179 = arith.addf %add3A_166, %mul3A_178 : vector<16xf32>
      %get3A_180 = arith.index_cast %scan3A_141 : i32 to index
      %get3A_181 = arith.constant 48 : index
      %get3A_182 = tpu.vector_load %arg7[%get3A_180, %get3A_181] {strides = array<i32>} : memref<128x64xf32, #tpu.memory_space<vmem>>, vector<1x16xf32>,
      %get3A_183 = vector.shape_cast %get3A_182 : vector<1x16xf32> to vector<16xf32>
      %add3A_184 = arith.constant 256 : i32
      %add3A_185 = arith.addi %add3A_184, %scan3A_141 : i32
      %get3A_186 = arith.index_cast %add3A_185 : i32 to index
      %get3A_187 = arith.constant 48 : index
      %get3A_188 = tpu.vector_load %arg9[%get3A_186, %get3A_187] {strides = array<i32>} : memref<512x64xf32, #tpu.memory_space<vmem>>, vector<1x16xf32>,
      %get3A_189 = vector.shape_cast %get3A_188 : vector<1x16xf32> to vector<16xf32>
      %sub3A_190 = arith.subf %get3A_183, %get3A_189 : vector<16xf32>
      %mul3A_191 = arith.mulf %sub3A_190, %sub3A_190 : vector<16xf32>
      %add3A_192 = arith.addf %add3A_179, %mul3A_191 : vector<16xf32>
      scf.yield %add3A_192 : vector<16xf32>
    }
    %scan3A_112 = arith.constant 128 : i32
    %dma_wait3A_113 = arith.constant 0 : i32
    %dma_wait3A_114 = tpu.memref_slice %arg2[%add3A_86, %dma_wait3A_113] : memref<16384x64xf32, #tpu.memory_space<hbm>> -> memref<128x64xf32, #tpu.memory_space<hbm>>
    %dma_wait3A_115 = arith.constant 0 : i32
    %dma_wait3A_116 = tpu.memref_slice %arg2[%add3A_86, %dma_wait3A_115] : memref<16384x64xf32, #tpu.memory_space<hbm>> -> memref<128x64xf32, #tpu.memory_space<hbm>>
    tpu.wait_dma2 semaphore(%arg11 : memref<!tpu.dma_semaphore, #tpu.memory_space<semaphore_mem>>) src(%dma_wait3A_116 : memref<128x64xf32, #tpu.memory_space<hbm>>) dst(%arg8 : memref<128x64xf32, #tpu.memory_space<vmem>>)
    %dma_wait3A_117 = arith.constant 384 : i32
    %dma_wait3A_118 = arith.constant 0 : i32
    %dma_wait3A_119 = tpu.memref_slice %arg9[%dma_wait3A_117, %dma_wait3A_118] : memref<512x64xf32, #tpu.memory_space<vmem>> -> memref<128x64xf32, #tpu.memory_space<vmem>>
    %dma_wait3A_120 = arith.constant 0 : i32
    %dma_wait3A_121 = arith.constant 0 : i32
    %dma_wait3A_122 = tpu.memref_slice %arg4[%dma_wait3A_120, %dma_wait3A_121] : memref<1000000x64xf32, #tpu.memory_space<hbm>> -> memref<128x64xf32, #tpu.memory_space<hbm>>
    %dma_wait3A_123 = arith.constant 384 : i32
    %dma_wait3A_124 = arith.constant 0 : i32
    %dma_wait3A_125 = tpu.memref_slice %arg9[%dma_wait3A_123, %dma_wait3A_124] : memref<512x64xf32, #tpu.memory_space<vmem>> -> memref<128x64xf32, #tpu.memory_space<vmem>>
    %dma_wait3A_126 = arith.constant 0 : i32
    %dma_wait3A_127 = arith.constant 0 : i32
    %dma_wait3A_128 = tpu.memref_slice %arg4[%dma_wait3A_126, %dma_wait3A_127] : memref<1000000x64xf32, #tpu.memory_space<hbm>> -> memref<128x64xf32, #tpu.memory_space<hbm>>
    tpu.wait_dma2 semaphore(%arg15 : memref<!tpu.dma_semaphore, #tpu.memory_space<semaphore_mem>>) src(%dma_wait3A_128 : memref<128x64xf32, #tpu.memory_space<hbm>>) dst(%dma_wait3A_125 : memref<128x64xf32, #tpu.memory_space<vmem>>)
    %scan3A_129 = arith.constant 0 : i32
    %scan3A_130 = arith.constant 128 : i32
    %scan3A_131 = arith.addi %scan3A_129, %scan3A_130 : i32
    %scan3A_132 = arith.constant 1 : i32
    %scan3A_133 = scf.for %scan3A_141 = %scan3A_129 to %scan3A_131 step %scan3A_132 iter_args(%scan3A_142 = %scan3A_111) -> (vector<16xf32>)  : i32 {
      %get3A = arith.index_cast %scan3A_141 : i32 to index
      %get3A_143 = arith.constant 0 : index
      %get3A_144 = tpu.vector_load %arg8[%get3A, %get3A_143] {strides = array<i32>} : memref<128x64xf32, #tpu.memory_space<vmem>>, vector<1x16xf32>,
      %get3A_145 = vector.shape_cast %get3A_144 : vector<1x16xf32> to vector<16xf32>
      %add3A_146 = arith.constant 384 : i32
      %add3A_147 = arith.addi %add3A_146, %scan3A_141 : i32
      %get3A_148 = arith.index_cast %add3A_147 : i32 to index
      %get3A_149 = arith.constant 0 : index
      %get3A_150 = tpu.vector_load %arg9[%get3A_148, %get3A_149] {strides = array<i32>} : memref<512x64xf32, #tpu.memory_space<vmem>>, vector<1x16xf32>,
      %get3A_151 = vector.shape_cast %get3A_150 : vector<1x16xf32> to vector<16xf32>
      %sub3A = arith.subf %get3A_145, %get3A_151 : vector<16xf32>
      %mul3A_152 = arith.mulf %sub3A, %sub3A : vector<16xf32>
      %add3A_153 = arith.addf %scan3A_142, %mul3A_152 : vector<16xf32>
      %get3A_154 = arith.index_cast %scan3A_141 : i32 to index
      %get3A_155 = arith.constant 16 : index
      %get3A_156 = tpu.vector_load %arg8[%get3A_154, %get3A_155] {strides = array<i32>} : memref<128x64xf32, #tpu.memory_space<vmem>>, vector<1x16xf32>,
      %get3A_157 = vector.shape_cast %get3A_156 : vector<1x16xf32> to vector<16xf32>
      %add3A_158 = arith.constant 384 : i32
      %add3A_159 = arith.addi %add3A_158, %scan3A_141 : i32
      %get3A_160 = arith.index_cast %add3A_159 : i32 to index
      %get3A_161 = arith.constant 16 : index
      %get3A_162 = tpu.vector_load %arg9[%get3A_160, %get3A_161] {strides = array<i32>} : memref<512x64xf32, #tpu.memory_space<vmem>>, vector<1x16xf32>,
      %get3A_163 = vector.shape_cast %get3A_162 : vector<1x16xf32> to vector<16xf32>
      %sub3A_164 = arith.subf %get3A_157, %get3A_163 : vector<16xf32>
      %mul3A_165 = arith.mulf %sub3A_164, %sub3A_164 : vector<16xf32>
      %add3A_166 = arith.addf %add3A_153, %mul3A_165 : vector<16xf32>
      %get3A_167 = arith.index_cast %scan3A_141 : i32 to index
      %get3A_168 = arith.constant 32 : index
      %get3A_169 = tpu.vector_load %arg8[%get3A_167, %get3A_168] {strides = array<i32>} : memref<128x64xf32, #tpu.memory_space<vmem>>, vector<1x16xf32>,
      %get3A_170 = vector.shape_cast %get3A_169 : vector<1x16xf32> to vector<16xf32>
      %add3A_171 = arith.constant 384 : i32
      %add3A_172 = arith.addi %add3A_171, %scan3A_141 : i32
      %get3A_173 = arith.index_cast %add3A_172 : i32 to index
      %get3A_174 = arith.constant 32 : index
      %get3A_175 = tpu.vector_load %arg9[%get3A_173, %get3A_174] {strides = array<i32>} : memref<512x64xf32, #tpu.memory_space<vmem>>, vector<1x16xf32>,
      %get3A_176 = vector.shape_cast %get3A_175 : vector<1x16xf32> to vector<16xf32>
      %sub3A_177 = arith.subf %get3A_170, %get3A_176 : vector<16xf32>
      %mul3A_178 = arith.mulf %sub3A_177, %sub3A_177 : vector<16xf32>
      %add3A_179 = arith.addf %add3A_166, %mul3A_178 : vector<16xf32>
      %get3A_180 = arith.index_cast %scan3A_141 : i32 to index
      %get3A_181 = arith.constant 48 : index
      %get3A_182 = tpu.vector_load %arg8[%get3A_180, %get3A_181] {strides = array<i32>} : memref<128x64xf32, #tpu.memory_space<vmem>>, vector<1x16xf32>,
      %get3A_183 = vector.shape_cast %get3A_182 : vector<1x16xf32> to vector<16xf32>
      %add3A_184 = arith.constant 384 : i32
      %add3A_185 = arith.addi %add3A_184, %scan3A_141 : i32
      %get3A_186 = arith.index_cast %add3A_185 : i32 to index
      %get3A_187 = arith.constant 48 : index
      %get3A_188 = tpu.vector_load %arg9[%get3A_186, %get3A_187] {strides = array<i32>} : memref<512x64xf32, #tpu.memory_space<vmem>>, vector<1x16xf32>,
      %get3A_189 = vector.shape_cast %get3A_188 : vector<1x16xf32> to vector<16xf32>
      %sub3A_190 = arith.subf %get3A_183, %get3A_189 : vector<16xf32>
      %mul3A_191 = arith.mulf %sub3A_190, %sub3A_190 : vector<16xf32>
      %add3A_192 = arith.addf %add3A_179, %mul3A_191 : vector<16xf32>
      scf.yield %add3A_192 : vector<16xf32>
    }
    %scan3A_134 = arith.constant 128 : i32
    %mul3A_135 = arith.constant 9.53674316E-7 : f32
    %mul3A_136 = vector.broadcast %mul3A_135 : f32 to vector<16xf32>
    %mul3A_137 = arith.mulf %scan3A_133, %mul3A_136 : vector<16xf32>
    %swap3A = arith.constant 0 : index
    %swap3A_138 = tpu.vector_load %arg10[%swap3A] {strides = array<i32>} : memref<16xf32, #tpu.memory_space<vmem>>, vector<16xf32>,
    %swap3A_139 = vector.shape_cast %swap3A_138 : vector<16xf32> to vector<16xf32>
    %swap3A_140 = vector.shape_cast %mul3A_137 : vector<16xf32> to vector<16xf32>
    tpu.vector_store %arg10[%swap3A], %swap3A_140 {strides = array<i32>} : memref<16xf32, #tpu.memory_space<vmem>>, vector<16xf32>,
    "tpu.region"() ({
      %run_scoped3A = tpu.sem_alloc : memref<!tpu.dma_semaphore, #tpu.memory_space<semaphore_mem>>
      %dma_start3A_141 = arith.constant 0 : i32
      %dma_start3A_142 = tpu.memref_slice %arg5[%add3A, %dma_start3A_141] : memref<32x16xf32, #tpu.memory_space<hbm>> -> memref<1x16xf32, #tpu.memory_space<hbm>>
      %dma_start3A_143 = tpu.memref_squeeze %dma_start3A_142 : memref<1x16xf32, #tpu.memory_space<hbm>> -> memref<16xf32, #tpu.memory_space<hbm>>
      %dma_start3A_144 = arith.constant 0 : i32
      %dma_start3A_145 = tpu.memref_slice %arg5[%add3A, %dma_start3A_144] : memref<32x16xf32, #tpu.memory_space<hbm>> -> memref<1x16xf32, #tpu.memory_space<hbm>>
      %dma_start3A_146 = tpu.memref_squeeze %dma_start3A_145 : memref<1x16xf32, #tpu.memory_space<hbm>> -> memref<16xf32, #tpu.memory_space<hbm>>
      tpu.enqueue_dma source(%arg10 : memref<16xf32, #tpu.memory_space<vmem>>) target(%dma_start3A_146 : memref<16xf32, #tpu.memory_space<hbm>>) target_semaphore(%run_scoped3A : memref<!tpu.dma_semaphore, #tpu.memory_space<semaphore_mem>>)
      %dma_wait3A_147 = arith.constant 0 : i32
      %dma_wait3A_148 = tpu.memref_slice %arg5[%add3A, %dma_wait3A_147] : memref<32x16xf32, #tpu.memory_space<hbm>> -> memref<1x16xf32, #tpu.memory_space<hbm>>
      %dma_wait3A_149 = tpu.memref_squeeze %dma_wait3A_148 : memref<1x16xf32, #tpu.memory_space<hbm>> -> memref<16xf32, #tpu.memory_space<hbm>>
      %dma_wait3A_150 = arith.constant 0 : i32
      %dma_wait3A_151 = tpu.memref_slice %arg5[%add3A, %dma_wait3A_150] : memref<32x16xf32, #tpu.memory_space<hbm>> -> memref<1x16xf32, #tpu.memory_space<hbm>>
      %dma_wait3A_152 = tpu.memref_squeeze %dma_wait3A_151 : memref<1x16xf32, #tpu.memory_space<hbm>> -> memref<16xf32, #tpu.memory_space<hbm>>
      tpu.wait_dma2 semaphore(%run_scoped3A : memref<!tpu.dma_semaphore, #tpu.memory_space<semaphore_mem>>) src(%arg10 : memref<16xf32, #tpu.memory_space<vmem>>) dst(%dma_wait3A_152 : memref<16xf32, #tpu.memory_space<hbm>>)
      tpu.yield
    }) : () -> ()
    return
  }
}

</mosaic_0001>

<sc_bundles>
// kernel: kernel.3.cloned.1.call-start
scs
__scs_entry_jumppad:
0x0: {  	(pc) =	sbr.rel $0x88, $3  }
0x1: {  	(tag) =	ssettag $0x0;
	lr =	simm.s32 $0x1  }
0x2: {  	[smem:$0x3F9E] =	sst lr;
	_ =	strace $0xD0000000  }
0x3: {  	_ = 	snop  }
0x4: {  	_ = 	snop  }
0x5: {  	_ = 	snop  }
0x6: {  	_ = 	snop  }
0x7: {  	_ = 	snop  }
__scs_overlays_trampoline_lowered:
0x8: {  	[smem:$0x3FAD] =	sst s0  }
0x9: {  	[smem:$0x3FAE] =	sst s1  }
0xa: {  	[smem:$0x3FAF] =	sst s2  }
0xb: {  	[smem:$0x3FB0] =	sst s3  }
0xc: {  	[smem:$0x3FB1] =	sst s4  }
0xd: {  	[smem:$0x3FB2] =	sst s5  }
0xe: {  	[smem:$0x3FB3] =	sst s6  }
0xf: {  	[smem:$0x3FB4] =	sst s7  }
0x10: {  	[smem:$0x3FB5] =	sst s8  }
0x11: {  	[smem:$0x3FB6] =	sst s9;
	s0 =	simm.s32 @!p0 $0x0  }
0x12: {  	s1 =	sld [smem:$0x3F9C];
	s0 =	simm.s32 @p0 $0x1  }
0x13: {  	[smem:$0x3FB7] =	sst s0;
	s0 =	simm.s32 @!p1 $0x0  }
0x14: {  	s2 =	sld [smem:$0x3F9B];
	s0 =	simm.s32 @p1 $0x1  }
0x15: {  	[smem:$0x3FB8] =	sst s0;
	s0 =	simm.s32 @!p2 $0x0  }
0x16: {  	s3 =	sld [smem:$0x3FDB];
	s0 =	simm.s32 @p2 $0x1  }
0x17: {  	s4 =	simm.s32 $0x1BF5;
	[smem:$0x3FBA] =	sst s0  }
0x18: {  	s0 =	sld [smem:$0x3F9D];
	_ =	swait.ge [sflag:s4], $0x0  }
0x19: {  	s7 =	sld [smem:$0x3F9E]  }
0x1a: {  	s8 =	sadd.s32 $0xFFFFE003, lr  }
0x1b: {  	s9 =	sadd.s32 $0xFFFFFEF7, lr;
	s5 =	simm.s32 $0xFFFFFFFF;
	p2 =	slt.u32 s8, $0xFFFFF086  }
0x1c: {  	p1 =	slt.u32 s9, $0xF7A;
	s5 =	simm.s32 @!p2 $0x0  }
0x1d: {  	s5 =	simm.s32 @p1 $0x1;
	p0 =	seq.s32 s7, s2  }
0x1e: {  	s7 =	smul.u32 @!p0 $0xF7A, s2;
	p2 =	seq.s32 @!p0 s5, $0x0  }
0x1f: {  	s9 =	smul.u32 $0xF7A, s1;
	s8 =	simm.s32 @!p0 $0x1BF5;
	p2 =	por !p2, p0  }
0x20: {  	[sflag:s8] =	ssyncset.s32 @!p0 $0xFFFFF086;
	s6 =	sadd.s32 @!p0 s3, s7;
	s7 =	simm.s32 @!p0 $0x108  }
0x21: {  	s3 =	sadd.s32 s3, s9;
	s6 =	sadd.s32 @!p0 $0x88, s6;
	s7 =	simm.s32 @p2 $0x1082  }
0x22: {  	[simem:s7], [sflag:s8] =	dma.local @!p0 [hbm:s6], $0xF7A  }
0x23: {  	s9 =	sor.u32 $0xD0000000, s2;
	s6 =	simm.s32 $0x108;
	_ =	swait.ge @!p0 [sflag:s8], $0x0  }
0x24: {  	s3 =	sadd.s32 $0x88, s3;
	s6 =	simm.s32 @!p1 $0x1082;
	[sflag:s4] =	ssyncset.s32 $0xFFFFF086  }
0x25: {  	[simem:s6], [sflag:s4] =	dma.local [hbm:s3], $0xF7A  }
0x26: {  	[smem:$0x3F9E] =	sst s1;
	(tag) =	ssettag s2;
	_ =	strace s9  }
0x27: {  	s1 =	sld [smem:$0x3FAE]  }
0x28: {  	s2 =	sld [smem:$0x3FAF]  }
0x29: {  	s4 =	sld [smem:$0x3FB1]  }
0x2a: {  	p0 =	seq.s32 s5, $0x0;
	s5 =	sld [smem:$0x3FB2]  }
0x2b: {  	s6 =	sld [smem:$0x3FB3]  }
0x2c: {  	s7 =	sld [smem:$0x3FB4]  }
0x2d: {  	s3 =	simm.s32 $0x108;
	s8 =	sld [smem:$0x3FB5]  }
0x2e: {  	s3 =	simm.s32 @!p0 $0x1082;
	s9 =	sld [smem:$0x3FB6]  }
0x2f: {  	lr =	sadd.s32 s0, s3;
	s0 =	sld [smem:$0x3FAD]  }
0x30: {  	s3 =	sld [smem:$0x3FB0]  }
0x31: {  	[smem:$0x3FB9] =	sst s10  }
0x32: {  	s10 =	sld [smem:$0x3FB7];
	_ =	sdelay $0x3  }
0x33: {  	p0 =	seq.s32 s10, $0x1;
	s10 =	sld [smem:$0x3FB9];
	_ =	sdelay $0x3  }
0x34: {  	[smem:$0x3FB9] =	sst s10  }
0x35: {  	s10 =	sld [smem:$0x3FB8];
	_ =	sdelay $0x3  }
0x36: {  	p1 =	seq.s32 s10, $0x1;
	s10 =	sld [smem:$0x3FB9];
	_ =	sdelay $0x3  }
0x37: {  	[smem:$0x3FB9] =	sst s10  }
0x38: {  	s10 =	sld [smem:$0x3FBA]  }
0x39: {  	_ = 	snop;
	(pc) =	sbr.ind lr, $3  }
0x3a: {  	_ = 	snop  }
0x3b: {  	_ = 	snop  }
0x3c: {  	p2 =	seq.s32 s10, $0x1;
	s10 =	sld [smem:$0x3FB9]  }
0x3d: {  	_ =	shalt  }
0x3e: {  	_ =	shalt  }
0x3f: {  	_ =	shalt  }
0x40: {  	_ =	shalt  }
0x41: {  	_ =	shalt  }
0x42: {  	_ =	shalt  }
0x43: {  	_ =	shalt  }
0x44: {  	_ =	shalt  }
0x45: {  	_ =	shalt  }
0x46: {  	_ =	shalt  }
0x47: {  	_ =	shalt  }
0x48: {  	_ =	shalt  }
0x49: {  	_ =	shalt  }
0x4a: {  	_ =	shalt  }
0x4b: {  	_ =	shalt  }
0x4c: {  	_ =	shalt  }
0x4d: {  	_ =	shalt  }
0x4e: {  	_ =	shalt  }
0x4f: {  	_ =	shalt  }
0x50: {  	_ =	shalt  }
0x51: {  	_ =	shalt  }
0x52: {  	_ =	shalt  }
0x53: {  	_ =	shalt  }
0x54: {  	_ =	shalt  }
0x55: {  	_ =	shalt  }
0x56: {  	_ =	shalt  }
0x57: {  	_ =	shalt  }
0x58: {  	_ =	shalt  }
0x59: {  	_ =	shalt  }
0x5a: {  	_ =	shalt  }
0x5b: {  	_ =	shalt  }
0x5c: {  	_ =	shalt  }
0x5d: {  	_ =	shalt  }
0x5e: {  	_ =	shalt  }
0x5f: {  	_ =	shalt  }
0x60: {  	_ =	shalt  }
0x61: {  	_ =	shalt  }
0x62: {  	_ =	shalt  }
0x63: {  	_ =	shalt  }
0x64: {  	_ =	shalt  }
0x65: {  	_ =	shalt  }
0x66: {  	_ =	shalt  }
0x67: {  	_ =	shalt  }
0x68: {  	_ =	shalt  }
0x69: {  	_ =	shalt  }
0x6a: {  	_ =	shalt  }
0x6b: {  	_ =	shalt  }
0x6c: {  	_ =	shalt  }
0x6d: {  	_ =	shalt  }
0x6e: {  	_ =	shalt  }
0x6f: {  	_ =	shalt  }
0x70: {  	_ =	shalt  }
0x71: {  	_ =	shalt  }
0x72: {  	_ =	shalt  }
0x73: {  	_ =	shalt  }
0x74: {  	_ =	shalt  }
0x75: {  	_ =	shalt  }
0x76: {  	_ =	shalt  }
0x77: {  	_ =	shalt  }
0x78: {  	_ =	shalt  }
0x79: {  	_ =	shalt  }
0x7a: {  	_ =	shalt  }
0x7b: {  	_ =	shalt  }
0x7c: {  	_ =	shalt  }
0x7d: {  	_ =	shalt  }
0x7e: {  	_ =	shalt  }
0x7f: {  	_ =	shalt  }
0x80: {  	_ =	shalt  }
0x81: {  	_ =	shalt  }
0x82: {  	_ =	shalt  }
0x83: {  	_ =	shalt  }
0x84: {  	_ =	shalt  }
0x85: {  	_ =	shalt  }
0x86: {  	_ =	shalt  }
0x87: {  	_ =	shalt  }
.Lfunc_end0:
.L_simem_size_0:
called_computation_lowered:
.L_overlay_start_0:
0x88: {  	s2 =	sld [smem:$0x3FD9]  }
0x89: {  	s3 =	sld [smem:$0x3FFE];
	_ =	sdelay $0x1  }
0x8a: {  	s1 =	srdreg.scid  }
0x8b: {  	s0 =	sand.u32 $0x1, s1  }
0x8c: {  	s17 =	sshll.u32 s0, $0xA;
	s2 =	sadd.s32 s3, s2  }
0x8d: {  	s2 =	sadd.s32 s2, s17  }
0x8e: {  	[smem:$0x3FC5] =	sst s2  }
0x8f: {  	_ = 	snop  }
0x90: {  	s2 =	sld [smem:$0x3FC8];
	(tm) =	ssettm $0x1  }
0x91: {  	s18 =	sld [smem:$0x3FFB];
	_ =	sdelay $0x3  }
0x92: {  	_ =	strace s18  }
0x93: {  	s3 =	sld [smem:$0x3FFC];
	_ =	sdelay $0x3  }
0x94: {  	_ =	strace s3  }
0x95: {  	s3 =	sld [smem:$0x3FFD];
	_ =	sdelay $0x3  }
0x96: {  	_ =	strace s3  }
0x97: {  	_ =	strace $0x8FFFFFFF  }
0x98: {  	s19 =	sld [smem:$0x3FDB];
	_ =	sdelay $0x1  }
0x99: {  	s4 =	simm.s32 $_scs_section_size  }
0x9a: {  	s5 =	simm.s32 $_size__tile_overlayer_lowered;
	s6 =	simm.s32 $_tile_overlayer_lowered  }
0x9b: {  	s22 =	simm.s32 $0x1BFF;
	s21 =	sshll.u32 s6, $0x1;
	s3 =	sadd.s32 s4, s19  }
0x9c: {  	s7 =	simm.s32 $0x0;
	s20 =	sshll.u32 s5, $0x1;
	s5 =	sadd.s32 s21, s3  }
0x9d: {  	[timem:s7], [sflag:s22] =	dma.local [hbm:s5], s20  }
0x9e: {  	_ =	swait.ge [sflag:s22], s20  }
0x9f: {  	s4 =	ssub.s32 $0x0, s20;
	[sflag:s22] =	ssyncset.done $0x0  }
0xa0: {  	[sflag:s22] =	ssyncadd.s32 s4;
	_ =	sdelay $0x1  }
0xa1: {  	s23 =	simm.s32 $0x1B8B  }
0xa2: {  	_ =	swait.ge [sflag:s23], $0x1  }
0xa3: {  	[sflag:s23] =	ssyncset.done $0x0  }
0xa4: {  	s25 =	simm.s32 $0x1B8E;
	s24 =	sld [smem:$0x3FFE];
	[sflag:s23] =	ssyncadd.s32 $0xFFFFFFFF  }
0xa5: {  	s26 =	simm.s32 $execute0_lowered;
	[smem:$0x3FD2] =	sst s25  }
0xa6: {  	s5 =	sshll.u32 s26, $0x1;
	_ =	strace $0x80000046;
	[dreg:$0x1] =	wrdreg $0xFFFFFFFF  }
0xa7: {  	s28 =	simm.s32 $_size_execute0_lowered;
	s3 =	sadd.s32 s3, s5;
	[dreg:$0x0] =	wrdreg $0x0  }
0xa8: {  	s5 =	sshll.u32 s28, $0x1;
	[dreg:$0x2] =	wrdreg s3  }
0xa9: {  	[dreg:$0x3] =	wrdreg s5  }
0xaa: {  	[dreg:$0x4] =	wrdreg $0xC0  }
0xab: {  	_ =	task [dreg:s7], $0x5FFFF  }
0xac: {  	[dreg:$0x1] =	wrdreg $0xFFFFFFFF  }
0xad: {  	[dreg:$0x0] =	wrdreg $0x60  }
0xae: {  	[dreg:$0x2] =	wrdreg s24  }
0xaf: {  	[dreg:$0x3] =	wrdreg s2  }
0xb0: {  	[dreg:$0x4] =	wrdreg $0x9  }
0xb1: {  	_ =	task.clear_ibuf [dreg:s7], $0x5FFFF;
	_ =	strace $0x90000046  }
0xb2: {  	s29 =	simm.s32 $0x9;
	_ =	strace $0x80000048  }
0xb3: {  	_ =	swait.ge [sflag:s29], $0x1  }
0xb4: {  	[sflag:s29] =	ssyncadd.s32 $0xFFFFFFFF  }
0xb5: {  	_ =	strace $0x90000048  }
0xb6: {  	_ =	sfence  }
0xb7: {  	s30 =	sld [smem:$0x0];
	_ =	sdelay $0x2  }
0xb8: {  	s31 =	sshll.u32 s1, $0xD;
	s1 =	sshrl.u32 s1, $0x2  }
0xb9: {  	s3 =	sand.u32 $0x4000, s31;
	s1 =	sadd.s32 s1, s30  }
0xba: {  	s0 =	sor.u32 s3, s0;
	s1 =	sshll.u32 s1, $0x11  }
0xbb: {  	s0 =	sor.u32 s1, s0  }
0xbc: {  	s0 =	sadd.s32 $0x8F2B, s0  }
0xbd: {  	[sflag:s0] =	ssyncadd.remote.s32 $0x1  }
0xbe: {  	_ =	sfence.sel $0xFFFF  }
0xbf: {  	[dreg:$0x0] =	wrdreg $0xFFFFFFFF;
	(pc) =	sbr.abs _section_cstart, $3  }
0xc0: {  	[dreg:$0x1] =	wrdreg $0xFFFFFFFF  }
0xc1: {  	_ =	task.clear_ibuf [dreg:s7], $0x2FFFF;
	_ =	strace $0x9FFFFFFF  }
0xc2: {  	(tm) =	ssettm $0x7FFFFFFF  }
0xc3: {  	_ =	shalt  }
tec
execute0_lowered:
.L_overlay_start_1:
0x0: {  	(tag) =	ssettag $0x1  }
0x1: {  	s0 =	rddreg [dreg:$0x0]  }
0x2: {  	s1 =	rddreg [dreg:$0x1];
	s3 =	srdreg.scid  }
0x3: {  	s5 =	stileid.u32;
	s2 =	simm.s32 $0x0;
	s11 =	simm.s32 $0x6  }
0x4: {  	s14 =	simm.s32 $0x1;
	s15 =	simm.s32 $0x2;
	s16 =	simm.s32 $0x3  }
0x5: {  	s17 =	simm.s32 $0x4;
	s4 =	sand.u32 $0x1, s3;
	s25 =	sshll.u32 s5, $0x1  }
0x6: {  	[smem:$0x7FF] =	sst s2;
	s3 =	sadd.s32 $0x40000, s0;
	s5 =	sor.u32 s4, s25  }
0x7: {  	s6 =	sshll.u32 s5, $0x4;
	s7 =	sshll.u32 s5, $0x6;
	s5 =	sshll.u32 s5, $0xD  }
0x8: {  	_ =	strace $0x80000047;
	s1 =	sadd.s32 s1, s7;
	s5 =	sadd.s32 s0, s5  }
0x9: {  	s9 =	sadd.s32 s6, s0;
	[dreg:$0x3] =	wrdreg s1;
	s0 =	sadd.s32 $0x800, s5  }
0xa: {  	s4 =	ssub.s32 $0x2, s4;
	s28 =	sadd.s32 $0x1000, s5;
	[dreg:$0x4] =	wrdreg s0  }
0xb: {  	s26 =	sshrl.u32 s4, $0x1;
	s29 =	sadd.s32 $0x1800, s5;
	[dreg:$0x5] =	wrdreg s28  }
0xc: {  	s10 =	ssub.s32 s4, s26;
	s30 =	sadd.s32 $0xF82400, s9;
	[dreg:$0x6] =	wrdreg s29  }
0xd: {  	s18 =	simm.s32 $0x5;
	s31 =	smax.u32 s10, $0x1;
	[dreg:$0x7] =	wrdreg s30  }
0xe: {  	s20 =	simm.s32 $0x0;
	s4 =	simm.s32 $0x200;
	[dreg:$0x8] =	wrdreg s31  }
.LBB2_1:
0xf: {  	s0 =	rddreg [dreg:$0x3]  }
0x10: {  	[tilespmem:s2], [sflag:$0x6] =	stream.linear.gather [hbm4b:s0+s2], $0x200, $0x38;
	[tilespmem:$0x18280] =	vst v63  }
0x11: {  	_ =	swait.ge [sflag:s11], $0x200  }
0x12: {  	[sflag:s11] =	ssyncset.done $0x0  }
0x13: {  	[sflag:s11] =	ssyncadd.s32 $0xFFFFFE00  }
0x14: {  	[tilespmem:s4], [sflag:$0x1] =	stream.linear.gather [hbm4b:s5+s2], $0x4000, $0x38;
	[tilespmem:$0x18280] =	vst v63  }
0x15: {  	v0 =	vld [tilespmem:s2+$0x0];
	_ =	sdelay $0x4  }
0x16: {  	v0 =	vshll.u32 v0, $0x4  }
0x17: {  	(v2sf) =	vpush v0, $0x0  }
0x18: {  	(v2sf) =	vpush v0, $0x1  }
0x19: {  	(v2sf) =	vpush v0, $0x2;
	_ =	sdelay $0x1  }
0x1a: {  	(v2sf) =	vpush v0, $0x4;
	_ =	sdelay $0x1  }
0x1b: {  	(v2sf) =	vpush v0, $0x3  }
0x1c: {  	(v2sf) =	vpush v0, $0x5  }
0x1d: {  	s23 =	simm.s32 $0x2000;
	s22 =	simm.s32 $0x0;
	s24 =	simm.s32 $0x0;
	(v2sf) =	vpush v0, $0x6  }
.LBB2_2:
0x1e: {  	p0 =	sne.s32 s23, $0xE000  }
0x1f: {  	s12 =	sadd.s32 $0x8280, s22;
	s29 =	sadd.s32 $0x8780, s22;
	s25 =	smov.u32 s23  }
0x20: {  	s23 =	sadd.s32 $0x2000, s23;
	s0 =	sadd.s32 $0x8580, s22;
	s26 =	sadd.s32 $0x8800, s22;
	(v2sf) =	vpush v0, $0x7  }
0x21: {  	s19 =	sadd.s32 $0x8480, s22;
	s30 =	sadd.s32 $0x8600, s22;
	s28 =	sadd.s32 $0x8880, s22  }
0x22: {  	s13 =	sadd.s32 $0x8200, s22;
	s4 =	sadd.s32 $0x8400, s22;
	(v2sf) =	vpush v0, $0x8  }
0x23: {  	s21 =	simm.s32 $0x0;
	s6 =	sadd.s32 $0x8500, s22;
	s24 =	sadd.s32 $0x10, s24  }
0x24: {  	s7 =	sadd.s32 $0x8300, s22;
	s31 =	sadd.s32 $0x8700, s22;
	s1 =	spop (v2sf);
	(v2sf) =	vpush v0, $0x9  }
0x25: {  	s8 =	sand.u32 $0x1FFFFFF0, s1;
	s1 =	sadd.s32 $0x8680, s22;
	s9 =	spop (v2sf)  }
0x26: {  	s8 =	sadd.s32 s3, s8;
	s9 =	sand.u32 $0x1FFFFFF0, s9;
	s10 =	spop (v2sf);
	(v2sf) =	vpush v0, $0xA  }
0x27: {  	[tilespmem:s13], [sflag:$0x2] =	stream.linear.gather [hbm4b:s8+s21], $0x80, $0x38;
	[tilespmem:$0x18280] =	vst v63  }
0x28: {  	s8 =	sadd.s32 s3, s9;
	s9 =	sadd.s32 $0x8380, s22;
	s13 =	spop (v2sf);
	(v2sf) =	vpush v0, $0xB  }
0x29: {  	[tilespmem:s12], [sflag:$0x2] =	stream.linear.gather [hbm4b:s8+s21], $0x80, $0x38;
	[tilespmem:$0x18280] =	vst v63  }
0x2a: {  	s8 =	sand.u32 $0x1FFFFFF0, s10;
	s10 =	sand.u32 $0x1FFFFFF0, s13;
	s12 =	spop (v2sf);
	(v2sf) =	vpush v0, $0xC  }
0x2b: {  	s8 =	sadd.s32 s3, s8;
	s12 =	sand.u32 $0x1FFFFFF0, s12;
	s13 =	spop (v2sf)  }
0x2c: {  	[tilespmem:s7], [sflag:$0x2] =	stream.linear.gather [hbm4b:s8+s21], $0x80, $0x38;
	(v2sf) =	vpush v0, $0xD;
	[tilespmem:$0x18280] =	vst v63  }
0x2d: {  	s7 =	sadd.s32 s3, s12;
	s8 =	sand.u32 $0x1FFFFFF0, s13;
	s12 =	spop (v2sf)  }
0x2e: {  	[tilespmem:s9], [sflag:$0x2] =	stream.linear.gather [hbm4b:s7+s21], $0x80, $0x38;
	(v2sf) =	vpush v0, $0xE;
	[tilespmem:$0x18280] =	vst v63  }
0x2f: {  	s7 =	sadd.s32 s3, s10;
	s9 =	sand.u32 $0x1FFFFFF0, s12;
	s10 =	spop (v2sf)  }
0x30: {  	[tilespmem:s4], [sflag:$0x2] =	stream.linear.gather [hbm4b:s7+s21], $0x80, $0x38;
	(v2sf) =	vpush v0, $0xF;
	[tilespmem:$0x18280] =	vst v63  }
0x31: {  	s4 =	sadd.s32 s3, s8;
	s7 =	sand.u32 $0x1FFFFFF0, s10;
	s8 =	spop (v2sf)  }
0x32: {  	[tilespmem:s19], [sflag:$0x2] =	stream.linear.gather [hbm4b:s4+s21], $0x80, $0x38;
	[tilespmem:$0x18280] =	vst v63  }
0x33: {  	s4 =	sadd.s32 s3, s9;
	s8 =	sand.u32 $0x1FFFFFF0, s8;
	s9 =	spop (v2sf)  }
0x34: {  	[tilespmem:s6], [sflag:$0x2] =	stream.linear.gather [hbm4b:s4+s21], $0x80, $0x38;
	[tilespmem:$0x18280] =	vst v63  }
0x35: {  	s4 =	sadd.s32 s3, s7;
	s6 =	sand.u32 $0x1FFFFFF0, s9;
	s7 =	spop (v2sf)  }
0x36: {  	[tilespmem:s0], [sflag:$0x2] =	stream.linear.gather [hbm4b:s4+s21], $0x80, $0x38;
	[tilespmem:$0x18280] =	vst v63  }
0x37: {  	s0 =	sadd.s32 s3, s8;
	s4 =	sand.u32 $0x1FFFFFF0, s7;
	s7 =	spop (v2sf)  }
0x38: {  	[tilespmem:s30], [sflag:$0x2] =	stream.linear.gather [hbm4b:s0+s21], $0x80, $0x38;
	[tilespmem:$0x18280] =	vst v63  }
0x39: {  	s0 =	sadd.s32 s3, s6;
	s6 =	sand.u32 $0x1FFFFFF0, s7;
	s7 =	spop (v2sf)  }
0x3a: {  	[tilespmem:s1], [sflag:$0x2] =	stream.linear.gather [hbm4b:s0+s21], $0x80, $0x38;
	[tilespmem:$0x18280] =	vst v63  }
0x3b: {  	s0 =	sadd.s32 s3, s4;
	s1 =	sand.u32 $0x1FFFFFF0, s7;
	s4 =	spop (v2sf)  }
0x3c: {  	[tilespmem:s31], [sflag:$0x2] =	stream.linear.gather [hbm4b:s0+s21], $0x80, $0x38;
	[tilespmem:$0x18280] =	vst v63  }
0x3d: {  	s0 =	sadd.s32 s3, s6;
	s4 =	sand.u32 $0x1FFFFFF0, s4;
	s6 =	spop (v2sf)  }
0x3e: {  	[tilespmem:s29], [sflag:$0x2] =	stream.linear.gather [hbm4b:s0+s21], $0x80, $0x38;
	[tilespmem:$0x18280] =	vst v63  }
0x3f: {  	s0 =	sadd.s32 s3, s1;
	s1 =	sand.u32 $0x1FFFFFF0, s6;
	s6 =	spop (v2sf)  }
0x40: {  	[tilespmem:s26], [sflag:$0x2] =	stream.linear.gather [hbm4b:s0+s21], $0x80, $0x38;
	[tilespmem:$0x18280] =	vst v63  }
0x41: {  	s0 =	sadd.s32 s3, s4;
	s4 =	sand.u32 $0x1FFFFFF0, s6  }
0x42: {  	[tilespmem:s28], [sflag:$0x2] =	stream.linear.gather [hbm4b:s0+s21], $0x80, $0x38;
	[tilespmem:$0x18280] =	vst v63  }
0x43: {  	s1 =	sadd.s32 s3, s1;
	s0 =	sadd.s32 $0x8900, s22  }
0x44: {  	[tilespmem:s0], [sflag:$0x2] =	stream.linear.gather [hbm4b:s1+s21], $0x80, $0x38;
	[tilespmem:$0x18280] =	vst v63  }
0x45: {  	s0 =	sadd.s32 $0x8980, s22;
	s1 =	sadd.s32 s3, s4  }
0x46: {  	[tilespmem:s0], [sflag:$0x2] =	stream.linear.gather [hbm4b:s1+s21], $0x80, $0x38;
	[tilespmem:$0x18280] =	vst v63  }
0x47: {  	v0 =	vld [tilespmem:s24+$0x0];
	_ =	sdelay $0x4  }
0x48: {  	v0 =	vshll.u32 v0, $0x4  }
0x49: {  	(v2sf) =	vpush v0, $0x0  }
0x4a: {  	(v2sf) =	vpush v0, $0x1  }
0x4b: {  	(v2sf) =	vpush v0, $0x2;
	_ =	sdelay $0x1  }
0x4c: {  	(v2sf) =	vpush v0, $0x4  }
.Ltmp0:
0x4d: {  	(pc) =	sbr.rel @p0 .LBB2_2-.Ltmp0, $3  }
0x4e: {  	(v2sf) =	vpush v0, $0x3  }
0x4f: {  	(v2sf) =	vpush v0, $0x5;
	_ =	sdelay $0x1  }
0x50: {  	s22 =	sshra.s32 s25, $0x2;
	(v2sf) =	vpush v0, $0x6  }
0x51: {  	_ =	sdelay $0x1  }
0x52: {  	s1 =	sadd.s32 $0x8280, s22;
	s24 =	sadd.s32 $0x8780, s22  }
0x53: {  	s4 =	sadd.s32 $0x8580, s22;
	s0 =	sadd.s32 $0x8800, s22;
	(v2sf) =	vpush v0, $0x7;
	s6 =	sadd.s32 $0x8480, s22  }
0x54: {  	s7 =	sadd.s32 $0x8600, s22;
	s23 =	sadd.s32 $0x8880, s22;
	s8 =	sadd.s32 $0x8200, s22  }
0x55: {  	s9 =	sadd.s32 $0x8400, s22;
	s10 =	sadd.s32 $0x8500, s22;
	(v2sf) =	vpush v0, $0x8;
	s12 =	spop (v2sf)  }
0x56: {  	s13 =	sadd.s32 $0x8300, s22;
	s12 =	sand.u32 $0x1FFFFFF0, s12;
	s19 =	spop (v2sf)  }
0x57: {  	(v2sf) =	vpush v0, $0x9;
	s12 =	sadd.s32 s3, s12;
	s19 =	sand.u32 $0x1FFFFFF0, s19;
	s25 =	spop (v2sf)  }
0x58: {  	[tilespmem:s8], [sflag:$0x2] =	stream.linear.gather [hbm4b:s12+s21], $0x80, $0x38;
	[tilespmem:$0x18280] =	vst v63  }
0x59: {  	(v2sf) =	vpush v0, $0xA;
	s26 =	sadd.s32 s3, s19;
	s29 =	sand.u32 $0x1FFFFFF0, s25;
	s28 =	spop (v2sf)  }
0x5a: {  	[tilespmem:s1], [sflag:$0x2] =	stream.linear.gather [hbm4b:s26+s21], $0x80, $0x38;
	[tilespmem:$0x18280] =	vst v63  }
0x5b: {  	s8 =	sadd.s32 $0x8700, s22;
	(v2sf) =	vpush v0, $0xB;
	s12 =	sadd.s32 s3, s29;
	s30 =	spop (v2sf)  }
0x5c: {  	s1 =	sadd.s32 $0x8680, s22;
	s26 =	sadd.s32 $0x8380, s22;
	s25 =	sand.u32 $0x1FFFFFF0, s30  }
0x5d: {  	(v2sf) =	vpush v0, $0xC;
	[tilespmem:s13], [sflag:$0x2] =	stream.linear.gather [hbm4b:s12+s21], $0x80, $0x38;
	[tilespmem:$0x18280] =	vst v63  }
0x5e: {  	s31 =	sand.u32 $0x1FFFFFF0, s28;
	s28 =	spop (v2sf);
	s29 =	sadd.s32 s3, s25  }
0x5f: {  	(v2sf) =	vpush v0, $0xD;
	[tilespmem:s26], [sflag:$0x2] =	stream.linear.gather [hbm4b:s29+s21], $0x80, $0x38;
	[tilespmem:$0x18280] =	vst v63  }
0x60: {  	s12 =	sadd.s32 s3, s31;
	s13 =	sand.u32 $0x1FFFFFF0, s28;
	s30 =	spop (v2sf)  }
0x61: {  	(v2sf) =	vpush v0, $0xE;
	[tilespmem:s9], [sflag:$0x2] =	stream.linear.gather [hbm4b:s12+s21], $0x80, $0x38;
	[tilespmem:$0x18280] =	vst v63  }
0x62: {  	s13 =	sadd.s32 s3, s13;
	s31 =	sand.u32 $0x1FFFFFF0, s30;
	s19 =	spop (v2sf)  }
0x63: {  	(v2sf) =	vpush v0, $0xF;
	[tilespmem:s6], [sflag:$0x2] =	stream.linear.gather [hbm4b:s13+s21], $0x80, $0x38;
	[tilespmem:$0x18280] =	vst v63  }
0x64: {  	s25 =	sand.u32 $0x1FFFFFF0, s19;
	s26 =	spop (v2sf);
	s9 =	sadd.s32 s3, s31  }
0x65: {  	[tilespmem:s10], [sflag:$0x2] =	stream.linear.gather [hbm4b:s9+s21], $0x80, $0x38;
	[tilespmem:$0x18280] =	vst v63  }
0x66: {  	s28 =	sand.u32 $0x1FFFFFF0, s26;
	s6 =	sadd.s32 s3, s25;
	s29 =	spop (v2sf)  }
0x67: {  	[tilespmem:s4], [sflag:$0x2] =	stream.linear.gather [hbm4b:s6+s21], $0x80, $0x38;
	[tilespmem:$0x18280] =	vst v63  }
0x68: {  	s9 =	sadd.s32 s3, s28;
	s30 =	sand.u32 $0x1FFFFFF0, s29;
	s31 =	spop (v2sf)  }
0x69: {  	[tilespmem:s7], [sflag:$0x2] =	stream.linear.gather [hbm4b:s9+s21], $0x80, $0x38;
	[tilespmem:$0x18280] =	vst v63  }
0x6a: {  	s6 =	sand.u32 $0x1FFFFFF0, s31;
	s4 =	sadd.s32 s3, s30;
	s10 =	spop (v2sf)  }
0x6b: {  	[tilespmem:s1], [sflag:$0x2] =	stream.linear.gather [hbm4b:s4+s21], $0x80, $0x38;
	[tilespmem:$0x18280] =	vst v63  }
0x6c: {  	s6 =	sadd.s32 s3, s6;
	s12 =	sand.u32 $0x1FFFFFF0, s10;
	s13 =	spop (v2sf)  }
0x6d: {  	[tilespmem:s8], [sflag:$0x2] =	stream.linear.gather [hbm4b:s6+s21], $0x80, $0x38;
	[tilespmem:$0x18280] =	vst v63  }
0x6e: {  	s1 =	sadd.s32 s3, s12;
	s4 =	sand.u32 $0x1FFFFFF0, s13;
	s19 =	spop (v2sf)  }
0x6f: {  	[tilespmem:s24], [sflag:$0x2] =	stream.linear.gather [hbm4b:s1+s21], $0x80, $0x38;
	[tilespmem:$0x18280] =	vst v63  }
0x70: {  	s4 =	sadd.s32 s3, s4;
	s25 =	spop (v2sf);
	s24 =	sand.u32 $0x1FFFFFF0, s19  }
0x71: {  	[tilespmem:s0], [sflag:$0x2] =	stream.linear.gather [hbm4b:s4+s21], $0x80, $0x38;
	[tilespmem:$0x18280] =	vst v63  }
0x72: {  	s26 =	sand.u32 $0x1FFFFFF0, s25;
	s28 =	spop (v2sf);
	s1 =	sadd.s32 s3, s24  }
0x73: {  	[tilespmem:s23], [sflag:$0x2] =	stream.linear.gather [hbm4b:s1+s21], $0x80, $0x38;
	[tilespmem:$0x18280] =	vst v63  }
0x74: {  	s30 =	sadd.s32 $0x8900, s22;
	s29 =	sand.u32 $0x1FFFFFF0, s28;
	s0 =	sadd.s32 s3, s26  }
0x75: {  	[tilespmem:s30], [sflag:$0x2] =	stream.linear.gather [hbm4b:s0+s21], $0x80, $0x38;
	[tilespmem:$0x18280] =	vst v63  }
0x76: {  	s31 =	sadd.s32 $0x8980, s22;
	s1 =	sadd.s32 s3, s29;
	s23 =	simm.s32 $0x80  }
0x77: {  	[tilespmem:s31], [sflag:$0x2] =	stream.linear.gather [hbm4b:s1+s21], $0x80, $0x38;
	[tilespmem:$0x18280] =	vst v63  }
0x78: {  	v0 =	vld [tilespmem:s23+$0x0];
	_ =	sdelay $0x4  }
0x79: {  	v0 =	vshll.u32 v0, $0x4  }
0x7a: {  	(v2sf) =	vpush v0, $0x0  }
0x7b: {  	(v2sf) =	vpush v0, $0x1  }
0x7c: {  	(v2sf) =	vpush v0, $0x2;
	_ =	sdelay $0x1  }
0x7d: {  	(v2sf) =	vpush v0, $0x4;
	_ =	sdelay $0x1  }
0x7e: {  	(v2sf) =	vpush v0, $0x3  }
0x7f: {  	(v2sf) =	vpush v0, $0x5  }
0x80: {  	s22 =	simm.s32 $0x0;
	s24 =	simm.s32 $0x2000;
	(v2sf) =	vpush v0, $0x6  }
.LBB2_4:
0x81: {  	p0 =	sne.s32 s24, $0xE000  }
0x82: {  	s4 =	sadd.s32 $0xC280, s22;
	s29 =	sadd.s32 $0xC780, s22;
	s25 =	smov.u32 s24  }
0x83: {  	s24 =	sadd.s32 $0x2000, s24;
	s31 =	sadd.s32 $0xC580, s22;
	s26 =	sadd.s32 $0xC800, s22;
	(v2sf) =	vpush v0, $0x7  }
0x84: {  	s19 =	sadd.s32 $0xC480, s22;
	s0 =	sadd.s32 $0xC600, s22;
	s28 =	sadd.s32 $0xC880, s22  }
0x85: {  	s6 =	sadd.s32 $0xC200, s22;
	s7 =	sadd.s32 $0xC400, s22;
	(v2sf) =	vpush v0, $0x8  }
0x86: {  	s8 =	sadd.s32 $0xC500, s22;
	s23 =	sadd.s32 $0x10, s23  }
0x87: {  	s9 =	sadd.s32 $0xC300, s22;
	s30 =	sadd.s32 $0xC700, s22;
	s1 =	spop (v2sf);
	(v2sf) =	vpush v0, $0x9  }
0x88: {  	s10 =	sand.u32 $0x1FFFFFF0, s1;
	s1 =	sadd.s32 $0xC680, s22;
	s12 =	spop (v2sf)  }
0x89: {  	s10 =	sadd.s32 s3, s10;
	s12 =	sand.u32 $0x1FFFFFF0, s12;
	s13 =	spop (v2sf);
	(v2sf) =	vpush v0, $0xA  }
0x8a: {  	[tilespmem:s6], [sflag:$0x3] =	stream.linear.gather [hbm4b:s10+s21], $0x80, $0x38;
	[tilespmem:$0x18280] =	vst v63  }
0x8b: {  	s6 =	sadd.s32 s3, s12;
	s10 =	sadd.s32 $0xC380, s22;
	s12 =	spop (v2sf);
	(v2sf) =	vpush v0, $0xB  }
0x8c: {  	[tilespmem:s4], [sflag:$0x3] =	stream.linear.gather [hbm4b:s6+s21], $0x80, $0x38;
	[tilespmem:$0x18280] =	vst v63  }
0x8d: {  	s4 =	sand.u32 $0x1FFFFFF0, s13;
	s6 =	sand.u32 $0x1FFFFFF0, s12;
	s12 =	spop (v2sf);
	(v2sf) =	vpush v0, $0xC  }
0x8e: {  	s4 =	sadd.s32 s3, s4;
	s12 =	sand.u32 $0x1FFFFFF0, s12;
	s13 =	spop (v2sf)  }
0x8f: {  	[tilespmem:s9], [sflag:$0x3] =	stream.linear.gather [hbm4b:s4+s21], $0x80, $0x38;
	(v2sf) =	vpush v0, $0xD;
	[tilespmem:$0x18280] =	vst v63  }
0x90: {  	s4 =	sadd.s32 s3, s12;
	s9 =	sand.u32 $0x1FFFFFF0, s13;
	s12 =	spop (v2sf)  }
0x91: {  	[tilespmem:s10], [sflag:$0x3] =	stream.linear.gather [hbm4b:s4+s21], $0x80, $0x38;
	(v2sf) =	vpush v0, $0xE;
	[tilespmem:$0x18280] =	vst v63  }
0x92: {  	s4 =	sadd.s32 s3, s6;
	s6 =	sand.u32 $0x1FFFFFF0, s12;
	s10 =	spop (v2sf)  }
0x93: {  	[tilespmem:s7], [sflag:$0x3] =	stream.linear.gather [hbm4b:s4+s21], $0x80, $0x38;
	(v2sf) =	vpush v0, $0xF;
	[tilespmem:$0x18280] =	vst v63  }
0x94: {  	s4 =	sadd.s32 s3, s9;
	s7 =	sand.u32 $0x1FFFFFF0, s10;
	s9 =	spop (v2sf)  }
0x95: {  	[tilespmem:s19], [sflag:$0x3] =	stream.linear.gather [hbm4b:s4+s21], $0x80, $0x38;
	[tilespmem:$0x18280] =	vst v63  }
0x96: {  	s4 =	sadd.s32 s3, s6;
	s6 =	sand.u32 $0x1FFFFFF0, s9;
	s9 =	spop (v2sf)  }
0x97: {  	[tilespmem:s8], [sflag:$0x3] =	stream.linear.gather [hbm4b:s4+s21], $0x80, $0x38;
	[tilespmem:$0x18280] =	vst v63  }
0x98: {  	s4 =	sadd.s32 s3, s7;
	s7 =	sand.u32 $0x1FFFFFF0, s9;
	s8 =	spop (v2sf)  }
0x99: {  	[tilespmem:s31], [sflag:$0x3] =	stream.linear.gather [hbm4b:s4+s21], $0x80, $0x38;
	[tilespmem:$0x18280] =	vst v63  }
0x9a: {  	s4 =	sadd.s32 s3, s6;
	s6 =	sand.u32 $0x1FFFFFF0, s8;
	s8 =	spop (v2sf)  }
0x9b: {  	[tilespmem:s0], [sflag:$0x3] =	stream.linear.gather [hbm4b:s4+s21], $0x80, $0x38;
	[tilespmem:$0x18280] =	vst v63  }
0x9c: {  	s0 =	sadd.s32 s3, s7;
	s4 =	sand.u32 $0x1FFFFFF0, s8;
	s7 =	spop (v2sf)  }
0x9d: {  	[tilespmem:s1], [sflag:$0x3] =	stream.linear.gather [hbm4b:s0+s21], $0x80, $0x38;
	[tilespmem:$0x18280] =	vst v63  }
0x9e: {  	s0 =	sadd.s32 s3, s6;
	s1 =	sand.u32 $0x1FFFFFF0, s7;
	s6 =	spop (v2sf)  }
0x9f: {  	[tilespmem:s30], [sflag:$0x3] =	stream.linear.gather [hbm4b:s0+s21], $0x80, $0x38;
	[tilespmem:$0x18280] =	vst v63  }
0xa0: {  	s0 =	sadd.s32 s3, s4;
	s4 =	sand.u32 $0x1FFFFFF0, s6;
	s6 =	spop (v2sf)  }
0xa1: {  	[tilespmem:s29], [sflag:$0x3] =	stream.linear.gather [hbm4b:s0+s21], $0x80, $0x38;
	[tilespmem:$0x18280] =	vst v63  }
0xa2: {  	s0 =	sadd.s32 s3, s1;
	s1 =	sand.u32 $0x1FFFFFF0, s6;
	s6 =	spop (v2sf)  }
0xa3: {  	[tilespmem:s26], [sflag:$0x3] =	stream.linear.gather [hbm4b:s0+s21], $0x80, $0x38;
	[tilespmem:$0x18280] =	vst v63  }
0xa4: {  	s0 =	sadd.s32 s3, s4;
	s4 =	sand.u32 $0x1FFFFFF0, s6  }
0xa5: {  	[tilespmem:s28], [sflag:$0x3] =	stream.linear.gather [hbm4b:s0+s21], $0x80, $0x38;
	[tilespmem:$0x18280] =	vst v63  }
0xa6: {  	s1 =	sadd.s32 s3, s1;
	s0 =	sadd.s32 $0xC900, s22  }
0xa7: {  	[tilespmem:s0], [sflag:$0x3] =	stream.linear.gather [hbm4b:s1+s21], $0x80, $0x38;
	[tilespmem:$0x18280] =	vst v63  }
0xa8: {  	s0 =	sadd.s32 $0xC980, s22;
	s1 =	sadd.s32 s3, s4  }
0xa9: {  	[tilespmem:s0], [sflag:$0x3] =	stream.linear.gather [hbm4b:s1+s21], $0x80, $0x38;
	[tilespmem:$0x18280] =	vst v63  }
0xaa: {  	v0 =	vld [tilespmem:s23+$0x0];
	_ =	sdelay $0x4  }
0xab: {  	v0 =	vshll.u32 v0, $0x4  }
0xac: {  	(v2sf) =	vpush v0, $0x0  }
0xad: {  	(v2sf) =	vpush v0, $0x1  }
0xae: {  	(v2sf) =	vpush v0, $0x2;
	_ =	sdelay $0x1  }
0xaf: {  	(v2sf) =	vpush v0, $0x4  }
.Ltmp1:
0xb0: {  	(pc) =	sbr.rel @p0 .LBB2_4-.Ltmp1, $3  }
0xb1: {  	(v2sf) =	vpush v0, $0x3  }
0xb2: {  	(v2sf) =	vpush v0, $0x5;
	_ =	sdelay $0x1  }
0xb3: {  	s22 =	sshra.s32 s25, $0x2;
	(v2sf) =	vpush v0, $0x6  }
0xb4: {  	_ =	sdelay $0x1  }
0xb5: {  	s1 =	sadd.s32 $0xC280, s22;
	s24 =	sadd.s32 $0xC780, s22  }
0xb6: {  	s4 =	sadd.s32 $0xC580, s22;
	s0 =	sadd.s32 $0xC800, s22;
	(v2sf) =	vpush v0, $0x7;
	s6 =	sadd.s32 $0xC480, s22  }
0xb7: {  	s7 =	sadd.s32 $0xC600, s22;
	s23 =	sadd.s32 $0xC880, s22;
	s8 =	sadd.s32 $0xC200, s22  }
0xb8: {  	s9 =	sadd.s32 $0xC400, s22;
	s10 =	sadd.s32 $0xC500, s22;
	(v2sf) =	vpush v0, $0x8;
	s12 =	spop (v2sf)  }
0xb9: {  	s13 =	sadd.s32 $0xC300, s22;
	s12 =	sand.u32 $0x1FFFFFF0, s12;
	s19 =	spop (v2sf)  }
0xba: {  	(v2sf) =	vpush v0, $0x9;
	s12 =	sadd.s32 s3, s12;
	s19 =	sand.u32 $0x1FFFFFF0, s19;
	s25 =	spop (v2sf)  }
0xbb: {  	[tilespmem:s8], [sflag:$0x3] =	stream.linear.gather [hbm4b:s12+s21], $0x80, $0x38;
	[tilespmem:$0x18280] =	vst v63  }
0xbc: {  	(v2sf) =	vpush v0, $0xA;
	s26 =	sadd.s32 s3, s19;
	s29 =	sand.u32 $0x1FFFFFF0, s25;
	s28 =	spop (v2sf)  }
0xbd: {  	[tilespmem:s1], [sflag:$0x3] =	stream.linear.gather [hbm4b:s26+s21], $0x80, $0x38;
	[tilespmem:$0x18280] =	vst v63  }
0xbe: {  	s8 =	sadd.s32 $0xC700, s22;
	(v2sf) =	vpush v0, $0xB;
	s12 =	sadd.s32 s3, s29;
	s30 =	spop (v2sf)  }
0xbf: {  	s1 =	sadd.s32 $0xC680, s22;
	s26 =	sadd.s32 $0xC380, s22;
	s25 =	sand.u32 $0x1FFFFFF0, s30  }
0xc0: {  	(v2sf) =	vpush v0, $0xC;
	[tilespmem:s13], [sflag:$0x3] =	stream.linear.gather [hbm4b:s12+s21], $0x80, $0x38;
	[tilespmem:$0x18280] =	vst v63  }
0xc1: {  	s31 =	sand.u32 $0x1FFFFFF0, s28;
	s28 =	spop (v2sf);
	s29 =	sadd.s32 s3, s25  }
0xc2: {  	(v2sf) =	vpush v0, $0xD;
	[tilespmem:s26], [sflag:$0x3] =	stream.linear.gather [hbm4b:s29+s21], $0x80, $0x38;
	[tilespmem:$0x18280] =	vst v63  }
0xc3: {  	s12 =	sadd.s32 s3, s31;
	s13 =	sand.u32 $0x1FFFFFF0, s28;
	s30 =	spop (v2sf)  }
0xc4: {  	(v2sf) =	vpush v0, $0xE;
	[tilespmem:s9], [sflag:$0x3] =	stream.linear.gather [hbm4b:s12+s21], $0x80, $0x38;
	[tilespmem:$0x18280] =	vst v63  }
0xc5: {  	s13 =	sadd.s32 s3, s13;
	s31 =	sand.u32 $0x1FFFFFF0, s30;
	s19 =	spop (v2sf)  }
0xc6: {  	(v2sf) =	vpush v0, $0xF;
	[tilespmem:s6], [sflag:$0x3] =	stream.linear.gather [hbm4b:s13+s21], $0x80, $0x38;
	[tilespmem:$0x18280] =	vst v63  }
0xc7: {  	s25 =	sand.u32 $0x1FFFFFF0, s19;
	s26 =	spop (v2sf);
	s9 =	sadd.s32 s3, s31  }
0xc8: {  	[tilespmem:s10], [sflag:$0x3] =	stream.linear.gather [hbm4b:s9+s21], $0x80, $0x38;
	[tilespmem:$0x18280] =	vst v63  }
0xc9: {  	s28 =	sand.u32 $0x1FFFFFF0, s26;
	s6 =	sadd.s32 s3, s25;
	s29 =	spop (v2sf)  }
0xca: {  	[tilespmem:s4], [sflag:$0x3] =	stream.linear.gather [hbm4b:s6+s21], $0x80, $0x38;
	[tilespmem:$0x18280] =	vst v63  }
0xcb: {  	s9 =	sadd.s32 s3, s28;
	s30 =	sand.u32 $0x1FFFFFF0, s29;
	s31 =	spop (v2sf)  }
0xcc: {  	[tilespmem:s7], [sflag:$0x3] =	stream.linear.gather [hbm4b:s9+s21], $0x80, $0x38;
	[tilespmem:$0x18280] =	vst v63  }
0xcd: {  	s6 =	sand.u32 $0x1FFFFFF0, s31;
	s4 =	sadd.s32 s3, s30;
	s10 =	spop (v2sf)  }
0xce: {  	[tilespmem:s1], [sflag:$0x3] =	stream.linear.gather [hbm4b:s4+s21], $0x80, $0x38;
	[tilespmem:$0x18280] =	vst v63  }
0xcf: {  	s6 =	sadd.s32 s3, s6;
	s12 =	sand.u32 $0x1FFFFFF0, s10;
	s13 =	spop (v2sf)  }
0xd0: {  	[tilespmem:s8], [sflag:$0x3] =	stream.linear.gather [hbm4b:s6+s21], $0x80, $0x38;
	[tilespmem:$0x18280] =	vst v63  }
0xd1: {  	s1 =	sadd.s32 s3, s12;
	s4 =	sand.u32 $0x1FFFFFF0, s13;
	s19 =	spop (v2sf)  }
0xd2: {  	[tilespmem:s24], [sflag:$0x3] =	stream.linear.gather [hbm4b:s1+s21], $0x80, $0x38;
	[tilespmem:$0x18280] =	vst v63  }
0xd3: {  	s4 =	sadd.s32 s3, s4;
	s25 =	spop (v2sf);
	s24 =	sand.u32 $0x1FFFFFF0, s19  }
0xd4: {  	[tilespmem:s0], [sflag:$0x3] =	stream.linear.gather [hbm4b:s4+s21], $0x80, $0x38;
	[tilespmem:$0x18280] =	vst v63  }
0xd5: {  	s26 =	sand.u32 $0x1FFFFFF0, s25;
	s28 =	spop (v2sf);
	s1 =	sadd.s32 s3, s24  }
0xd6: {  	[tilespmem:s23], [sflag:$0x3] =	stream.linear.gather [hbm4b:s1+s21], $0x80, $0x38;
	[tilespmem:$0x18280] =	vst v63  }
0xd7: {  	s30 =	sadd.s32 $0xC900, s22;
	s29 =	sand.u32 $0x1FFFFFF0, s28;
	s0 =	sadd.s32 s3, s26  }
0xd8: {  	[tilespmem:s30], [sflag:$0x3] =	stream.linear.gather [hbm4b:s0+s21], $0x80, $0x38;
	[tilespmem:$0x18280] =	vst v63  }
0xd9: {  	s31 =	sadd.s32 $0xC980, s22;
	s1 =	sadd.s32 s3, s29;
	s23 =	simm.s32 $0x100  }
0xda: {  	[tilespmem:s31], [sflag:$0x3] =	stream.linear.gather [hbm4b:s1+s21], $0x80, $0x38;
	[tilespmem:$0x18280] =	vst v63  }
0xdb: {  	v0 =	vld [tilespmem:s23+$0x0];
	_ =	sdelay $0x4  }
0xdc: {  	v0 =	vshll.u32 v0, $0x4  }
0xdd: {  	(v2sf) =	vpush v0, $0x0  }
0xde: {  	(v2sf) =	vpush v0, $0x1  }
0xdf: {  	(v2sf) =	vpush v0, $0x2;
	_ =	sdelay $0x1  }
0xe0: {  	(v2sf) =	vpush v0, $0x4;
	_ =	sdelay $0x1  }
0xe1: {  	(v2sf) =	vpush v0, $0x3  }
0xe2: {  	(v2sf) =	vpush v0, $0x5  }
0xe3: {  	s22 =	simm.s32 $0x0;
	s24 =	simm.s32 $0x2000;
	(v2sf) =	vpush v0, $0x6  }
.LBB2_6:
0xe4: {  	p0 =	sne.s32 s24, $0xE000  }
0xe5: {  	s4 =	sadd.s32 $0x10280, s22;
	s29 =	sadd.s32 $0x10780, s22;
	s25 =	smov.u32 s24  }
0xe6: {  	s24 =	sadd.s32 $0x2000, s24;
	s0 =	sadd.s32 $0x10580, s22;
	s26 =	sadd.s32 $0x10800, s22;
	(v2sf) =	vpush v0, $0x7  }
0xe7: {  	s19 =	sadd.s32 $0x10480, s22;
	s30 =	sadd.s32 $0x10600, s22;
	s28 =	sadd.s32 $0x10880, s22  }
0xe8: {  	s6 =	sadd.s32 $0x10200, s22;
	s7 =	sadd.s32 $0x10400, s22;
	(v2sf) =	vpush v0, $0x8  }
0xe9: {  	s21 =	simm.s32 $0x0;
	s8 =	sadd.s32 $0x10500, s22;
	s23 =	sadd.s32 $0x10, s23  }
0xea: {  	s9 =	sadd.s32 $0x10300, s22;
	s31 =	sadd.s32 $0x10700, s22;
	s1 =	spop (v2sf);
	(v2sf) =	vpush v0, $0x9  }
0xeb: {  	s10 =	sand.u32 $0x1FFFFFF0, s1;
	s1 =	sadd.s32 $0x10680, s22;
	s12 =	spop (v2sf)  }
0xec: {  	s10 =	sadd.s32 s3, s10;
	s12 =	sand.u32 $0x1FFFFFF0, s12;
	s13 =	spop (v2sf);
	(v2sf) =	vpush v0, $0xA  }
0xed: {  	[tilespmem:s6], [sflag:$0x4] =	stream.linear.gather [hbm4b:s10+s21], $0x80, $0x38;
	[tilespmem:$0x18280] =	vst v63  }
0xee: {  	s6 =	sadd.s32 s3, s12;
	s10 =	sadd.s32 $0x10380, s22;
	s12 =	spop (v2sf);
	(v2sf) =	vpush v0, $0xB  }
0xef: {  	[tilespmem:s4], [sflag:$0x4] =	stream.linear.gather [hbm4b:s6+s21], $0x80, $0x38;
	[tilespmem:$0x18280] =	vst v63  }
0xf0: {  	s4 =	sand.u32 $0x1FFFFFF0, s13;
	s6 =	sand.u32 $0x1FFFFFF0, s12;
	s12 =	spop (v2sf);
	(v2sf) =	vpush v0, $0xC  }
0xf1: {  	s4 =	sadd.s32 s3, s4;
	s12 =	sand.u32 $0x1FFFFFF0, s12;
	s13 =	spop (v2sf)  }
0xf2: {  	[tilespmem:s9], [sflag:$0x4] =	stream.linear.gather [hbm4b:s4+s21], $0x80, $0x38;
	(v2sf) =	vpush v0, $0xD;
	[tilespmem:$0x18280] =	vst v63  }
0xf3: {  	s4 =	sadd.s32 s3, s12;
	s9 =	sand.u32 $0x1FFFFFF0, s13;
	s12 =	spop (v2sf)  }
0xf4: {  	[tilespmem:s10], [sflag:$0x4] =	stream.linear.gather [hbm4b:s4+s21], $0x80, $0x38;
	(v2sf) =	vpush v0, $0xE;
	[tilespmem:$0x18280] =	vst v63  }
0xf5: {  	s4 =	sadd.s32 s3, s6;
	s6 =	sand.u32 $0x1FFFFFF0, s12;
	s10 =	spop (v2sf)  }
0xf6: {  	[tilespmem:s7], [sflag:$0x4] =	stream.linear.gather [hbm4b:s4+s21], $0x80, $0x38;
	(v2sf) =	vpush v0, $0xF;
	[tilespmem:$0x18280] =	vst v63  }
0xf7: {  	s4 =	sadd.s32 s3, s9;
	s7 =	sand.u32 $0x1FFFFFF0, s10;
	s9 =	spop (v2sf)  }
0xf8: {  	[tilespmem:s19], [sflag:$0x4] =	stream.linear.gather [hbm4b:s4+s21], $0x80, $0x38;
	[tilespmem:$0x18280] =	vst v63  }
0xf9: {  	s4 =	sadd.s32 s3, s6;
	s6 =	sand.u32 $0x1FFFFFF0, s9;
	s9 =	spop (v2sf)  }
0xfa: {  	[tilespmem:s8], [sflag:$0x4] =	stream.linear.gather [hbm4b:s4+s21], $0x80, $0x38;
	[tilespmem:$0x18280] =	vst v63  }
0xfb: {  	s4 =	sadd.s32 s3, s7;
	s7 =	sand.u32 $0x1FFFFFF0, s9;
	s8 =	spop (v2sf)  }
0xfc: {  	[tilespmem:s0], [sflag:$0x4] =	stream.linear.gather [hbm4b:s4+s21], $0x80, $0x38;
	[tilespmem:$0x18280] =	vst v63  }
0xfd: {  	s0 =	sadd.s32 s3, s6;
	s4 =	sand.u32 $0x1FFFFFF0, s8;
	s6 =	spop (v2sf)  }
0xfe: {  	[tilespmem:s30], [sflag:$0x4] =	stream.linear.gather [hbm4b:s0+s21], $0x80, $0x38;
	[tilespmem:$0x18280] =	vst v63  }
0xff: {  	s0 =	sadd.s32 s3, s7;
	s6 =	sand.u32 $0x1FFFFFF0, s6;
	s7 =	spop (v2sf)  }
0x100: {  	[tilespmem:s1], [sflag:$0x4] =	stream.linear.gather [hbm4b:s0+s21], $0x80, $0x38;
	[tilespmem:$0x18280] =	vst v63  }
0x101: {  	s0 =	sadd.s32 s3, s4;
	s1 =	sand.u32 $0x1FFFFFF0, s7;
	s4 =	spop (v2sf)  }
0x102: {  	[tilespmem:s31], [sflag:$0x4] =	stream.linear.gather [hbm4b:s0+s21], $0x80, $0x38;
	[tilespmem:$0x18280] =	vst v63  }
0x103: {  	s0 =	sadd.s32 s3, s6;
	s4 =	sand.u32 $0x1FFFFFF0, s4;
	s6 =	spop (v2sf)  }
0x104: {  	[tilespmem:s29], [sflag:$0x4] =	stream.linear.gather [hbm4b:s0+s21], $0x80, $0x38;
	[tilespmem:$0x18280] =	vst v63  }
0x105: {  	s0 =	sadd.s32 s3, s1;
	s1 =	sand.u32 $0x1FFFFFF0, s6;
	s6 =	spop (v2sf)  }
0x106: {  	[tilespmem:s26], [sflag:$0x4] =	stream.linear.gather [hbm4b:s0+s21], $0x80, $0x38;
	[tilespmem:$0x18280] =	vst v63  }
0x107: {  	s0 =	sadd.s32 s3, s4;
	s4 =	sand.u32 $0x1FFFFFF0, s6  }
0x108: {  	[tilespmem:s28], [sflag:$0x4] =	stream.linear.gather [hbm4b:s0+s21], $0x80, $0x38;
	[tilespmem:$0x18280] =	vst v63  }
0x109: {  	s1 =	sadd.s32 s3, s1;
	s0 =	sadd.s32 $0x10900, s22  }
0x10a: {  	[tilespmem:s0], [sflag:$0x4] =	stream.linear.gather [hbm4b:s1+s21], $0x80, $0x38;
	[tilespmem:$0x18280] =	vst v63  }
0x10b: {  	s0 =	sadd.s32 $0x10980, s22;
	s1 =	sadd.s32 s3, s4  }
0x10c: {  	[tilespmem:s0], [sflag:$0x4] =	stream.linear.gather [hbm4b:s1+s21], $0x80, $0x38;
	[tilespmem:$0x18280] =	vst v63  }
0x10d: {  	v0 =	vld [tilespmem:s23+$0x0];
	_ =	sdelay $0x4  }
0x10e: {  	v0 =	vshll.u32 v0, $0x4  }
0x10f: {  	(v2sf) =	vpush v0, $0x0  }
0x110: {  	(v2sf) =	vpush v0, $0x1  }
0x111: {  	(v2sf) =	vpush v0, $0x2;
	_ =	sdelay $0x1  }
0x112: {  	(v2sf) =	vpush v0, $0x4  }
.Ltmp2:
0x113: {  	(pc) =	sbr.rel @p0 .LBB2_6-.Ltmp2, $3  }
0x114: {  	(v2sf) =	vpush v0, $0x3  }
0x115: {  	(v2sf) =	vpush v0, $0x5;
	_ =	sdelay $0x1  }
0x116: {  	s22 =	sshra.s32 s25, $0x2;
	(v2sf) =	vpush v0, $0x6  }
0x117: {  	_ =	sdelay $0x1  }
0x118: {  	s1 =	sadd.s32 $0x10280, s22;
	s24 =	sadd.s32 $0x10780, s22  }
0x119: {  	s4 =	sadd.s32 $0x10580, s22;
	s0 =	sadd.s32 $0x10800, s22;
	(v2sf) =	vpush v0, $0x7;
	s6 =	sadd.s32 $0x10480, s22  }
0x11a: {  	s7 =	sadd.s32 $0x10600, s22;
	s23 =	sadd.s32 $0x10880, s22;
	s8 =	sadd.s32 $0x10200, s22  }
0x11b: {  	s9 =	sadd.s32 $0x10400, s22;
	s10 =	sadd.s32 $0x10500, s22;
	(v2sf) =	vpush v0, $0x8;
	s12 =	spop (v2sf)  }
0x11c: {  	s13 =	sadd.s32 $0x10300, s22;
	s12 =	sand.u32 $0x1FFFFFF0, s12;
	s19 =	spop (v2sf)  }
0x11d: {  	(v2sf) =	vpush v0, $0x9;
	s12 =	sadd.s32 s3, s12;
	s19 =	sand.u32 $0x1FFFFFF0, s19;
	s25 =	spop (v2sf)  }
0x11e: {  	[tilespmem:s8], [sflag:$0x4] =	stream.linear.gather [hbm4b:s12+s21], $0x80, $0x38;
	[tilespmem:$0x18280] =	vst v63  }
0x11f: {  	(v2sf) =	vpush v0, $0xA;
	s26 =	sadd.s32 s3, s19;
	s29 =	sand.u32 $0x1FFFFFF0, s25;
	s28 =	spop (v2sf)  }
0x120: {  	[tilespmem:s1], [sflag:$0x4] =	stream.linear.gather [hbm4b:s26+s21], $0x80, $0x38;
	[tilespmem:$0x18280] =	vst v63  }
0x121: {  	s8 =	sadd.s32 $0x10700, s22;
	(v2sf) =	vpush v0, $0xB;
	s12 =	sadd.s32 s3, s29;
	s30 =	spop (v2sf)  }
0x122: {  	s1 =	sadd.s32 $0x10680, s22;
	s26 =	sadd.s32 $0x10380, s22;
	s25 =	sand.u32 $0x1FFFFFF0, s30  }
0x123: {  	(v2sf) =	vpush v0, $0xC;
	[tilespmem:s13], [sflag:$0x4] =	stream.linear.gather [hbm4b:s12+s21], $0x80, $0x38;
	[tilespmem:$0x18280] =	vst v63  }
0x124: {  	s31 =	sand.u32 $0x1FFFFFF0, s28;
	s28 =	spop (v2sf);
	s29 =	sadd.s32 s3, s25  }
0x125: {  	(v2sf) =	vpush v0, $0xD;
	[tilespmem:s26], [sflag:$0x4] =	stream.linear.gather [hbm4b:s29+s21], $0x80, $0x38;
	[tilespmem:$0x18280] =	vst v63  }
0x126: {  	s12 =	sadd.s32 s3, s31;
	s13 =	sand.u32 $0x1FFFFFF0, s28;
	s30 =	spop (v2sf)  }
0x127: {  	(v2sf) =	vpush v0, $0xE;
	[tilespmem:s9], [sflag:$0x4] =	stream.linear.gather [hbm4b:s12+s21], $0x80, $0x38;
	[tilespmem:$0x18280] =	vst v63  }
0x128: {  	s13 =	sadd.s32 s3, s13;
	s31 =	sand.u32 $0x1FFFFFF0, s30;
	s19 =	spop (v2sf)  }
0x129: {  	(v2sf) =	vpush v0, $0xF;
	[tilespmem:s6], [sflag:$0x4] =	stream.linear.gather [hbm4b:s13+s21], $0x80, $0x38;
	[tilespmem:$0x18280] =	vst v63  }
0x12a: {  	s25 =	sand.u32 $0x1FFFFFF0, s19;
	s26 =	spop (v2sf);
	s9 =	sadd.s32 s3, s31  }
0x12b: {  	[tilespmem:s10], [sflag:$0x4] =	stream.linear.gather [hbm4b:s9+s21], $0x80, $0x38;
	[tilespmem:$0x18280] =	vst v63  }
0x12c: {  	s28 =	sand.u32 $0x1FFFFFF0, s26;
	s6 =	sadd.s32 s3, s25;
	s29 =	spop (v2sf)  }
0x12d: {  	[tilespmem:s4], [sflag:$0x4] =	stream.linear.gather [hbm4b:s6+s21], $0x80, $0x38;
	[tilespmem:$0x18280] =	vst v63  }
0x12e: {  	s9 =	sadd.s32 s3, s28;
	s30 =	sand.u32 $0x1FFFFFF0, s29;
	s31 =	spop (v2sf)  }
0x12f: {  	[tilespmem:s7], [sflag:$0x4] =	stream.linear.gather [hbm4b:s9+s21], $0x80, $0x38;
	[tilespmem:$0x18280] =	vst v63  }
0x130: {  	s6 =	sand.u32 $0x1FFFFFF0, s31;
	s4 =	sadd.s32 s3, s30;
	s10 =	spop (v2sf)  }
0x131: {  	[tilespmem:s1], [sflag:$0x4] =	stream.linear.gather [hbm4b:s4+s21], $0x80, $0x38;
	[tilespmem:$0x18280] =	vst v63  }
0x132: {  	s6 =	sadd.s32 s3, s6;
	s12 =	sand.u32 $0x1FFFFFF0, s10;
	s13 =	spop (v2sf)  }
0x133: {  	[tilespmem:s8], [sflag:$0x4] =	stream.linear.gather [hbm4b:s6+s21], $0x80, $0x38;
	[tilespmem:$0x18280] =	vst v63  }
0x134: {  	s1 =	sadd.s32 s3, s12;
	s4 =	sand.u32 $0x1FFFFFF0, s13;
	s19 =	spop (v2sf)  }
0x135: {  	[tilespmem:s24], [sflag:$0x4] =	stream.linear.gather [hbm4b:s1+s21], $0x80, $0x38;
	[tilespmem:$0x18280] =	vst v63  }
0x136: {  	s4 =	sadd.s32 s3, s4;
	s25 =	spop (v2sf);
	s24 =	sand.u32 $0x1FFFFFF0, s19  }
0x137: {  	[tilespmem:s0], [sflag:$0x4] =	stream.linear.gather [hbm4b:s4+s21], $0x80, $0x38;
	[tilespmem:$0x18280] =	vst v63  }
0x138: {  	s26 =	sand.u32 $0x1FFFFFF0, s25;
	s28 =	spop (v2sf);
	s1 =	sadd.s32 s3, s24  }
0x139: {  	[tilespmem:s23], [sflag:$0x4] =	stream.linear.gather [hbm4b:s1+s21], $0x80, $0x38;
	[tilespmem:$0x18280] =	vst v63  }
0x13a: {  	s30 =	sadd.s32 $0x10900, s22;
	s29 =	sand.u32 $0x1FFFFFF0, s28;
	s0 =	sadd.s32 s3, s26  }
0x13b: {  	[tilespmem:s30], [sflag:$0x4] =	stream.linear.gather [hbm4b:s0+s21], $0x80, $0x38;
	[tilespmem:$0x18280] =	vst v63  }
0x13c: {  	s31 =	sadd.s32 $0x10980, s22;
	s22 =	simm.s32 $0x180;
	s1 =	sadd.s32 s3, s29  }
0x13d: {  	[tilespmem:s31], [sflag:$0x4] =	stream.linear.gather [hbm4b:s1+s21], $0x80, $0x38;
	[tilespmem:$0x18280] =	vst v63  }
0x13e: {  	v0 =	vld [tilespmem:s22+$0x0];
	_ =	sdelay $0x4  }
0x13f: {  	v0 =	vshll.u32 v0, $0x4  }
0x140: {  	(v2sf) =	vpush v0, $0x0  }
0x141: {  	(v2sf) =	vpush v0, $0x1  }
0x142: {  	(v2sf) =	vpush v0, $0x2;
	_ =	sdelay $0x1  }
0x143: {  	(v2sf) =	vpush v0, $0x4;
	_ =	sdelay $0x1  }
0x144: {  	(v2sf) =	vpush v0, $0x3  }
0x145: {  	(v2sf) =	vpush v0, $0x5  }
0x146: {  	s23 =	simm.s32 $0x2000;
	s21 =	simm.s32 $0x0;
	(v2sf) =	vpush v0, $0x6  }
.LBB2_8:
0x147: {  	p0 =	sne.s32 s23, $0xE000  }
0x148: {  	s4 =	sadd.s32 $0x14280, s21;
	s28 =	sadd.s32 $0x14780, s21;
	s24 =	smov.u32 s23  }
0x149: {  	s23 =	sadd.s32 $0x2000, s23;
	s30 =	sadd.s32 $0x14580, s21;
	s25 =	sadd.s32 $0x14800, s21;
	(v2sf) =	vpush v0, $0x7  }
0x14a: {  	s19 =	sadd.s32 $0x14480, s21;
	s0 =	sadd.s32 $0x14600, s21;
	s26 =	sadd.s32 $0x14880, s21  }
0x14b: {  	s6 =	sadd.s32 $0x14200, s21;
	s7 =	sadd.s32 $0x14400, s21;
	(v2sf) =	vpush v0, $0x8  }
0x14c: {  	s8 =	sadd.s32 $0x14500, s21;
	s22 =	sadd.s32 $0x10, s22  }
0x14d: {  	s9 =	sadd.s32 $0x14300, s21;
	s29 =	sadd.s32 $0x14700, s21;
	s1 =	spop (v2sf);
	(v2sf) =	vpush v0, $0x9  }
0x14e: {  	s10 =	sand.u32 $0x1FFFFFF0, s1;
	s1 =	sadd.s32 $0x14680, s21;
	s12 =	spop (v2sf)  }
0x14f: {  	s10 =	sadd.s32 s3, s10;
	s12 =	sand.u32 $0x1FFFFFF0, s12;
	s13 =	spop (v2sf);
	(v2sf) =	vpush v0, $0xA  }
0x150: {  	[tilespmem:s6], [sflag:$0x5] =	stream.linear.gather [hbm4b:s10+s2], $0x80, $0x38;
	[tilespmem:$0x18280] =	vst v63  }
0x151: {  	s6 =	sadd.s32 s3, s12;
	s10 =	sadd.s32 $0x14380, s21;
	s12 =	spop (v2sf);
	(v2sf) =	vpush v0, $0xB  }
0x152: {  	[tilespmem:s4], [sflag:$0x5] =	stream.linear.gather [hbm4b:s6+s2], $0x80, $0x38;
	[tilespmem:$0x18280] =	vst v63  }
0x153: {  	s4 =	sand.u32 $0x1FFFFFF0, s13;
	s6 =	sand.u32 $0x1FFFFFF0, s12;
	s12 =	spop (v2sf);
	(v2sf) =	vpush v0, $0xC  }
0x154: {  	s4 =	sadd.s32 s3, s4;
	s12 =	sand.u32 $0x1FFFFFF0, s12;
	s13 =	spop (v2sf)  }
0x155: {  	[tilespmem:s9], [sflag:$0x5] =	stream.linear.gather [hbm4b:s4+s2], $0x80, $0x38;
	(v2sf) =	vpush v0, $0xD;
	[tilespmem:$0x18280] =	vst v63  }
0x156: {  	s4 =	sadd.s32 s3, s12;
	s9 =	sand.u32 $0x1FFFFFF0, s13;
	s12 =	spop (v2sf)  }
0x157: {  	[tilespmem:s10], [sflag:$0x5] =	stream.linear.gather [hbm4b:s4+s2], $0x80, $0x38;
	(v2sf) =	vpush v0, $0xE;
	[tilespmem:$0x18280] =	vst v63  }
0x158: {  	s4 =	sadd.s32 s3, s6;
	s6 =	sand.u32 $0x1FFFFFF0, s12;
	s10 =	spop (v2sf)  }
0x159: {  	[tilespmem:s7], [sflag:$0x5] =	stream.linear.gather [hbm4b:s4+s2], $0x80, $0x38;
	(v2sf) =	vpush v0, $0xF;
	[tilespmem:$0x18280] =	vst v63  }
0x15a: {  	s4 =	sadd.s32 s3, s9;
	s7 =	sand.u32 $0x1FFFFFF0, s10;
	s9 =	spop (v2sf)  }
0x15b: {  	[tilespmem:s19], [sflag:$0x5] =	stream.linear.gather [hbm4b:s4+s2], $0x80, $0x38;
	[tilespmem:$0x18280] =	vst v63  }
0x15c: {  	s4 =	sadd.s32 s3, s6;
	s6 =	sand.u32 $0x1FFFFFF0, s9;
	s9 =	spop (v2sf)  }
0x15d: {  	[tilespmem:s8], [sflag:$0x5] =	stream.linear.gather [hbm4b:s4+s2], $0x80, $0x38;
	[tilespmem:$0x18280] =	vst v63  }
0x15e: {  	s4 =	sadd.s32 s3, s7;
	s7 =	sand.u32 $0x1FFFFFF0, s9;
	s8 =	spop (v2sf)  }
0x15f: {  	[tilespmem:s30], [sflag:$0x5] =	stream.linear.gather [hbm4b:s4+s2], $0x80, $0x38;
	[tilespmem:$0x18280] =	vst v63  }
0x160: {  	s4 =	sadd.s32 s3, s6;
	s6 =	sand.u32 $0x1FFFFFF0, s8;
	s8 =	spop (v2sf)  }
0x161: {  	[tilespmem:s0], [sflag:$0x5] =	stream.linear.gather [hbm4b:s4+s2], $0x80, $0x38;
	[tilespmem:$0x18280] =	vst v63  }
0x162: {  	s0 =	sadd.s32 s3, s7;
	s4 =	sand.u32 $0x1FFFFFF0, s8;
	s7 =	spop (v2sf)  }
0x163: {  	[tilespmem:s1], [sflag:$0x5] =	stream.linear.gather [hbm4b:s0+s2], $0x80, $0x38;
	[tilespmem:$0x18280] =	vst v63  }
0x164: {  	s0 =	sadd.s32 s3, s6;
	s1 =	sand.u32 $0x1FFFFFF0, s7;
	s6 =	spop (v2sf)  }
0x165: {  	[tilespmem:s29], [sflag:$0x5] =	stream.linear.gather [hbm4b:s0+s2], $0x80, $0x38;
	[tilespmem:$0x18280] =	vst v63  }
0x166: {  	s0 =	sadd.s32 s3, s4;
	s4 =	sand.u32 $0x1FFFFFF0, s6;
	s6 =	spop (v2sf)  }
0x167: {  	[tilespmem:s28], [sflag:$0x5] =	stream.linear.gather [hbm4b:s0+s2], $0x80, $0x38;
	[tilespmem:$0x18280] =	vst v63  }
0x168: {  	s0 =	sadd.s32 s3, s1;
	s1 =	sand.u32 $0x1FFFFFF0, s6;
	s6 =	spop (v2sf)  }
0x169: {  	[tilespmem:s25], [sflag:$0x5] =	stream.linear.gather [hbm4b:s0+s2], $0x80, $0x38;
	[tilespmem:$0x18280] =	vst v63  }
0x16a: {  	s0 =	sadd.s32 s3, s4;
	s4 =	sand.u32 $0x1FFFFFF0, s6  }
0x16b: {  	[tilespmem:s26], [sflag:$0x5] =	stream.linear.gather [hbm4b:s0+s2], $0x80, $0x38;
	[tilespmem:$0x18280] =	vst v63  }
0x16c: {  	s1 =	sadd.s32 s3, s1;
	s0 =	sadd.s32 $0x14900, s21  }
0x16d: {  	[tilespmem:s0], [sflag:$0x5] =	stream.linear.gather [hbm4b:s1+s2], $0x80, $0x38;
	[tilespmem:$0x18280] =	vst v63  }
0x16e: {  	s0 =	sadd.s32 $0x14980, s21;
	s1 =	sadd.s32 s3, s4  }
0x16f: {  	[tilespmem:s0], [sflag:$0x5] =	stream.linear.gather [hbm4b:s1+s2], $0x80, $0x38;
	[tilespmem:$0x18280] =	vst v63  }
0x170: {  	v0 =	vld [tilespmem:s22+$0x0];
	_ =	sdelay $0x4  }
0x171: {  	v0 =	vshll.u32 v0, $0x4  }
0x172: {  	(v2sf) =	vpush v0, $0x0  }
0x173: {  	(v2sf) =	vpush v0, $0x1  }
0x174: {  	(v2sf) =	vpush v0, $0x2;
	_ =	sdelay $0x1  }
0x175: {  	(v2sf) =	vpush v0, $0x4  }
.Ltmp3:
0x176: {  	(pc) =	sbr.rel @p0 .LBB2_8-.Ltmp3, $3  }
0x177: {  	(v2sf) =	vpush v0, $0x3  }
0x178: {  	(v2sf) =	vpush v0, $0x5;
	_ =	sdelay $0x1  }
0x179: {  	s21 =	sshra.s32 s24, $0x2;
	(v2sf) =	vpush v0, $0x6  }
0x17a: {  	_ =	sdelay $0x1  }
0x17b: {  	s1 =	sadd.s32 $0x14280, s21;
	s23 =	sadd.s32 $0x14780, s21  }
0x17c: {  	s4 =	sadd.s32 $0x14580, s21;
	s0 =	sadd.s32 $0x14800, s21;
	(v2sf) =	vpush v0, $0x7;
	s6 =	sadd.s32 $0x14480, s21  }
0x17d: {  	s7 =	sadd.s32 $0x14600, s21;
	s22 =	sadd.s32 $0x14880, s21;
	s8 =	sadd.s32 $0x14200, s21  }
0x17e: {  	s9 =	sadd.s32 $0x14400, s21;
	s10 =	sadd.s32 $0x14500, s21;
	(v2sf) =	vpush v0, $0x8;
	s12 =	spop (v2sf)  }
0x17f: {  	s13 =	sadd.s32 $0x14300, s21;
	s12 =	sand.u32 $0x1FFFFFF0, s12;
	s19 =	spop (v2sf)  }
0x180: {  	(v2sf) =	vpush v0, $0x9;
	s12 =	sadd.s32 s3, s12;
	s19 =	sand.u32 $0x1FFFFFF0, s19;
	s24 =	spop (v2sf)  }
0x181: {  	[tilespmem:s8], [sflag:$0x5] =	stream.linear.gather [hbm4b:s12+s2], $0x80, $0x38;
	[tilespmem:$0x18280] =	vst v63  }
0x182: {  	s25 =	sadd.s32 $0x14380, s21;
	(v2sf) =	vpush v0, $0xA;
	s28 =	sadd.s32 s3, s19;
	s29 =	spop (v2sf)  }
0x183: {  	[tilespmem:s1], [sflag:$0x5] =	stream.linear.gather [hbm4b:s28+s2], $0x80, $0x38;
	[tilespmem:$0x18280] =	vst v63  }
0x184: {  	s8 =	sadd.s32 $0x14700, s21;
	s30 =	sand.u32 $0x1FFFFFF0, s24;
	(v2sf) =	vpush v0, $0xB;
	s31 =	spop (v2sf)  }
0x185: {  	s12 =	sadd.s32 s3, s30;
	s1 =	sadd.s32 $0x14680, s21;
	s24 =	sand.u32 $0x1FFFFFF0, s31  }
0x186: {  	(v2sf) =	vpush v0, $0xC;
	[tilespmem:s13], [sflag:$0x5] =	stream.linear.gather [hbm4b:s12+s2], $0x80, $0x38;
	[tilespmem:$0x18280] =	vst v63  }
0x187: {  	s26 =	sand.u32 $0x1FFFFFF0, s29;
	s28 =	spop (v2sf);
	s29 =	sadd.s32 s3, s24  }
0x188: {  	(v2sf) =	vpush v0, $0xD;
	[tilespmem:s25], [sflag:$0x5] =	stream.linear.gather [hbm4b:s29+s2], $0x80, $0x38;
	[tilespmem:$0x18280] =	vst v63  }
0x189: {  	s12 =	sadd.s32 s3, s26;
	s13 =	sand.u32 $0x1FFFFFF0, s28;
	s30 =	spop (v2sf)  }
0x18a: {  	(v2sf) =	vpush v0, $0xE;
	[tilespmem:s9], [sflag:$0x5] =	stream.linear.gather [hbm4b:s12+s2], $0x80, $0x38;
	[tilespmem:$0x18280] =	vst v63  }
0x18b: {  	s13 =	sadd.s32 s3, s13;
	s31 =	sand.u32 $0x1FFFFFF0, s30;
	s19 =	spop (v2sf)  }
0x18c: {  	(v2sf) =	vpush v0, $0xF;
	[tilespmem:s6], [sflag:$0x5] =	stream.linear.gather [hbm4b:s13+s2], $0x80, $0x38;
	[tilespmem:$0x18280] =	vst v63  }
0x18d: {  	s24 =	sand.u32 $0x1FFFFFF0, s19;
	s25 =	spop (v2sf);
	s9 =	sadd.s32 s3, s31  }
0x18e: {  	[tilespmem:s10], [sflag:$0x5] =	stream.linear.gather [hbm4b:s9+s2], $0x80, $0x38;
	[tilespmem:$0x18280] =	vst v63  }
0x18f: {  	s26 =	sand.u32 $0x1FFFFFF0, s25;
	s6 =	sadd.s32 s3, s24;
	s28 =	spop (v2sf)  }
0x190: {  	[tilespmem:s4], [sflag:$0x5] =	stream.linear.gather [hbm4b:s6+s2], $0x80, $0x38;
	[tilespmem:$0x18280] =	vst v63  }
0x191: {  	s9 =	sadd.s32 s3, s26;
	s29 =	sand.u32 $0x1FFFFFF0, s28;
	s30 =	spop (v2sf)  }
0x192: {  	[tilespmem:s7], [sflag:$0x5] =	stream.linear.gather [hbm4b:s9+s2], $0x80, $0x38;
	[tilespmem:$0x18280] =	vst v63  }
0x193: {  	s6 =	sand.u32 $0x1FFFFFF0, s30;
	s4 =	sadd.s32 s3, s29;
	s31 =	spop (v2sf)  }
0x194: {  	[tilespmem:s1], [sflag:$0x5] =	stream.linear.gather [hbm4b:s4+s2], $0x80, $0x38;
	[tilespmem:$0x18280] =	vst v63  }
0x195: {  	s6 =	sadd.s32 s3, s6;
	s9 =	sand.u32 $0x1FFFFFF0, s31;
	s10 =	spop (v2sf)  }
0x196: {  	[tilespmem:s8], [sflag:$0x5] =	stream.linear.gather [hbm4b:s6+s2], $0x80, $0x38;
	[tilespmem:$0x18280] =	vst v63  }
0x197: {  	s1 =	sadd.s32 s3, s9;
	s4 =	sand.u32 $0x1FFFFFF0, s10;
	s12 =	spop (v2sf)  }
0x198: {  	[tilespmem:s23], [sflag:$0x5] =	stream.linear.gather [hbm4b:s1+s2], $0x80, $0x38;
	[tilespmem:$0x18280] =	vst v63  }
0x199: {  	s13 =	sand.u32 $0x1FFFFFF0, s12;
	s4 =	sadd.s32 s3, s4;
	s19 =	spop (v2sf)  }
0x19a: {  	[tilespmem:s0], [sflag:$0x5] =	stream.linear.gather [hbm4b:s4+s2], $0x80, $0x38;
	[tilespmem:$0x18280] =	vst v63  }
0x19b: {  	s23 =	sand.u32 $0x1FFFFFF0, s19;
	s24 =	spop (v2sf);
	s1 =	sadd.s32 s3, s13  }
0x19c: {  	[tilespmem:s22], [sflag:$0x5] =	stream.linear.gather [hbm4b:s1+s2], $0x80, $0x38;
	[tilespmem:$0x18280] =	vst v63  }
0x19d: {  	s26 =	sadd.s32 $0x14900, s21;
	s25 =	sand.u32 $0x1FFFFFF0, s24;
	s0 =	sadd.s32 s3, s23  }
0x19e: {  	[tilespmem:s26], [sflag:$0x5] =	stream.linear.gather [hbm4b:s0+s2], $0x80, $0x38;
	[tilespmem:$0x18280] =	vst v63  }
0x19f: {  	s28 =	sadd.s32 $0x14980, s21;
	s1 =	sadd.s32 s3, s25  }
0x1a0: {  	[tilespmem:s28], [sflag:$0x5] =	stream.linear.gather [hbm4b:s1+s2], $0x80, $0x38;
	[tilespmem:$0x18280] =	vst v63  }
0x1a1: {  	s29 =	simm.s32 $0x0;
	s30 =	rddreg [dreg:$0x4];
	s6 =	simm.s32 $0x4200  }
0x1a2: {  	[tilespmem:s6], [sflag:$0x1] =	stream.linear.gather [hbm4b:s30+s29], $0x4000, $0x38;
	[tilespmem:$0x18280] =	vst v63  }
0x1a3: {  	_ =	swait.ge [sflag:s14], $0x4000  }
0x1a4: {  	[sflag:s14] =	ssyncset.done $0x0  }
0x1a5: {  	[sflag:s14] =	ssyncadd.s32 $0xFFFFC000  }
0x1a6: {  	_ =	swait.ge [sflag:s15], $0x4000  }
0x1a7: {  	[sflag:s15] =	ssyncset.done $0x0  }
0x1a8: {  	s31 =	simm.s32 $0x0;
	[sflag:s15] =	ssyncadd.s32 $0xFFFFC000  }
0x1a9: {  	v0 =	vld [tilespmem:s31+$0x200]  }
0x1aa: {  	v2 =	vld [tilespmem:s31+$0x8200]  }
0x1ab: {  	v6 =	vld [tilespmem:s31+$0x210]  }
0x1ac: {  	v8 =	vld [tilespmem:s31+$0x8210]  }
0x1ad: {  	v1 =	vld [tilespmem:s31+$0x220]  }
0x1ae: {  	v4 =	vld [tilespmem:s31+$0x8220]  }
0x1af: {  	v3 =	vld [tilespmem:s31+$0x8230];
	v7 =	vsub.f32 v0, v2  }
0x1b0: {  	s0 =	simm.s32 $0x80;
	v0 =	vld [tilespmem:s31+$0x230]  }
0x1b1: {  	v5 =	vimm.f32 $0.0e+00;
	s1 =	simm.s32 $0x400;
	v2 =	vld [tilespmem:s0+$0x200];
	v6 =	vsub.f32 v6, v8;
	v7 =	vmul.f32 v7, v7  }
.LBB2_10:
0x1b2: {  	p0 =	sne.s32 s1, $0xFE00;
	v8 =	vld [tilespmem:s0+$0x8200]  }
0x1b3: {  	v9 =	vld [tilespmem:s0+$0x210];
	v5 =	vadd.f32 v7, v5;
	v6 =	vmul.f32 v6, v6;
	v4 =	vsub.f32 v1, v4  }
0x1b4: {  	v10 =	vld [tilespmem:s0+$0x8210]  }
.Ltmp4:
0x1b5: {  	v1 =	vld [tilespmem:s0+$0x220];
	v5 =	vadd.f32 v6, v5;
	v6 =	vmul.f32 v4, v4;
	v3 =	vsub.f32 v0, v3;
	(pc) =	sbr.rel @p0 .LBB2_10-.Ltmp4, $4  }
0x1b6: {  	v4 =	vld [tilespmem:s0+$0x8220]  }
0x1b7: {  	v7 =	vsub.f32 v2, v8;
	v0 =	vld [tilespmem:s0+$0x230];
	v5 =	vadd.f32 v6, v5;
	v8 =	vmul.f32 v3, v3  }
0x1b8: {  	v3 =	vld [tilespmem:s0+$0x8230];
	s0 =	sshra.s32 s1, $0x2  }
0x1b9: {  	s1 =	sadd.s32 $0x200, s1;
	v2 =	vld [tilespmem:s0+$0x200];
	v7 =	vmul.f32 v7, v7;
	v6 =	vsub.f32 v9, v10;
	v5 =	vadd.f32 v8, v5  }
0x1ba: {  	v8 =	vld [tilespmem:s0+$0x8200]  }
0x1bb: {  	v9 =	vld [tilespmem:s0+$0x210]  }
0x1bc: {  	v10 =	vld [tilespmem:s0+$0x8210]  }
0x1bd: {  	v11 =	vld [tilespmem:s0+$0x220]  }
0x1be: {  	v12 =	vld [tilespmem:s0+$0x8220]  }
0x1bf: {  	v13 =	vld [tilespmem:s0+$0x230];
	s30 =	simm.s32 $0x0;
	s1 =	rddreg [dreg:$0x5];
	s4 =	simm.s32 $0x200  }
0x1c0: {  	v14 =	vld [tilespmem:s0+$0x8230];
	[tilespmem:s4], [sflag:$0x1] =	stream.linear.gather [hbm4b:s1+s30], $0x4000, $0x38  }
0x1c1: {  	v5 =	vadd.f32 v7, v5;
	v1 =	vsub.f32 v1, v4;
	v4 =	vmul.f32 v6, v6;
	_ =	swait.ge [sflag:s14], $0x4000  }
0x1c2: {  	[sflag:s14] =	ssyncset.done $0x0  }
0x1c3: {  	v4 =	vadd.f32 v4, v5;
	v0 =	vsub.f32 v0, v3;
	v1 =	vmul.f32 v1, v1;
	[sflag:s14] =	ssyncadd.s32 $0xFFFFC000  }
0x1c4: {  	_ =	swait.ge [sflag:s16], $0x4000  }
0x1c5: {  	v2 =	vsub.f32 v2, v8;
	v1 =	vadd.f32 v1, v4;
	v0 =	vmul.f32 v0, v0;
	[sflag:s16] =	ssyncset.done $0x0  }
0x1c6: {  	s31 =	simm.s32 $0x0;
	[sflag:s16] =	ssyncadd.s32 $0xFFFFC000  }
0x1c7: {  	v3 =	vsub.f32 v9, v10;
	v2 =	vmul.f32 v2, v2;
	v0 =	vadd.f32 v0, v1;
	v1 =	vld [tilespmem:s31+$0x4200]  }
0x1c8: {  	v4 =	vld [tilespmem:s31+$0xC200]  }
0x1c9: {  	v6 =	vld [tilespmem:s31+$0x4210];
	v0 =	vadd.f32 v2, v0;
	v2 =	vmul.f32 v3, v3;
	v3 =	vsub.f32 v11, v12  }
0x1ca: {  	v8 =	vld [tilespmem:s31+$0xC210]  }
0x1cb: {  	v7 =	vsub.f32 v13, v14;
	v2 =	vadd.f32 v2, v0;
	v5 =	vmul.f32 v3, v3;
	v0 =	vld [tilespmem:s31+$0x4220]  }
0x1cc: {  	v3 =	vld [tilespmem:s31+$0xC220]  }
0x1cd: {  	v2 =	vadd.f32 v5, v2;
	v5 =	vmul.f32 v7, v7;
	v7 =	vsub.f32 v1, v4;
	v1 =	vld [tilespmem:s31+$0x4230]  }
0x1ce: {  	s0 =	simm.s32 $0x80;
	v4 =	vld [tilespmem:s31+$0xC230]  }
0x1cf: {  	s1 =	simm.s32 $0x400;
	v6 =	vsub.f32 v6, v8;
	v5 =	vadd.f32 v5, v2;
	v2 =	vld [tilespmem:s0+$0x4200];
	v7 =	vmul.f32 v7, v7  }
.LBB2_12:
0x1d0: {  	p0 =	sne.s32 s1, $0xFE00;
	v8 =	vld [tilespmem:s0+$0xC200]  }
0x1d1: {  	v9 =	vld [tilespmem:s0+$0x4210];
	v5 =	vadd.f32 v7, v5;
	v6 =	vmul.f32 v6, v6;
	v3 =	vsub.f32 v0, v3  }
0x1d2: {  	v10 =	vld [tilespmem:s0+$0xC210]  }
.Ltmp5:
0x1d3: {  	v0 =	vld [tilespmem:s0+$0x4220];
	v5 =	vadd.f32 v6, v5;
	v6 =	vmul.f32 v3, v3;
	v4 =	vsub.f32 v1, v4;
	(pc) =	sbr.rel @p0 .LBB2_12-.Ltmp5, $4  }
0x1d4: {  	v3 =	vld [tilespmem:s0+$0xC220]  }
0x1d5: {  	v7 =	vsub.f32 v2, v8;
	v1 =	vld [tilespmem:s0+$0x4230];
	v5 =	vadd.f32 v6, v5;
	v8 =	vmul.f32 v4, v4  }
0x1d6: {  	v4 =	vld [tilespmem:s0+$0xC230];
	s0 =	sshra.s32 s1, $0x2  }
0x1d7: {  	s1 =	sadd.s32 $0x200, s1;
	v2 =	vld [tilespmem:s0+$0x4200];
	v7 =	vmul.f32 v7, v7;
	v6 =	vsub.f32 v9, v10;
	v5 =	vadd.f32 v8, v5  }
0x1d8: {  	v8 =	vld [tilespmem:s0+$0xC200]  }
0x1d9: {  	v9 =	vld [tilespmem:s0+$0x4210]  }
0x1da: {  	v10 =	vld [tilespmem:s0+$0xC210]  }
0x1db: {  	v11 =	vld [tilespmem:s0+$0x4220]  }
0x1dc: {  	v12 =	vld [tilespmem:s0+$0xC220]  }
0x1dd: {  	v13 =	vld [tilespmem:s0+$0x4230];
	s30 =	simm.s32 $0x0;
	s1 =	rddreg [dreg:$0x6]  }
0x1de: {  	v14 =	vld [tilespmem:s0+$0xC230];
	[tilespmem:s6], [sflag:$0x1] =	stream.linear.gather [hbm4b:s1+s30], $0x4000, $0x38  }
0x1df: {  	v5 =	vadd.f32 v7, v5;
	v0 =	vsub.f32 v0, v3;
	v3 =	vmul.f32 v6, v6;
	_ =	swait.ge [sflag:s14], $0x4000  }
0x1e0: {  	[sflag:s14] =	ssyncset.done $0x0  }
0x1e1: {  	v3 =	vadd.f32 v3, v5;
	v1 =	vsub.f32 v1, v4;
	v0 =	vmul.f32 v0, v0;
	[sflag:s14] =	ssyncadd.s32 $0xFFFFC000  }
0x1e2: {  	_ =	swait.ge [sflag:s17], $0x4000  }
0x1e3: {  	v2 =	vsub.f32 v2, v8;
	v0 =	vadd.f32 v0, v3;
	v1 =	vmul.f32 v1, v1;
	[sflag:s17] =	ssyncset.done $0x0  }
0x1e4: {  	s31 =	simm.s32 $0x0;
	[sflag:s17] =	ssyncadd.s32 $0xFFFFC000  }
0x1e5: {  	v3 =	vsub.f32 v9, v10;
	v2 =	vmul.f32 v2, v2;
	v0 =	vadd.f32 v1, v0;
	v1 =	vld [tilespmem:s31+$0x200]  }
0x1e6: {  	v4 =	vld [tilespmem:s31+$0x10200]  }
0x1e7: {  	v6 =	vld [tilespmem:s31+$0x210];
	v0 =	vadd.f32 v2, v0;
	v2 =	vmul.f32 v3, v3;
	v3 =	vsub.f32 v11, v12  }
0x1e8: {  	v8 =	vld [tilespmem:s31+$0x10210]  }
0x1e9: {  	v7 =	vsub.f32 v13, v14;
	v2 =	vadd.f32 v2, v0;
	v5 =	vmul.f32 v3, v3;
	v0 =	vld [tilespmem:s31+$0x220]  }
0x1ea: {  	v3 =	vld [tilespmem:s31+$0x10220]  }
0x1eb: {  	v2 =	vadd.f32 v5, v2;
	v5 =	vmul.f32 v7, v7;
	v7 =	vsub.f32 v1, v4;
	v1 =	vld [tilespmem:s31+$0x230]  }
0x1ec: {  	s0 =	simm.s32 $0x80;
	v4 =	vld [tilespmem:s31+$0x10230]  }
0x1ed: {  	s1 =	simm.s32 $0x400;
	v6 =	vsub.f32 v6, v8;
	v5 =	vadd.f32 v5, v2;
	v2 =	vld [tilespmem:s0+$0x200];
	v7 =	vmul.f32 v7, v7  }
.LBB2_14:
0x1ee: {  	p0 =	sne.s32 s1, $0xFE00;
	v8 =	vld [tilespmem:s0+$0x10200]  }
0x1ef: {  	v9 =	vld [tilespmem:s0+$0x210];
	v5 =	vadd.f32 v7, v5;
	v6 =	vmul.f32 v6, v6;
	v3 =	vsub.f32 v0, v3  }
0x1f0: {  	v10 =	vld [tilespmem:s0+$0x10210]  }
.Ltmp6:
0x1f1: {  	v0 =	vld [tilespmem:s0+$0x220];
	v5 =	vadd.f32 v6, v5;
	v6 =	vmul.f32 v3, v3;
	v4 =	vsub.f32 v1, v4;
	(pc) =	sbr.rel @p0 .LBB2_14-.Ltmp6, $4  }
0x1f2: {  	v3 =	vld [tilespmem:s0+$0x10220]  }
0x1f3: {  	v7 =	vsub.f32 v2, v8;
	v1 =	vld [tilespmem:s0+$0x230];
	v5 =	vadd.f32 v6, v5;
	v8 =	vmul.f32 v4, v4  }
0x1f4: {  	v4 =	vld [tilespmem:s0+$0x10230];
	s0 =	sshra.s32 s1, $0x2  }
0x1f5: {  	s1 =	sadd.s32 $0x200, s1;
	v2 =	vld [tilespmem:s0+$0x200];
	v7 =	vmul.f32 v7, v7;
	v6 =	vsub.f32 v9, v10;
	v5 =	vadd.f32 v8, v5  }
0x1f6: {  	v8 =	vld [tilespmem:s0+$0x10200]  }
0x1f7: {  	v9 =	vld [tilespmem:s0+$0x210]  }
0x1f8: {  	v10 =	vld [tilespmem:s0+$0x10210]  }
0x1f9: {  	v11 =	vld [tilespmem:s0+$0x220]  }
0x1fa: {  	v12 =	vld [tilespmem:s0+$0x10220]  }
0x1fb: {  	v13 =	vld [tilespmem:s0+$0x230]  }
0x1fc: {  	v14 =	vld [tilespmem:s0+$0x10230];
	_ =	swait.ge [sflag:s14], $0x4000;
	v5 =	vadd.f32 v7, v5;
	v0 =	vsub.f32 v0, v3;
	v3 =	vmul.f32 v6, v6  }
0x1fd: {  	[sflag:s14] =	ssyncset.done $0x0  }
0x1fe: {  	[sflag:s14] =	ssyncadd.s32 $0xFFFFC000;
	v3 =	vadd.f32 v3, v5;
	v1 =	vsub.f32 v1, v4;
	v0 =	vmul.f32 v0, v0  }
0x1ff: {  	_ =	swait.ge [sflag:s18], $0x4000  }
0x200: {  	[sflag:s18] =	ssyncset.done $0x0;
	v2 =	vsub.f32 v2, v8;
	v0 =	vadd.f32 v0, v3;
	v1 =	vmul.f32 v1, v1  }
0x201: {  	s1 =	simm.s32 $0x0;
	[sflag:s18] =	ssyncadd.s32 $0xFFFFC000  }
0x202: {  	v3 =	vsub.f32 v9, v10;
	v4 =	vld [tilespmem:s1+$0x14200];
	v2 =	vmul.f32 v2, v2;
	v0 =	vadd.f32 v1, v0  }
0x203: {  	v1 =	vld [tilespmem:s1+$0x4200]  }
0x204: {  	v7 =	vld [tilespmem:s1+$0x4210];
	v0 =	vadd.f32 v2, v0;
	v2 =	vmul.f32 v3, v3;
	v3 =	vsub.f32 v11, v12  }
0x205: {  	v8 =	vld [tilespmem:s1+$0x14210]  }
0x206: {  	v6 =	vsub.f32 v13, v14;
	v5 =	vadd.f32 v2, v0;
	v3 =	vmul.f32 v3, v3;
	v0 =	vld [tilespmem:s1+$0x4220]  }
0x207: {  	v2 =	vld [tilespmem:s1+$0x14220]  }
0x208: {  	v3 =	vadd.f32 v3, v5;
	v5 =	vmul.f32 v6, v6;
	v6 =	vsub.f32 v1, v4;
	v1 =	vld [tilespmem:s1+$0x4230]  }
0x209: {  	s0 =	simm.s32 $0x80;
	v4 =	vld [tilespmem:s1+$0x14230]  }
0x20a: {  	v7 =	vsub.f32 v7, v8;
	s1 =	simm.s32 $0x400;
	v5 =	vadd.f32 v5, v3;
	v3 =	vld [tilespmem:s0+$0x4200];
	v6 =	vmul.f32 v6, v6  }
.LBB2_16:
0x20b: {  	p0 =	sne.s32 s1, $0xFE00;
	v8 =	vld [tilespmem:s0+$0x14200]  }
0x20c: {  	v9 =	vld [tilespmem:s0+$0x4210];
	v5 =	vadd.f32 v6, v5;
	v6 =	vmul.f32 v7, v7;
	v2 =	vsub.f32 v0, v2  }
0x20d: {  	v7 =	vld [tilespmem:s0+$0x14210]  }
.Ltmp7:
0x20e: {  	v0 =	vld [tilespmem:s0+$0x4220];
	v5 =	vadd.f32 v6, v5;
	v6 =	vmul.f32 v2, v2;
	v4 =	vsub.f32 v1, v4;
	(pc) =	sbr.rel @p0 .LBB2_16-.Ltmp7, $4  }
0x20f: {  	v2 =	vld [tilespmem:s0+$0x14220]  }
0x210: {  	v8 =	vsub.f32 v3, v8;
	v1 =	vld [tilespmem:s0+$0x4230];
	v5 =	vadd.f32 v6, v5;
	v10 =	vmul.f32 v4, v4  }
0x211: {  	v4 =	vld [tilespmem:s0+$0x14230];
	s0 =	sshra.s32 s1, $0x2  }
0x212: {  	s1 =	sadd.s32 $0x200, s1;
	v3 =	vld [tilespmem:s0+$0x4200];
	v6 =	vmul.f32 v8, v8;
	v7 =	vsub.f32 v9, v7;
	v5 =	vadd.f32 v10, v5  }
0x213: {  	v8 =	vld [tilespmem:s0+$0x14200]  }
0x214: {  	v9 =	vld [tilespmem:s0+$0x4210];
	v5 =	vadd.f32 v6, v5;
	v53 =	vmul.f32 v7, v7;
	v0 =	vsub.f32 v0, v2  }
0x215: {  	v54 =	vld [tilespmem:s0+$0x14210]  }
0x216: {  	v55 =	vld [tilespmem:s0+$0x4220];
	v5 =	vadd.f32 v53, v5;
	v0 =	vmul.f32 v0, v0;
	v1 =	vsub.f32 v1, v4  }
0x217: {  	v56 =	vld [tilespmem:s0+$0x14220]  }
0x218: {  	v57 =	vld [tilespmem:s0+$0x4230];
	v3 =	vsub.f32 v3, v8;
	v0 =	vadd.f32 v0, v5;
	v1 =	vmul.f32 v1, v1  }
0x219: {  	v58 =	vld [tilespmem:s0+$0x14230]  }
0x21a: {  	v2 =	vsub.f32 v9, v54;
	v3 =	vmul.f32 v3, v3;
	v0 =	vadd.f32 v1, v0;
	_ =	sdelay $0x1  }
0x21b: {  	v60 =	vsub.f32 v55, v56;
	v59 =	vmul.f32 v2, v2;
	v0 =	vadd.f32 v3, v0;
	_ =	sdelay $0x1  }
0x21c: {  	v62 =	vsub.f32 v57, v58;
	v61 =	vmul.f32 v60, v60;
	v0 =	vadd.f32 v59, v0;
	_ =	sdelay $0x1  }
0x21d: {  	v63 =	vmul.f32 v62, v62;
	v0 =	vadd.f32 v61, v0;
	_ =	sdelay $0x1  }
0x21e: {  	v0 =	vadd.f32 v63, v0;
	_ =	sdelay $0x1  }
0x21f: {  	v0 =	vmul.f32 $9.536743160e-07, v0;
	_ =	sdelay $0x1  }
0x220: {  	s30 =	rddreg [dreg:$0x7];
	s1 =	simm.s32 $0x18200;
	[tilespmem:$0x18200] =	vst v0  }
0x221: {  	[hbm4b:s30+s2] =	stream.linear.scatter [tilespmem:s1], [sflag:$0x6], $0x80, $0x38;
	[tilespmem:$0x18280] =	vst v63  }
0x222: {  	_ =	swait.ge [sflag:s11], $0x80  }
0x223: {  	s20 =	sadd.s32 $0x1, s20;
	s31 =	rddreg [dreg:$0x8]  }
0x224: {  	p0 =	sne.s32 s20, s31  }
.Ltmp8:
0x225: {  	_ = 	snop;
	(pc) =	sbr.rel @p0 .LBB2_1-.Ltmp8, $3  }
0x226: {  	_ =	sdelay $0x1  }
0x227: {  	[sflag:s11] =	ssyncset.done $0x0  }
0x228: {  	[sflag:s11] =	ssyncadd.s32 $0xFFFFFF80  }
0x229: {  	_ =	sfence.sel $0x180000  }
0x22a: {  	[bflag:$0x0] =	sbarrier.arrive $0xFFFF  }
0x22b: {  	_ =	strace $0x90000047  }
0x22c: {  	s0 =	stileid.u32;
	[bflag:$0x2] =	sbarrier.arrive $0xFFFF  }
0x22d: {  	p0 =	sne.s32 s0, $0x0;
	s0 =	rddreg [dreg:$0x2]  }
0x22e: {  	s0 =	sadd.s32 @!p0 $0x100000, s0  }
0x22f: {  	[sflag:s0] =	ssyncadd.tile.s32 @!p0 $0x1;
	_ =	shalt  }
.Lfunc_end2:
_tile_overlayer_lowered:
.L_overlay_start_2:
0x230: {  	(tag) =	ssettag $0x2  }
0x231: {  	s0 =	rddreg [dreg:$0x0];
	s2 =	stileid.u32  }
0x232: {  	s1 =	rddreg [dreg:$0x1];
	p0 =	sne.s32 s2, $0x0  }
0x233: {  	s3 =	rddreg [dreg:$0x2];
	[bflag:$0x3] =	sbarrier.arrive $0xFFFF;
	s2 =	simm.s32 @!p0 $0x1C06  }
0x234: {  	[timem:s3], [sflag:s2] =	dma.local @!p0 [hbm:s0], s1  }
0x235: {  	s0 =	simm.s32 @!p0 $0x6  }
0x236: {  	_ =	swait.ge @!p0 [sflag:s0], s1  }
0x237: {  	s1 =	ssub.s32 @!p0 $0x0, s1;
	[sflag:s0] =	ssyncset.done @!p0 $0x0  }
0x238: {  	[sflag:s0] =	ssyncadd.s32 @!p0 s1  }
0x239: {  	[bflag:$0x3] =	sbarrier.arrive $0xFFFF  }
0x23a: {  	_ =	shalt  }

</sc_bundles>
